<compile_context>
chip_gen: v7x
topology: tpu7x:2x2x1
jax: 0.10.2.dev20260603
libtpu: 0.0.44.dev20260713+nightly
codegen_flags: <defaults>
</compile_context>

<pallas_src>
import jax
import jax.numpy as jnp
from jax import lax
from jax.experimental import pallas as pl
from jax.experimental.pallas import tpu as pltpu
from jax.experimental.pallas import tpu_sc as plsc

B, D = 16384, 128
NT = 1000
_NC, _NS, _L = 2, 16, 16
NW = _NC * _NS
BPW = B // NW
CH = 128
NCH = BPW // CH
U = 4


def _body(xs_hbm, xn_hbm, ts_hbm, t1_hbm, t2_hbm, out_hbm,
          ts_v, t1_v, t2_v, s1_v, s2_v,
          xs0_v, xs1_v, xn0_v, xn1_v, o0_v, o1_v,
          ld0, ld1, st0, st1, pr):
    wid = lax.axis_index("s") * _NC + lax.axis_index("c")
    base = wid * BPW

    xs_b, xn_b, o_b = [xs0_v, xs1_v], [xn0_v, xn1_v], [o0_v, o1_v]
    lds, sts = [ld0, ld1], [st0, st1]
    ld_h, st_h = {}, {}

    def issue_load(c):
        bi = c % 2
        row0 = base + c * CH
        ld_h[c] = (
            pltpu.async_copy(xs_hbm.at[pl.ds(row0, CH)], xs_b[bi], lds[bi]),
            pltpu.async_copy(xn_hbm.at[pl.ds(row0, CH)], xn_b[bi], lds[bi]),
        )

    issue_load(0)
    issue_load(1)
    pro = (
        pltpu.async_copy(ts_hbm.at[pl.ds(base, BPW)], ts_v, pr),
        pltpu.async_copy(t1_hbm, t1_v, pr),
        pltpu.async_copy(t2_hbm, t2_v, pr),
    )
    for h in pro:
        h.wait()

    @plsc.parallel_loop(0, BPW // _L, step=1, unroll=4)
    def _coef(i):
        sl = pl.ds(i * _L, _L)
        idx = ts_v[sl]
        s1_v[sl] = plsc.load_gather(t1_v, [idx])
        s2_v[sl] = plsc.load_gather(t2_v, [idx])

    def compute(c):
        bi = c % 2
        xs_r, xn_r, o_r = xs_b[bi], xn_b[bi], o_b[bi]
        loc0 = c * CH

        @plsc.parallel_loop(0, CH, step=1, unroll=U)
        def _row(r):
            bidx = jnp.full((_L,), loc0 + r, dtype=jnp.int32)
            s1 = plsc.load_gather(s1_v, [bidx])
            s2 = plsc.load_gather(s2_v, [bidx])
            for j in range(D // _L):
                sl = pl.ds(j * _L, _L)
                o_r[r, sl] = s1 * xs_r[r, sl] + s2 * xn_r[r, sl]

    for c in range(NCH):
        if 1 < c + 1 < NCH:
            issue_load(c + 1)
        for h in ld_h.pop(c):
            h.wait()
        if c >= 2:
            st_h.pop(c - 2).wait()
        compute(c)
        st_h[c] = pltpu.async_copy(
            o_b[c % 2], out_hbm.at[pl.ds(base + c * CH, CH)], sts[c % 2])
    st_h.pop(NCH - 2).wait()
    st_h.pop(NCH - 1).wait()


def kernel(x_start, x_noise, timesteps,
           sqrt_alphas_cumprod, sqrt_one_minus_alphas_cumprod):
    run = pl.kernel(
        _body,
        mesh=plsc.VectorSubcoreMesh(core_axis_name="c", subcore_axis_name="s"),
        out_type=jax.ShapeDtypeStruct((B, D), jnp.float32),
        scratch_types=[
            pltpu.VMEM((BPW,), jnp.int32),
            pltpu.VMEM((NT,), jnp.float32),
            pltpu.VMEM((NT,), jnp.float32),
            pltpu.VMEM((BPW,), jnp.float32),
            pltpu.VMEM((BPW,), jnp.float32),
            pltpu.VMEM((CH, D), jnp.float32),
            pltpu.VMEM((CH, D), jnp.float32),
            pltpu.VMEM((CH, D), jnp.float32),
            pltpu.VMEM((CH, D), jnp.float32),
            pltpu.VMEM((CH, D), jnp.float32),
            pltpu.VMEM((CH, D), jnp.float32),
            pltpu.SemaphoreType.DMA,
            pltpu.SemaphoreType.DMA,
            pltpu.SemaphoreType.DMA,
            pltpu.SemaphoreType.DMA,
            pltpu.SemaphoreType.DMA,
        ],
        compiler_params=pltpu.CompilerParams(needs_layout_passes=False),
    )
    return run(x_start, x_noise, timesteps,
               sqrt_alphas_cumprod, sqrt_one_minus_alphas_cumprod)

# --- scband reference (transcript-rebuilt; emitter-appended) ---
"""Pipeline reference for scband-noise-scheduler-80874234184211 (READ-ONLY COPY).

The authoritative reference and input builder live on the scoring server;
editing this copy changes nothing except your own understanding.
"""

import jax, jax.numpy as jnp
import numpy as np

NUM_TIMESTEPS = 1000
BETA_START = 1e-4
BETA_END = 0.02
B, D = 16384, 128


def _make_schedule():
    betas = jnp.linspace(BETA_START, BETA_END, NUM_TIMESTEPS, dtype=jnp.float32)
    alphas = 1.0 - betas
    alphas_cumprod = jnp.cumprod(alphas, axis=0)
    sqrt_alphas_cumprod = jnp.sqrt(alphas_cumprod)
    sqrt_one_minus_alphas_cumprod = jnp.sqrt(1.0 - alphas_cumprod)
    return sqrt_alphas_cumprod, sqrt_one_minus_alphas_cumprod


def setup_inputs(seed: int = 0) -> dict:
    key = jax.random.key(seed)
    k1, k2, k3 = jax.random.split(key, 3)
    sqrt_ac, sqrt_1mac = _make_schedule()
    x_start = jax.random.normal(k1, (B, D), dtype=jnp.float32)
    x_noise = jax.random.normal(k2, (B, D), dtype=jnp.float32)
    timesteps = jax.random.randint(k3, (B,), 0, NUM_TIMESTEPS)
    return {
        "x_start": x_start,
        "x_noise": x_noise,
        "timesteps": timesteps,
        "sqrt_alphas_cumprod": sqrt_ac,
        "sqrt_one_minus_alphas_cumprod": sqrt_1mac,
    }


def reference(x_start, x_noise, timesteps, sqrt_alphas_cumprod, sqrt_one_minus_alphas_cumprod):
    # NoiseScheduler.add_noise: gather per-timestep coefficients from the
    # precomputed schedule buffers (embedding-style lookup), then broadcast.
    s1 = jnp.take(sqrt_alphas_cumprod, timesteps, axis=0).reshape(-1, 1)
    s2 = jnp.take(sqrt_one_minus_alphas_cumprod, timesteps, axis=0).reshape(-1, 1)
    return s1 * x_start + s2 * x_noise

if __name__ == "__main__":
    import jax
    _d = setup_inputs()
    print(jax.jit(kernel)(*tuple(_d.values())))

</pallas_src>

<mosaic_0001>
#map = affine_map<(d0, d1) -> (0, 0)>
#map1 = affine_map<(d0, d1) -> (0)>
module attributes {stable_mosaic.version = 14 : i64} {
  func.func @_body(%arg0: i32, %arg1: i32, %arg2: memref<16384x128xf32, #tpu.memory_space<hbm>>, %arg3: memref<16384x128xf32, #tpu.memory_space<hbm>>, %arg4: memref<16384xi32, #tpu.memory_space<hbm>>, %arg5: memref<1000xf32, #tpu.memory_space<hbm>>, %arg6: memref<1000xf32, #tpu.memory_space<hbm>>, %arg7: memref<16384x128xf32, #tpu.memory_space<hbm>>, %arg8: memref<512xi32, #tpu.memory_space<vmem>>, %arg9: memref<1000xf32, #tpu.memory_space<vmem>>, %arg10: memref<1000xf32, #tpu.memory_space<vmem>>, %arg11: memref<512xf32, #tpu.memory_space<vmem>>, %arg12: memref<512xf32, #tpu.memory_space<vmem>>, %arg13: memref<128x128xf32, #tpu.memory_space<vmem>>, %arg14: memref<128x128xf32, #tpu.memory_space<vmem>>, %arg15: memref<128x128xf32, #tpu.memory_space<vmem>>, %arg16: memref<128x128xf32, #tpu.memory_space<vmem>>, %arg17: memref<128x128xf32, #tpu.memory_space<vmem>>, %arg18: memref<128x128xf32, #tpu.memory_space<vmem>>, %arg19: memref<!tpu.dma_semaphore, #tpu.memory_space<semaphore_mem>>, %arg20: memref<!tpu.dma_semaphore, #tpu.memory_space<semaphore_mem>>, %arg21: memref<!tpu.dma_semaphore, #tpu.memory_space<semaphore_mem>>, %arg22: memref<!tpu.dma_semaphore, #tpu.memory_space<semaphore_mem>>, %arg23: memref<!tpu.dma_semaphore, #tpu.memory_space<semaphore_mem>>) attributes {dimension_semantics = [#tpu.dimension_semantics<core_parallel>, #tpu.dimension_semantics<subcore_parallel>], iteration_bounds = array<i64: 2, 16>, scalar_prefetch = 0 : i64, scratch_operands = 16 : i64, tpu.core_type = #tpu.core_type<sc_vector_subcore>, window_params = [{transform_indices = #map}, {transform_indices = #map}, {transform_indices = #map1}, {transform_indices = #map1}, {transform_indices = #map1}, {transform_indices = #map}]} {
    %mul3A = arith.constant 2 : i32
    %mul3A_0 = arith.muli %arg1, %mul3A : i32
    %add3A = arith.addi %mul3A_0, %arg0 : i32
    %mul3A_1 = arith.constant 512 : i32
    %mul3A_2 = arith.muli %add3A, %mul3A_1 : i32
    %add3A_3 = arith.constant 0 : i32
    %add3A_4 = arith.addi %mul3A_2, %add3A_3 : i32
    %dma_start3A = arith.constant 0 : i32
    %dma_start3A_5 = tpu.memref_slice %arg2[%add3A_4, %dma_start3A] : memref<16384x128xf32, #tpu.memory_space<hbm>> -> memref<128x128xf32, #tpu.memory_space<hbm>>
    %dma_start3A_6 = arith.constant 0 : i32
    %dma_start3A_7 = tpu.memref_slice %arg2[%add3A_4, %dma_start3A_6] : memref<16384x128xf32, #tpu.memory_space<hbm>> -> memref<128x128xf32, #tpu.memory_space<hbm>>
    tpu.enqueue_dma source(%dma_start3A_7 : memref<128x128xf32, #tpu.memory_space<hbm>>) target(%arg13 : memref<128x128xf32, #tpu.memory_space<vmem>>) target_semaphore(%arg19 : memref<!tpu.dma_semaphore, #tpu.memory_space<semaphore_mem>>)
    %dma_start3A_8 = arith.constant 0 : i32
    %dma_start3A_9 = tpu.memref_slice %arg3[%add3A_4, %dma_start3A_8] : memref<16384x128xf32, #tpu.memory_space<hbm>> -> memref<128x128xf32, #tpu.memory_space<hbm>>
    %dma_start3A_10 = arith.constant 0 : i32
    %dma_start3A_11 = tpu.memref_slice %arg3[%add3A_4, %dma_start3A_10] : memref<16384x128xf32, #tpu.memory_space<hbm>> -> memref<128x128xf32, #tpu.memory_space<hbm>>
    tpu.enqueue_dma source(%dma_start3A_11 : memref<128x128xf32, #tpu.memory_space<hbm>>) target(%arg15 : memref<128x128xf32, #tpu.memory_space<vmem>>) target_semaphore(%arg19 : memref<!tpu.dma_semaphore, #tpu.memory_space<semaphore_mem>>)
    %add3A_12 = arith.constant 128 : i32
    %add3A_13 = arith.addi %mul3A_2, %add3A_12 : i32
    %dma_start3A_14 = arith.constant 0 : i32
    %dma_start3A_15 = tpu.memref_slice %arg2[%add3A_13, %dma_start3A_14] : memref<16384x128xf32, #tpu.memory_space<hbm>> -> memref<128x128xf32, #tpu.memory_space<hbm>>
    %dma_start3A_16 = arith.constant 0 : i32
    %dma_start3A_17 = tpu.memref_slice %arg2[%add3A_13, %dma_start3A_16] : memref<16384x128xf32, #tpu.memory_space<hbm>> -> memref<128x128xf32, #tpu.memory_space<hbm>>
    tpu.enqueue_dma source(%dma_start3A_17 : memref<128x128xf32, #tpu.memory_space<hbm>>) target(%arg14 : memref<128x128xf32, #tpu.memory_space<vmem>>) target_semaphore(%arg20 : memref<!tpu.dma_semaphore, #tpu.memory_space<semaphore_mem>>)
    %dma_start3A_18 = arith.constant 0 : i32
    %dma_start3A_19 = tpu.memref_slice %arg3[%add3A_13, %dma_start3A_18] : memref<16384x128xf32, #tpu.memory_space<hbm>> -> memref<128x128xf32, #tpu.memory_space<hbm>>
    %dma_start3A_20 = arith.constant 0 : i32
    %dma_start3A_21 = tpu.memref_slice %arg3[%add3A_13, %dma_start3A_20] : memref<16384x128xf32, #tpu.memory_space<hbm>> -> memref<128x128xf32, #tpu.memory_space<hbm>>
    tpu.enqueue_dma source(%dma_start3A_21 : memref<128x128xf32, #tpu.memory_space<hbm>>) target(%arg16 : memref<128x128xf32, #tpu.memory_space<vmem>>) target_semaphore(%arg20 : memref<!tpu.dma_semaphore, #tpu.memory_space<semaphore_mem>>)
    %dma_start3A_22 = tpu.memref_slice %arg4[%mul3A_2] : memref<16384xi32, #tpu.memory_space<hbm>> -> memref<512xi32, #tpu.memory_space<hbm>>
    %dma_start3A_23 = tpu.memref_slice %arg4[%mul3A_2] : memref<16384xi32, #tpu.memory_space<hbm>> -> memref<512xi32, #tpu.memory_space<hbm>>
    tpu.enqueue_dma source(%dma_start3A_23 : memref<512xi32, #tpu.memory_space<hbm>>) target(%arg8 : memref<512xi32, #tpu.memory_space<vmem>>) target_semaphore(%arg23 : memref<!tpu.dma_semaphore, #tpu.memory_space<semaphore_mem>>)
    tpu.enqueue_dma source(%arg5 : memref<1000xf32, #tpu.memory_space<hbm>>) target(%arg9 : memref<1000xf32, #tpu.memory_space<vmem>>) target_semaphore(%arg23 : memref<!tpu.dma_semaphore, #tpu.memory_space<semaphore_mem>>)
    tpu.enqueue_dma source(%arg6 : memref<1000xf32, #tpu.memory_space<hbm>>) target(%arg10 : memref<1000xf32, #tpu.memory_space<vmem>>) target_semaphore(%arg23 : memref<!tpu.dma_semaphore, #tpu.memory_space<semaphore_mem>>)
    %dma_wait3A = tpu.memref_slice %arg4[%mul3A_2] : memref<16384xi32, #tpu.memory_space<hbm>> -> memref<512xi32, #tpu.memory_space<hbm>>
    %dma_wait3A_24 = tpu.memref_slice %arg4[%mul3A_2] : memref<16384xi32, #tpu.memory_space<hbm>> -> memref<512xi32, #tpu.memory_space<hbm>>
    tpu.wait_dma2 semaphore(%arg23 : memref<!tpu.dma_semaphore, #tpu.memory_space<semaphore_mem>>) src(%dma_wait3A_24 : memref<512xi32, #tpu.memory_space<hbm>>) dst(%arg8 : memref<512xi32, #tpu.memory_space<vmem>>)
    tpu.wait_dma2 semaphore(%arg23 : memref<!tpu.dma_semaphore, #tpu.memory_space<semaphore_mem>>) src(%arg5 : memref<1000xf32, #tpu.memory_space<hbm>>) dst(%arg9 : memref<1000xf32, #tpu.memory_space<vmem>>)
    tpu.wait_dma2 semaphore(%arg23 : memref<!tpu.dma_semaphore, #tpu.memory_space<semaphore_mem>>) src(%arg6 : memref<1000xf32, #tpu.memory_space<hbm>>) dst(%arg10 : memref<1000xf32, #tpu.memory_space<vmem>>)
    %parallel_loop3A = arith.constant 0 : i32
    %parallel_loop3A_25 = arith.constant 32 : i32
    %parallel_loop3A_26 = arith.constant 1 : i32
    scf.for %parallel_loop3A_131 = %parallel_loop3A to %parallel_loop3A_25 step %parallel_loop3A_26  : i32 {
      %parallel_loop3A_132 = arith.constant 16 : i32
      %parallel_loop3A_133 = arith.muli %parallel_loop3A_131, %parallel_loop3A_132 : i32
      %parallel_loop3A_134 = arith.index_cast %parallel_loop3A_133 : i32 to index
      %parallel_loop3A_135 = tpu.vector_load %arg8[%parallel_loop3A_134] {strides = array<i32>} : memref<512xi32, #tpu.memory_space<vmem>>, vector<16xi32>,
      %parallel_loop3A_136 = tpu.vector_load_idx %arg9[%parallel_loop3A_135] : memref<1000xf32, #tpu.memory_space<vmem>>[vector<16xi32>], vector<16xf32>,
      %parallel_loop3A_137 = arith.index_cast %parallel_loop3A_133 : i32 to index
      %parallel_loop3A_138 = tpu.vector_load %arg11[%parallel_loop3A_137] {strides = array<i32>} : memref<512xf32, #tpu.memory_space<vmem>>, vector<16xf32>,
      tpu.vector_store %arg11[%parallel_loop3A_137], %parallel_loop3A_136 {strides = array<i32>} : memref<512xf32, #tpu.memory_space<vmem>>, vector<16xf32>,
      %parallel_loop3A_139 = tpu.vector_load_idx %arg10[%parallel_loop3A_135] : memref<1000xf32, #tpu.memory_space<vmem>>[vector<16xi32>], vector<16xf32>,
      %parallel_loop3A_140 = arith.index_cast %parallel_loop3A_133 : i32 to index
      %parallel_loop3A_141 = tpu.vector_load %arg12[%parallel_loop3A_140] {strides = array<i32>} : memref<512xf32, #tpu.memory_space<vmem>>, vector<16xf32>,
      tpu.vector_store %arg12[%parallel_loop3A_140], %parallel_loop3A_139 {strides = array<i32>} : memref<512xf32, #tpu.memory_space<vmem>>, vector<16xf32>,
    } {sc.loop_unroll_factor = 4 : i64, sc.parallel_access}
    %dma_wait3A_27 = arith.constant 0 : i32
    %dma_wait3A_28 = tpu.memref_slice %arg2[%add3A_4, %dma_wait3A_27] : memref<16384x128xf32, #tpu.memory_space<hbm>> -> memref<128x128xf32, #tpu.memory_space<hbm>>
    %dma_wait3A_29 = arith.constant 0 : i32
    %dma_wait3A_30 = tpu.memref_slice %arg2[%add3A_4, %dma_wait3A_29] : memref<16384x128xf32, #tpu.memory_space<hbm>> -> memref<128x128xf32, #tpu.memory_space<hbm>>
    tpu.wait_dma2 semaphore(%arg19 : memref<!tpu.dma_semaphore, #tpu.memory_space<semaphore_mem>>) src(%dma_wait3A_30 : memref<128x128xf32, #tpu.memory_space<hbm>>) dst(%arg13 : memref<128x128xf32, #tpu.memory_space<vmem>>)
    %dma_wait3A_31 = arith.constant 0 : i32
    %dma_wait3A_32 = tpu.memref_slice %arg3[%add3A_4, %dma_wait3A_31] : memref<16384x128xf32, #tpu.memory_space<hbm>> -> memref<128x128xf32, #tpu.memory_space<hbm>>
    %dma_wait3A_33 = arith.constant 0 : i32
    %dma_wait3A_34 = tpu.memref_slice %arg3[%add3A_4, %dma_wait3A_33] : memref<16384x128xf32, #tpu.memory_space<hbm>> -> memref<128x128xf32, #tpu.memory_space<hbm>>
    tpu.wait_dma2 semaphore(%arg19 : memref<!tpu.dma_semaphore, #tpu.memory_space<semaphore_mem>>) src(%dma_wait3A_34 : memref<128x128xf32, #tpu.memory_space<hbm>>) dst(%arg15 : memref<128x128xf32, #tpu.memory_space<vmem>>)
    %parallel_loop3A_35 = arith.constant 0 : i32
    %parallel_loop3A_36 = arith.constant 128 : i32
    %parallel_loop3A_37 = arith.constant 1 : i32
    scf.for %parallel_loop3A_131 = %parallel_loop3A_35 to %parallel_loop3A_36 step %parallel_loop3A_37  : i32 {
      %parallel_loop3A_132 = arith.constant 0 : i32
      %parallel_loop3A_133 = arith.addi %parallel_loop3A_132, %parallel_loop3A_131 : i32
      %parallel_loop3A_134 = vector.broadcast %parallel_loop3A_133 : i32 to vector<16xi32>
      %parallel_loop3A_135 = tpu.vector_load_idx %arg11[%parallel_loop3A_134] : memref<512xf32, #tpu.memory_space<vmem>>[vector<16xi32>], vector<16xf32>,
      %parallel_loop3A_136 = tpu.vector_load_idx %arg12[%parallel_loop3A_134] : memref<512xf32, #tpu.memory_space<vmem>>[vector<16xi32>], vector<16xf32>,
      %parallel_loop3A_137 = arith.index_cast %parallel_loop3A_131 : i32 to index
      %parallel_loop3A_138 = arith.constant 0 : index
      %parallel_loop3A_139 = tpu.vector_load %arg13[%parallel_loop3A_137, %parallel_loop3A_138] {strides = array<i32>} : memref<128x128xf32, #tpu.memory_space<vmem>>, vector<16xf32>,
      %parallel_loop3A_140 = arith.mulf %parallel_loop3A_135, %parallel_loop3A_139 : vector<16xf32>
      %parallel_loop3A_141 = arith.index_cast %parallel_loop3A_131 : i32 to index
      %parallel_loop3A_142 = arith.constant 0 : index
      %parallel_loop3A_143 = tpu.vector_load %arg15[%parallel_loop3A_141, %parallel_loop3A_142] {strides = array<i32>} : memref<128x128xf32, #tpu.memory_space<vmem>>, vector<16xf32>,
      %parallel_loop3A_144 = arith.mulf %parallel_loop3A_136, %parallel_loop3A_143 : vector<16xf32>
      %parallel_loop3A_145 = arith.addf %parallel_loop3A_140, %parallel_loop3A_144 : vector<16xf32>
      %parallel_loop3A_146 = arith.index_cast %parallel_loop3A_131 : i32 to index
      %parallel_loop3A_147 = arith.constant 0 : index
      %parallel_loop3A_148 = tpu.vector_load %arg17[%parallel_loop3A_146, %parallel_loop3A_147] {strides = array<i32>} : memref<128x128xf32, #tpu.memory_space<vmem>>, vector<16xf32>,
      tpu.vector_store %arg17[%parallel_loop3A_146, %parallel_loop3A_147], %parallel_loop3A_145 {strides = array<i32>} : memref<128x128xf32, #tpu.memory_space<vmem>>, vector<16xf32>,
      %parallel_loop3A_149 = arith.index_cast %parallel_loop3A_131 : i32 to index
      %parallel_loop3A_150 = arith.constant 16 : index
      %parallel_loop3A_151 = tpu.vector_load %arg13[%parallel_loop3A_149, %parallel_loop3A_150] {strides = array<i32>} : memref<128x128xf32, #tpu.memory_space<vmem>>, vector<16xf32>,
      %parallel_loop3A_152 = arith.mulf %parallel_loop3A_135, %parallel_loop3A_151 : vector<16xf32>
      %parallel_loop3A_153 = arith.index_cast %parallel_loop3A_131 : i32 to index
      %parallel_loop3A_154 = arith.constant 16 : index
      %parallel_loop3A_155 = tpu.vector_load %arg15[%parallel_loop3A_153, %parallel_loop3A_154] {strides = array<i32>} : memref<128x128xf32, #tpu.memory_space<vmem>>, vector<16xf32>,
      %parallel_loop3A_156 = arith.mulf %parallel_loop3A_136, %parallel_loop3A_155 : vector<16xf32>
      %parallel_loop3A_157 = arith.addf %parallel_loop3A_152, %parallel_loop3A_156 : vector<16xf32>
      %parallel_loop3A_158 = arith.index_cast %parallel_loop3A_131 : i32 to index
      %parallel_loop3A_159 = arith.constant 16 : index
      %parallel_loop3A_160 = tpu.vector_load %arg17[%parallel_loop3A_158, %parallel_loop3A_159] {strides = array<i32>} : memref<128x128xf32, #tpu.memory_space<vmem>>, vector<16xf32>,
      tpu.vector_store %arg17[%parallel_loop3A_158, %parallel_loop3A_159], %parallel_loop3A_157 {strides = array<i32>} : memref<128x128xf32, #tpu.memory_space<vmem>>, vector<16xf32>,
      %parallel_loop3A_161 = arith.index_cast %parallel_loop3A_131 : i32 to index
      %parallel_loop3A_162 = arith.constant 32 : index
      %parallel_loop3A_163 = tpu.vector_load %arg13[%parallel_loop3A_161, %parallel_loop3A_162] {strides = array<i32>} : memref<128x128xf32, #tpu.memory_space<vmem>>, vector<16xf32>,
      %parallel_loop3A_164 = arith.mulf %parallel_loop3A_135, %parallel_loop3A_163 : vector<16xf32>
      %parallel_loop3A_165 = arith.index_cast %parallel_loop3A_131 : i32 to index
      %parallel_loop3A_166 = arith.constant 32 : index
      %parallel_loop3A_167 = tpu.vector_load %arg15[%parallel_loop3A_165, %parallel_loop3A_166] {strides = array<i32>} : memref<128x128xf32, #tpu.memory_space<vmem>>, vector<16xf32>,
      %parallel_loop3A_168 = arith.mulf %parallel_loop3A_136, %parallel_loop3A_167 : vector<16xf32>
      %parallel_loop3A_169 = arith.addf %parallel_loop3A_164, %parallel_loop3A_168 : vector<16xf32>
      %parallel_loop3A_170 = arith.index_cast %parallel_loop3A_131 : i32 to index
      %parallel_loop3A_171 = arith.constant 32 : index
      %parallel_loop3A_172 = tpu.vector_load %arg17[%parallel_loop3A_170, %parallel_loop3A_171] {strides = array<i32>} : memref<128x128xf32, #tpu.memory_space<vmem>>, vector<16xf32>,
      tpu.vector_store %arg17[%parallel_loop3A_170, %parallel_loop3A_171], %parallel_loop3A_169 {strides = array<i32>} : memref<128x128xf32, #tpu.memory_space<vmem>>, vector<16xf32>,
      %parallel_loop3A_173 = arith.index_cast %parallel_loop3A_131 : i32 to index
      %parallel_loop3A_174 = arith.constant 48 : index
      %parallel_loop3A_175 = tpu.vector_load %arg13[%parallel_loop3A_173, %parallel_loop3A_174] {strides = array<i32>} : memref<128x128xf32, #tpu.memory_space<vmem>>, vector<16xf32>,
      %parallel_loop3A_176 = arith.mulf %parallel_loop3A_135, %parallel_loop3A_175 : vector<16xf32>
      %parallel_loop3A_177 = arith.index_cast %parallel_loop3A_131 : i32 to index
      %parallel_loop3A_178 = arith.constant 48 : index
      %parallel_loop3A_179 = tpu.vector_load %arg15[%parallel_loop3A_177, %parallel_loop3A_178] {strides = array<i32>} : memref<128x128xf32, #tpu.memory_space<vmem>>, vector<16xf32>,
      %parallel_loop3A_180 = arith.mulf %parallel_loop3A_136, %parallel_loop3A_179 : vector<16xf32>
      %parallel_loop3A_181 = arith.addf %parallel_loop3A_176, %parallel_loop3A_180 : vector<16xf32>
      %parallel_loop3A_182 = arith.index_cast %parallel_loop3A_131 : i32 to index
      %parallel_loop3A_183 = arith.constant 48 : index
      %parallel_loop3A_184 = tpu.vector_load %arg17[%parallel_loop3A_182, %parallel_loop3A_183] {strides = array<i32>} : memref<128x128xf32, #tpu.memory_space<vmem>>, vector<16xf32>,
      tpu.vector_store %arg17[%parallel_loop3A_182, %parallel_loop3A_183], %parallel_loop3A_181 {strides = array<i32>} : memref<128x128xf32, #tpu.memory_space<vmem>>, vector<16xf32>,
      %parallel_loop3A_185 = arith.index_cast %parallel_loop3A_131 : i32 to index
      %parallel_loop3A_186 = arith.constant 64 : index
      %parallel_loop3A_187 = tpu.vector_load %arg13[%parallel_loop3A_185, %parallel_loop3A_186] {strides = array<i32>} : memref<128x128xf32, #tpu.memory_space<vmem>>, vector<16xf32>,
      %parallel_loop3A_188 = arith.mulf %parallel_loop3A_135, %parallel_loop3A_187 : vector<16xf32>
      %parallel_loop3A_189 = arith.index_cast %parallel_loop3A_131 : i32 to index
      %parallel_loop3A_190 = arith.constant 64 : index
      %parallel_loop3A_191 = tpu.vector_load %arg15[%parallel_loop3A_189, %parallel_loop3A_190] {strides = array<i32>} : memref<128x128xf32, #tpu.memory_space<vmem>>, vector<16xf32>,
      %parallel_loop3A_192 = arith.mulf %parallel_loop3A_136, %parallel_loop3A_191 : vector<16xf32>
      %parallel_loop3A_193 = arith.addf %parallel_loop3A_188, %parallel_loop3A_192 : vector<16xf32>
      %parallel_loop3A_194 = arith.index_cast %parallel_loop3A_131 : i32 to index
      %parallel_loop3A_195 = arith.constant 64 : index
      %parallel_loop3A_196 = tpu.vector_load %arg17[%parallel_loop3A_194, %parallel_loop3A_195] {strides = array<i32>} : memref<128x128xf32, #tpu.memory_space<vmem>>, vector<16xf32>,
      tpu.vector_store %arg17[%parallel_loop3A_194, %parallel_loop3A_195], %parallel_loop3A_193 {strides = array<i32>} : memref<128x128xf32, #tpu.memory_space<vmem>>, vector<16xf32>,
      %parallel_loop3A_197 = arith.index_cast %parallel_loop3A_131 : i32 to index
      %parallel_loop3A_198 = arith.constant 80 : index
      %parallel_loop3A_199 = tpu.vector_load %arg13[%parallel_loop3A_197, %parallel_loop3A_198] {strides = array<i32>} : memref<128x128xf32, #tpu.memory_space<vmem>>, vector<16xf32>,
      %parallel_loop3A_200 = arith.mulf %parallel_loop3A_135, %parallel_loop3A_199 : vector<16xf32>
      %parallel_loop3A_201 = arith.index_cast %parallel_loop3A_131 : i32 to index
      %parallel_loop3A_202 = arith.constant 80 : index
      %parallel_loop3A_203 = tpu.vector_load %arg15[%parallel_loop3A_201, %parallel_loop3A_202] {strides = array<i32>} : memref<128x128xf32, #tpu.memory_space<vmem>>, vector<16xf32>,
      %parallel_loop3A_204 = arith.mulf %parallel_loop3A_136, %parallel_loop3A_203 : vector<16xf32>
      %parallel_loop3A_205 = arith.addf %parallel_loop3A_200, %parallel_loop3A_204 : vector<16xf32>
      %parallel_loop3A_206 = arith.index_cast %parallel_loop3A_131 : i32 to index
      %parallel_loop3A_207 = arith.constant 80 : index
      %parallel_loop3A_208 = tpu.vector_load %arg17[%parallel_loop3A_206, %parallel_loop3A_207] {strides = array<i32>} : memref<128x128xf32, #tpu.memory_space<vmem>>, vector<16xf32>,
      tpu.vector_store %arg17[%parallel_loop3A_206, %parallel_loop3A_207], %parallel_loop3A_205 {strides = array<i32>} : memref<128x128xf32, #tpu.memory_space<vmem>>, vector<16xf32>,
      %parallel_loop3A_209 = arith.index_cast %parallel_loop3A_131 : i32 to index
      %parallel_loop3A_210 = arith.constant 96 : index
      %parallel_loop3A_211 = tpu.vector_load %arg13[%parallel_loop3A_209, %parallel_loop3A_210] {strides = array<i32>} : memref<128x128xf32, #tpu.memory_space<vmem>>, vector<16xf32>,
      %parallel_loop3A_212 = arith.mulf %parallel_loop3A_135, %parallel_loop3A_211 : vector<16xf32>
      %parallel_loop3A_213 = arith.index_cast %parallel_loop3A_131 : i32 to index
      %parallel_loop3A_214 = arith.constant 96 : index
      %parallel_loop3A_215 = tpu.vector_load %arg15[%parallel_loop3A_213, %parallel_loop3A_214] {strides = array<i32>} : memref<128x128xf32, #tpu.memory_space<vmem>>, vector<16xf32>,
      %parallel_loop3A_216 = arith.mulf %parallel_loop3A_136, %parallel_loop3A_215 : vector<16xf32>
      %parallel_loop3A_217 = arith.addf %parallel_loop3A_212, %parallel_loop3A_216 : vector<16xf32>
      %parallel_loop3A_218 = arith.index_cast %parallel_loop3A_131 : i32 to index
      %parallel_loop3A_219 = arith.constant 96 : index
      %parallel_loop3A_220 = tpu.vector_load %arg17[%parallel_loop3A_218, %parallel_loop3A_219] {strides = array<i32>} : memref<128x128xf32, #tpu.memory_space<vmem>>, vector<16xf32>,
      tpu.vector_store %arg17[%parallel_loop3A_218, %parallel_loop3A_219], %parallel_loop3A_217 {strides = array<i32>} : memref<128x128xf32, #tpu.memory_space<vmem>>, vector<16xf32>,
      %parallel_loop3A_221 = arith.index_cast %parallel_loop3A_131 : i32 to index
      %parallel_loop3A_222 = arith.constant 112 : index
      %parallel_loop3A_223 = tpu.vector_load %arg13[%parallel_loop3A_221, %parallel_loop3A_222] {strides = array<i32>} : memref<128x128xf32, #tpu.memory_space<vmem>>, vector<16xf32>,
      %parallel_loop3A_224 = arith.mulf %parallel_loop3A_135, %parallel_loop3A_223 : vector<16xf32>
      %parallel_loop3A_225 = arith.index_cast %parallel_loop3A_131 : i32 to index
      %parallel_loop3A_226 = arith.constant 112 : index
      %parallel_loop3A_227 = tpu.vector_load %arg15[%parallel_loop3A_225, %parallel_loop3A_226] {strides = array<i32>} : memref<128x128xf32, #tpu.memory_space<vmem>>, vector<16xf32>,
      %parallel_loop3A_228 = arith.mulf %parallel_loop3A_136, %parallel_loop3A_227 : vector<16xf32>
      %parallel_loop3A_229 = arith.addf %parallel_loop3A_224, %parallel_loop3A_228 : vector<16xf32>
      %parallel_loop3A_230 = arith.index_cast %parallel_loop3A_131 : i32 to index
      %parallel_loop3A_231 = arith.constant 112 : index
      %parallel_loop3A_232 = tpu.vector_load %arg17[%parallel_loop3A_230, %parallel_loop3A_231] {strides = array<i32>} : memref<128x128xf32, #tpu.memory_space<vmem>>, vector<16xf32>,
      tpu.vector_store %arg17[%parallel_loop3A_230, %parallel_loop3A_231], %parallel_loop3A_229 {strides = array<i32>} : memref<128x128xf32, #tpu.memory_space<vmem>>, vector<16xf32>,
    } {sc.loop_unroll_factor = 4 : i64, sc.parallel_access}
    %add3A_38 = arith.constant 0 : i32
    %add3A_39 = arith.addi %mul3A_2, %add3A_38 : i32
    %dma_start3A_40 = arith.constant 0 : i32
    %dma_start3A_41 = tpu.memref_slice %arg7[%add3A_39, %dma_start3A_40] : memref<16384x128xf32, #tpu.memory_space<hbm>> -> memref<128x128xf32, #tpu.memory_space<hbm>>
    %dma_start3A_42 = arith.constant 0 : i32
    %dma_start3A_43 = tpu.memref_slice %arg7[%add3A_39, %dma_start3A_42] : memref<16384x128xf32, #tpu.memory_space<hbm>> -> memref<128x128xf32, #tpu.memory_space<hbm>>
    tpu.enqueue_dma source(%arg17 : memref<128x128xf32, #tpu.memory_space<vmem>>) target(%dma_start3A_43 : memref<128x128xf32, #tpu.memory_space<hbm>>) target_semaphore(%arg21 : memref<!tpu.dma_semaphore, #tpu.memory_space<semaphore_mem>>)
    %add3A_44 = arith.constant 256 : i32
    %add3A_45 = arith.addi %mul3A_2, %add3A_44 : i32
    %dma_start3A_46 = arith.constant 0 : i32
    %dma_start3A_47 = tpu.memref_slice %arg2[%add3A_45, %dma_start3A_46] : memref<16384x128xf32, #tpu.memory_space<hbm>> -> memref<128x128xf32, #tpu.memory_space<hbm>>
    %dma_start3A_48 = arith.constant 0 : i32
    %dma_start3A_49 = tpu.memref_slice %arg2[%add3A_45, %dma_start3A_48] : memref<16384x128xf32, #tpu.memory_space<hbm>> -> memref<128x128xf32, #tpu.memory_space<hbm>>
    tpu.enqueue_dma source(%dma_start3A_49 : memref<128x128xf32, #tpu.memory_space<hbm>>) target(%arg13 : memref<128x128xf32, #tpu.memory_space<vmem>>) target_semaphore(%arg19 : memref<!tpu.dma_semaphore, #tpu.memory_space<semaphore_mem>>)
    %dma_start3A_50 = arith.constant 0 : i32
    %dma_start3A_51 = tpu.memref_slice %arg3[%add3A_45, %dma_start3A_50] : memref<16384x128xf32, #tpu.memory_space<hbm>> -> memref<128x128xf32, #tpu.memory_space<hbm>>
    %dma_start3A_52 = arith.constant 0 : i32
    %dma_start3A_53 = tpu.memref_slice %arg3[%add3A_45, %dma_start3A_52] : memref<16384x128xf32, #tpu.memory_space<hbm>> -> memref<128x128xf32, #tpu.memory_space<hbm>>
    tpu.enqueue_dma source(%dma_start3A_53 : memref<128x128xf32, #tpu.memory_space<hbm>>) target(%arg15 : memref<128x128xf32, #tpu.memory_space<vmem>>) target_semaphore(%arg19 : memref<!tpu.dma_semaphore, #tpu.memory_space<semaphore_mem>>)
    %dma_wait3A_54 = arith.constant 0 : i32
    %dma_wait3A_55 = tpu.memref_slice %arg2[%add3A_13, %dma_wait3A_54] : memref<16384x128xf32, #tpu.memory_space<hbm>> -> memref<128x128xf32, #tpu.memory_space<hbm>>
    %dma_wait3A_56 = arith.constant 0 : i32
    %dma_wait3A_57 = tpu.memref_slice %arg2[%add3A_13, %dma_wait3A_56] : memref<16384x128xf32, #tpu.memory_space<hbm>> -> memref<128x128xf32, #tpu.memory_space<hbm>>
    tpu.wait_dma2 semaphore(%arg20 : memref<!tpu.dma_semaphore, #tpu.memory_space<semaphore_mem>>) src(%dma_wait3A_57 : memref<128x128xf32, #tpu.memory_space<hbm>>) dst(%arg14 : memref<128x128xf32, #tpu.memory_space<vmem>>)
    %dma_wait3A_58 = arith.constant 0 : i32
    %dma_wait3A_59 = tpu.memref_slice %arg3[%add3A_13, %dma_wait3A_58] : memref<16384x128xf32, #tpu.memory_space<hbm>> -> memref<128x128xf32, #tpu.memory_space<hbm>>
    %dma_wait3A_60 = arith.constant 0 : i32
    %dma_wait3A_61 = tpu.memref_slice %arg3[%add3A_13, %dma_wait3A_60] : memref<16384x128xf32, #tpu.memory_space<hbm>> -> memref<128x128xf32, #tpu.memory_space<hbm>>
    tpu.wait_dma2 semaphore(%arg20 : memref<!tpu.dma_semaphore, #tpu.memory_space<semaphore_mem>>) src(%dma_wait3A_61 : memref<128x128xf32, #tpu.memory_space<hbm>>) dst(%arg16 : memref<128x128xf32, #tpu.memory_space<vmem>>)
    %parallel_loop3A_62 = arith.constant 0 : i32
    %parallel_loop3A_63 = arith.constant 128 : i32
    %parallel_loop3A_64 = arith.constant 1 : i32
    scf.for %parallel_loop3A_131 = %parallel_loop3A_62 to %parallel_loop3A_63 step %parallel_loop3A_64  : i32 {
      %parallel_loop3A_132 = arith.constant 128 : i32
      %parallel_loop3A_133 = arith.addi %parallel_loop3A_132, %parallel_loop3A_131 : i32
      %parallel_loop3A_134 = vector.broadcast %parallel_loop3A_133 : i32 to vector<16xi32>
      %parallel_loop3A_135 = tpu.vector_load_idx %arg11[%parallel_loop3A_134] : memref<512xf32, #tpu.memory_space<vmem>>[vector<16xi32>], vector<16xf32>,
      %parallel_loop3A_136 = tpu.vector_load_idx %arg12[%parallel_loop3A_134] : memref<512xf32, #tpu.memory_space<vmem>>[vector<16xi32>], vector<16xf32>,
      %parallel_loop3A_137 = arith.index_cast %parallel_loop3A_131 : i32 to index
      %parallel_loop3A_138 = arith.constant 0 : index
      %parallel_loop3A_139 = tpu.vector_load %arg14[%parallel_loop3A_137, %parallel_loop3A_138] {strides = array<i32>} : memref<128x128xf32, #tpu.memory_space<vmem>>, vector<16xf32>,
      %parallel_loop3A_140 = arith.mulf %parallel_loop3A_135, %parallel_loop3A_139 : vector<16xf32>
      %parallel_loop3A_141 = arith.index_cast %parallel_loop3A_131 : i32 to index
      %parallel_loop3A_142 = arith.constant 0 : index
      %parallel_loop3A_143 = tpu.vector_load %arg16[%parallel_loop3A_141, %parallel_loop3A_142] {strides = array<i32>} : memref<128x128xf32, #tpu.memory_space<vmem>>, vector<16xf32>,
      %parallel_loop3A_144 = arith.mulf %parallel_loop3A_136, %parallel_loop3A_143 : vector<16xf32>
      %parallel_loop3A_145 = arith.addf %parallel_loop3A_140, %parallel_loop3A_144 : vector<16xf32>
      %parallel_loop3A_146 = arith.index_cast %parallel_loop3A_131 : i32 to index
      %parallel_loop3A_147 = arith.constant 0 : index
      %parallel_loop3A_148 = tpu.vector_load %arg18[%parallel_loop3A_146, %parallel_loop3A_147] {strides = array<i32>} : memref<128x128xf32, #tpu.memory_space<vmem>>, vector<16xf32>,
      tpu.vector_store %arg18[%parallel_loop3A_146, %parallel_loop3A_147], %parallel_loop3A_145 {strides = array<i32>} : memref<128x128xf32, #tpu.memory_space<vmem>>, vector<16xf32>,
      %parallel_loop3A_149 = arith.index_cast %parallel_loop3A_131 : i32 to index
      %parallel_loop3A_150 = arith.constant 16 : index
      %parallel_loop3A_151 = tpu.vector_load %arg14[%parallel_loop3A_149, %parallel_loop3A_150] {strides = array<i32>} : memref<128x128xf32, #tpu.memory_space<vmem>>, vector<16xf32>,
      %parallel_loop3A_152 = arith.mulf %parallel_loop3A_135, %parallel_loop3A_151 : vector<16xf32>
      %parallel_loop3A_153 = arith.index_cast %parallel_loop3A_131 : i32 to index
      %parallel_loop3A_154 = arith.constant 16 : index
      %parallel_loop3A_155 = tpu.vector_load %arg16[%parallel_loop3A_153, %parallel_loop3A_154] {strides = array<i32>} : memref<128x128xf32, #tpu.memory_space<vmem>>, vector<16xf32>,
      %parallel_loop3A_156 = arith.mulf %parallel_loop3A_136, %parallel_loop3A_155 : vector<16xf32>
      %parallel_loop3A_157 = arith.addf %parallel_loop3A_152, %parallel_loop3A_156 : vector<16xf32>
      %parallel_loop3A_158 = arith.index_cast %parallel_loop3A_131 : i32 to index
      %parallel_loop3A_159 = arith.constant 16 : index
      %parallel_loop3A_160 = tpu.vector_load %arg18[%parallel_loop3A_158, %parallel_loop3A_159] {strides = array<i32>} : memref<128x128xf32, #tpu.memory_space<vmem>>, vector<16xf32>,
      tpu.vector_store %arg18[%parallel_loop3A_158, %parallel_loop3A_159], %parallel_loop3A_157 {strides = array<i32>} : memref<128x128xf32, #tpu.memory_space<vmem>>, vector<16xf32>,
      %parallel_loop3A_161 = arith.index_cast %parallel_loop3A_131 : i32 to index
      %parallel_loop3A_162 = arith.constant 32 : index
      %parallel_loop3A_163 = tpu.vector_load %arg14[%parallel_loop3A_161, %parallel_loop3A_162] {strides = array<i32>} : memref<128x128xf32, #tpu.memory_space<vmem>>, vector<16xf32>,
      %parallel_loop3A_164 = arith.mulf %parallel_loop3A_135, %parallel_loop3A_163 : vector<16xf32>
      %parallel_loop3A_165 = arith.index_cast %parallel_loop3A_131 : i32 to index
      %parallel_loop3A_166 = arith.constant 32 : index
      %parallel_loop3A_167 = tpu.vector_load %arg16[%parallel_loop3A_165, %parallel_loop3A_166] {strides = array<i32>} : memref<128x128xf32, #tpu.memory_space<vmem>>, vector<16xf32>,
      %parallel_loop3A_168 = arith.mulf %parallel_loop3A_136, %parallel_loop3A_167 : vector<16xf32>
      %parallel_loop3A_169 = arith.addf %parallel_loop3A_164, %parallel_loop3A_168 : vector<16xf32>
      %parallel_loop3A_170 = arith.index_cast %parallel_loop3A_131 : i32 to index
      %parallel_loop3A_171 = arith.constant 32 : index
      %parallel_loop3A_172 = tpu.vector_load %arg18[%parallel_loop3A_170, %parallel_loop3A_171] {strides = array<i32>} : memref<128x128xf32, #tpu.memory_space<vmem>>, vector<16xf32>,
      tpu.vector_store %arg18[%parallel_loop3A_170, %parallel_loop3A_171], %parallel_loop3A_169 {strides = array<i32>} : memref<128x128xf32, #tpu.memory_space<vmem>>, vector<16xf32>,
      %parallel_loop3A_173 = arith.index_cast %parallel_loop3A_131 : i32 to index
      %parallel_loop3A_174 = arith.constant 48 : index
      %parallel_loop3A_175 = tpu.vector_load %arg14[%parallel_loop3A_173, %parallel_loop3A_174] {strides = array<i32>} : memref<128x128xf32, #tpu.memory_space<vmem>>, vector<16xf32>,
      %parallel_loop3A_176 = arith.mulf %parallel_loop3A_135, %parallel_loop3A_175 : vector<16xf32>
      %parallel_loop3A_177 = arith.index_cast %parallel_loop3A_131 : i32 to index
      %parallel_loop3A_178 = arith.constant 48 : index
      %parallel_loop3A_179 = tpu.vector_load %arg16[%parallel_loop3A_177, %parallel_loop3A_178] {strides = array<i32>} : memref<128x128xf32, #tpu.memory_space<vmem>>, vector<16xf32>,
      %parallel_loop3A_180 = arith.mulf %parallel_loop3A_136, %parallel_loop3A_179 : vector<16xf32>
      %parallel_loop3A_181 = arith.addf %parallel_loop3A_176, %parallel_loop3A_180 : vector<16xf32>
      %parallel_loop3A_182 = arith.index_cast %parallel_loop3A_131 : i32 to index
      %parallel_loop3A_183 = arith.constant 48 : index
      %parallel_loop3A_184 = tpu.vector_load %arg18[%parallel_loop3A_182, %parallel_loop3A_183] {strides = array<i32>} : memref<128x128xf32, #tpu.memory_space<vmem>>, vector<16xf32>,
      tpu.vector_store %arg18[%parallel_loop3A_182, %parallel_loop3A_183], %parallel_loop3A_181 {strides = array<i32>} : memref<128x128xf32, #tpu.memory_space<vmem>>, vector<16xf32>,
      %parallel_loop3A_185 = arith.index_cast %parallel_loop3A_131 : i32 to index
      %parallel_loop3A_186 = arith.constant 64 : index
      %parallel_loop3A_187 = tpu.vector_load %arg14[%parallel_loop3A_185, %parallel_loop3A_186] {strides = array<i32>} : memref<128x128xf32, #tpu.memory_space<vmem>>, vector<16xf32>,
      %parallel_loop3A_188 = arith.mulf %parallel_loop3A_135, %parallel_loop3A_187 : vector<16xf32>
      %parallel_loop3A_189 = arith.index_cast %parallel_loop3A_131 : i32 to index
      %parallel_loop3A_190 = arith.constant 64 : index
      %parallel_loop3A_191 = tpu.vector_load %arg16[%parallel_loop3A_189, %parallel_loop3A_190] {strides = array<i32>} : memref<128x128xf32, #tpu.memory_space<vmem>>, vector<16xf32>,
      %parallel_loop3A_192 = arith.mulf %parallel_loop3A_136, %parallel_loop3A_191 : vector<16xf32>
      %parallel_loop3A_193 = arith.addf %parallel_loop3A_188, %parallel_loop3A_192 : vector<16xf32>
      %parallel_loop3A_194 = arith.index_cast %parallel_loop3A_131 : i32 to index
      %parallel_loop3A_195 = arith.constant 64 : index
      %parallel_loop3A_196 = tpu.vector_load %arg18[%parallel_loop3A_194, %parallel_loop3A_195] {strides = array<i32>} : memref<128x128xf32, #tpu.memory_space<vmem>>, vector<16xf32>,
      tpu.vector_store %arg18[%parallel_loop3A_194, %parallel_loop3A_195], %parallel_loop3A_193 {strides = array<i32>} : memref<128x128xf32, #tpu.memory_space<vmem>>, vector<16xf32>,
      %parallel_loop3A_197 = arith.index_cast %parallel_loop3A_131 : i32 to index
      %parallel_loop3A_198 = arith.constant 80 : index
      %parallel_loop3A_199 = tpu.vector_load %arg14[%parallel_loop3A_197, %parallel_loop3A_198] {strides = array<i32>} : memref<128x128xf32, #tpu.memory_space<vmem>>, vector<16xf32>,
      %parallel_loop3A_200 = arith.mulf %parallel_loop3A_135, %parallel_loop3A_199 : vector<16xf32>
      %parallel_loop3A_201 = arith.index_cast %parallel_loop3A_131 : i32 to index
      %parallel_loop3A_202 = arith.constant 80 : index
      %parallel_loop3A_203 = tpu.vector_load %arg16[%parallel_loop3A_201, %parallel_loop3A_202] {strides = array<i32>} : memref<128x128xf32, #tpu.memory_space<vmem>>, vector<16xf32>,
      %parallel_loop3A_204 = arith.mulf %parallel_loop3A_136, %parallel_loop3A_203 : vector<16xf32>
      %parallel_loop3A_205 = arith.addf %parallel_loop3A_200, %parallel_loop3A_204 : vector<16xf32>
      %parallel_loop3A_206 = arith.index_cast %parallel_loop3A_131 : i32 to index
      %parallel_loop3A_207 = arith.constant 80 : index
      %parallel_loop3A_208 = tpu.vector_load %arg18[%parallel_loop3A_206, %parallel_loop3A_207] {strides = array<i32>} : memref<128x128xf32, #tpu.memory_space<vmem>>, vector<16xf32>,
      tpu.vector_store %arg18[%parallel_loop3A_206, %parallel_loop3A_207], %parallel_loop3A_205 {strides = array<i32>} : memref<128x128xf32, #tpu.memory_space<vmem>>, vector<16xf32>,
      %parallel_loop3A_209 = arith.index_cast %parallel_loop3A_131 : i32 to index
      %parallel_loop3A_210 = arith.constant 96 : index
      %parallel_loop3A_211 = tpu.vector_load %arg14[%parallel_loop3A_209, %parallel_loop3A_210] {strides = array<i32>} : memref<128x128xf32, #tpu.memory_space<vmem>>, vector<16xf32>,
      %parallel_loop3A_212 = arith.mulf %parallel_loop3A_135, %parallel_loop3A_211 : vector<16xf32>
      %parallel_loop3A_213 = arith.index_cast %parallel_loop3A_131 : i32 to index
      %parallel_loop3A_214 = arith.constant 96 : index
      %parallel_loop3A_215 = tpu.vector_load %arg16[%parallel_loop3A_213, %parallel_loop3A_214] {strides = array<i32>} : memref<128x128xf32, #tpu.memory_space<vmem>>, vector<16xf32>,
      %parallel_loop3A_216 = arith.mulf %parallel_loop3A_136, %parallel_loop3A_215 : vector<16xf32>
      %parallel_loop3A_217 = arith.addf %parallel_loop3A_212, %parallel_loop3A_216 : vector<16xf32>
      %parallel_loop3A_218 = arith.index_cast %parallel_loop3A_131 : i32 to index
      %parallel_loop3A_219 = arith.constant 96 : index
      %parallel_loop3A_220 = tpu.vector_load %arg18[%parallel_loop3A_218, %parallel_loop3A_219] {strides = array<i32>} : memref<128x128xf32, #tpu.memory_space<vmem>>, vector<16xf32>,
      tpu.vector_store %arg18[%parallel_loop3A_218, %parallel_loop3A_219], %parallel_loop3A_217 {strides = array<i32>} : memref<128x128xf32, #tpu.memory_space<vmem>>, vector<16xf32>,
      %parallel_loop3A_221 = arith.index_cast %parallel_loop3A_131 : i32 to index
      %parallel_loop3A_222 = arith.constant 112 : index
      %parallel_loop3A_223 = tpu.vector_load %arg14[%parallel_loop3A_221, %parallel_loop3A_222] {strides = array<i32>} : memref<128x128xf32, #tpu.memory_space<vmem>>, vector<16xf32>,
      %parallel_loop3A_224 = arith.mulf %parallel_loop3A_135, %parallel_loop3A_223 : vector<16xf32>
      %parallel_loop3A_225 = arith.index_cast %parallel_loop3A_131 : i32 to index
      %parallel_loop3A_226 = arith.constant 112 : index
      %parallel_loop3A_227 = tpu.vector_load %arg16[%parallel_loop3A_225, %parallel_loop3A_226] {strides = array<i32>} : memref<128x128xf32, #tpu.memory_space<vmem>>, vector<16xf32>,
      %parallel_loop3A_228 = arith.mulf %parallel_loop3A_136, %parallel_loop3A_227 : vector<16xf32>
      %parallel_loop3A_229 = arith.addf %parallel_loop3A_224, %parallel_loop3A_228 : vector<16xf32>
      %parallel_loop3A_230 = arith.index_cast %parallel_loop3A_131 : i32 to index
      %parallel_loop3A_231 = arith.constant 112 : index
      %parallel_loop3A_232 = tpu.vector_load %arg18[%parallel_loop3A_230, %parallel_loop3A_231] {strides = array<i32>} : memref<128x128xf32, #tpu.memory_space<vmem>>, vector<16xf32>,
      tpu.vector_store %arg18[%parallel_loop3A_230, %parallel_loop3A_231], %parallel_loop3A_229 {strides = array<i32>} : memref<128x128xf32, #tpu.memory_space<vmem>>, vector<16xf32>,
    } {sc.loop_unroll_factor = 4 : i64, sc.parallel_access}
    %add3A_65 = arith.constant 128 : i32
    %add3A_66 = arith.addi %mul3A_2, %add3A_65 : i32
    %dma_start3A_67 = arith.constant 0 : i32
    %dma_start3A_68 = tpu.memref_slice %arg7[%add3A_66, %dma_start3A_67] : memref<16384x128xf32, #tpu.memory_space<hbm>> -> memref<128x128xf32, #tpu.memory_space<hbm>>
    %dma_start3A_69 = arith.constant 0 : i32
    %dma_start3A_70 = tpu.memref_slice %arg7[%add3A_66, %dma_start3A_69] : memref<16384x128xf32, #tpu.memory_space<hbm>> -> memref<128x128xf32, #tpu.memory_space<hbm>>
    tpu.enqueue_dma source(%arg18 : memref<128x128xf32, #tpu.memory_space<vmem>>) target(%dma_start3A_70 : memref<128x128xf32, #tpu.memory_space<hbm>>) target_semaphore(%arg22 : memref<!tpu.dma_semaphore, #tpu.memory_space<semaphore_mem>>)
    %add3A_71 = arith.constant 384 : i32
    %add3A_72 = arith.addi %mul3A_2, %add3A_71 : i32
    %dma_start3A_73 = arith.constant 0 : i32
    %dma_start3A_74 = tpu.memref_slice %arg2[%add3A_72, %dma_start3A_73] : memref<16384x128xf32, #tpu.memory_space<hbm>> -> memref<128x128xf32, #tpu.memory_space<hbm>>
    %dma_start3A_75 = arith.constant 0 : i32
    %dma_start3A_76 = tpu.memref_slice %arg2[%add3A_72, %dma_start3A_75] : memref<16384x128xf32, #tpu.memory_space<hbm>> -> memref<128x128xf32, #tpu.memory_space<hbm>>
    tpu.enqueue_dma source(%dma_start3A_76 : memref<128x128xf32, #tpu.memory_space<hbm>>) target(%arg14 : memref<128x128xf32, #tpu.memory_space<vmem>>) target_semaphore(%arg20 : memref<!tpu.dma_semaphore, #tpu.memory_space<semaphore_mem>>)
    %dma_start3A_77 = arith.constant 0 : i32
    %dma_start3A_78 = tpu.memref_slice %arg3[%add3A_72, %dma_start3A_77] : memref<16384x128xf32, #tpu.memory_space<hbm>> -> memref<128x128xf32, #tpu.memory_space<hbm>>
    %dma_start3A_79 = arith.constant 0 : i32
    %dma_start3A_80 = tpu.memref_slice %arg3[%add3A_72, %dma_start3A_79] : memref<16384x128xf32, #tpu.memory_space<hbm>> -> memref<128x128xf32, #tpu.memory_space<hbm>>
    tpu.enqueue_dma source(%dma_start3A_80 : memref<128x128xf32, #tpu.memory_space<hbm>>) target(%arg16 : memref<128x128xf32, #tpu.memory_space<vmem>>) target_semaphore(%arg20 : memref<!tpu.dma_semaphore, #tpu.memory_space<semaphore_mem>>)
    %dma_wait3A_81 = arith.constant 0 : i32
    %dma_wait3A_82 = tpu.memref_slice %arg2[%add3A_45, %dma_wait3A_81] : memref<16384x128xf32, #tpu.memory_space<hbm>> -> memref<128x128xf32, #tpu.memory_space<hbm>>
    %dma_wait3A_83 = arith.constant 0 : i32
    %dma_wait3A_84 = tpu.memref_slice %arg2[%add3A_45, %dma_wait3A_83] : memref<16384x128xf32, #tpu.memory_space<hbm>> -> memref<128x128xf32, #tpu.memory_space<hbm>>
    tpu.wait_dma2 semaphore(%arg19 : memref<!tpu.dma_semaphore, #tpu.memory_space<semaphore_mem>>) src(%dma_wait3A_84 : memref<128x128xf32, #tpu.memory_space<hbm>>) dst(%arg13 : memref<128x128xf32, #tpu.memory_space<vmem>>)
    %dma_wait3A_85 = arith.constant 0 : i32
    %dma_wait3A_86 = tpu.memref_slice %arg3[%add3A_45, %dma_wait3A_85] : memref<16384x128xf32, #tpu.memory_space<hbm>> -> memref<128x128xf32, #tpu.memory_space<hbm>>
    %dma_wait3A_87 = arith.constant 0 : i32
    %dma_wait3A_88 = tpu.memref_slice %arg3[%add3A_45, %dma_wait3A_87] : memref<16384x128xf32, #tpu.memory_space<hbm>> -> memref<128x128xf32, #tpu.memory_space<hbm>>
    tpu.wait_dma2 semaphore(%arg19 : memref<!tpu.dma_semaphore, #tpu.memory_space<semaphore_mem>>) src(%dma_wait3A_88 : memref<128x128xf32, #tpu.memory_space<hbm>>) dst(%arg15 : memref<128x128xf32, #tpu.memory_space<vmem>>)
    %dma_wait3A_89 = arith.constant 0 : i32
    %dma_wait3A_90 = tpu.memref_slice %arg7[%add3A_39, %dma_wait3A_89] : memref<16384x128xf32, #tpu.memory_space<hbm>> -> memref<128x128xf32, #tpu.memory_space<hbm>>
    %dma_wait3A_91 = arith.constant 0 : i32
    %dma_wait3A_92 = tpu.memref_slice %arg7[%add3A_39, %dma_wait3A_91] : memref<16384x128xf32, #tpu.memory_space<hbm>> -> memref<128x128xf32, #tpu.memory_space<hbm>>
    tpu.wait_dma2 semaphore(%arg21 : memref<!tpu.dma_semaphore, #tpu.memory_space<semaphore_mem>>) src(%arg17 : memref<128x128xf32, #tpu.memory_space<vmem>>) dst(%dma_wait3A_92 : memref<128x128xf32, #tpu.memory_space<hbm>>)
    %parallel_loop3A_93 = arith.constant 0 : i32
    %parallel_loop3A_94 = arith.constant 128 : i32
    %parallel_loop3A_95 = arith.constant 1 : i32
    scf.for %parallel_loop3A_131 = %parallel_loop3A_93 to %parallel_loop3A_94 step %parallel_loop3A_95  : i32 {
      %parallel_loop3A_132 = arith.constant 256 : i32
      %parallel_loop3A_133 = arith.addi %parallel_loop3A_132, %parallel_loop3A_131 : i32
      %parallel_loop3A_134 = vector.broadcast %parallel_loop3A_133 : i32 to vector<16xi32>
      %parallel_loop3A_135 = tpu.vector_load_idx %arg11[%parallel_loop3A_134] : memref<512xf32, #tpu.memory_space<vmem>>[vector<16xi32>], vector<16xf32>,
      %parallel_loop3A_136 = tpu.vector_load_idx %arg12[%parallel_loop3A_134] : memref<512xf32, #tpu.memory_space<vmem>>[vector<16xi32>], vector<16xf32>,
      %parallel_loop3A_137 = arith.index_cast %parallel_loop3A_131 : i32 to index
      %parallel_loop3A_138 = arith.constant 0 : index
      %parallel_loop3A_139 = tpu.vector_load %arg13[%parallel_loop3A_137, %parallel_loop3A_138] {strides = array<i32>} : memref<128x128xf32, #tpu.memory_space<vmem>>, vector<16xf32>,
      %parallel_loop3A_140 = arith.mulf %parallel_loop3A_135, %parallel_loop3A_139 : vector<16xf32>
      %parallel_loop3A_141 = arith.index_cast %parallel_loop3A_131 : i32 to index
      %parallel_loop3A_142 = arith.constant 0 : index
      %parallel_loop3A_143 = tpu.vector_load %arg15[%parallel_loop3A_141, %parallel_loop3A_142] {strides = array<i32>} : memref<128x128xf32, #tpu.memory_space<vmem>>, vector<16xf32>,
      %parallel_loop3A_144 = arith.mulf %parallel_loop3A_136, %parallel_loop3A_143 : vector<16xf32>
      %parallel_loop3A_145 = arith.addf %parallel_loop3A_140, %parallel_loop3A_144 : vector<16xf32>
      %parallel_loop3A_146 = arith.index_cast %parallel_loop3A_131 : i32 to index
      %parallel_loop3A_147 = arith.constant 0 : index
      %parallel_loop3A_148 = tpu.vector_load %arg17[%parallel_loop3A_146, %parallel_loop3A_147] {strides = array<i32>} : memref<128x128xf32, #tpu.memory_space<vmem>>, vector<16xf32>,
      tpu.vector_store %arg17[%parallel_loop3A_146, %parallel_loop3A_147], %parallel_loop3A_145 {strides = array<i32>} : memref<128x128xf32, #tpu.memory_space<vmem>>, vector<16xf32>,
      %parallel_loop3A_149 = arith.index_cast %parallel_loop3A_131 : i32 to index
      %parallel_loop3A_150 = arith.constant 16 : index
      %parallel_loop3A_151 = tpu.vector_load %arg13[%parallel_loop3A_149, %parallel_loop3A_150] {strides = array<i32>} : memref<128x128xf32, #tpu.memory_space<vmem>>, vector<16xf32>,
      %parallel_loop3A_152 = arith.mulf %parallel_loop3A_135, %parallel_loop3A_151 : vector<16xf32>
      %parallel_loop3A_153 = arith.index_cast %parallel_loop3A_131 : i32 to index
      %parallel_loop3A_154 = arith.constant 16 : index
      %parallel_loop3A_155 = tpu.vector_load %arg15[%parallel_loop3A_153, %parallel_loop3A_154] {strides = array<i32>} : memref<128x128xf32, #tpu.memory_space<vmem>>, vector<16xf32>,
      %parallel_loop3A_156 = arith.mulf %parallel_loop3A_136, %parallel_loop3A_155 : vector<16xf32>
      %parallel_loop3A_157 = arith.addf %parallel_loop3A_152, %parallel_loop3A_156 : vector<16xf32>
      %parallel_loop3A_158 = arith.index_cast %parallel_loop3A_131 : i32 to index
      %parallel_loop3A_159 = arith.constant 16 : index
      %parallel_loop3A_160 = tpu.vector_load %arg17[%parallel_loop3A_158, %parallel_loop3A_159] {strides = array<i32>} : memref<128x128xf32, #tpu.memory_space<vmem>>, vector<16xf32>,
      tpu.vector_store %arg17[%parallel_loop3A_158, %parallel_loop3A_159], %parallel_loop3A_157 {strides = array<i32>} : memref<128x128xf32, #tpu.memory_space<vmem>>, vector<16xf32>,
      %parallel_loop3A_161 = arith.index_cast %parallel_loop3A_131 : i32 to index
      %parallel_loop3A_162 = arith.constant 32 : index
      %parallel_loop3A_163 = tpu.vector_load %arg13[%parallel_loop3A_161, %parallel_loop3A_162] {strides = array<i32>} : memref<128x128xf32, #tpu.memory_space<vmem>>, vector<16xf32>,
      %parallel_loop3A_164 = arith.mulf %parallel_loop3A_135, %parallel_loop3A_163 : vector<16xf32>
      %parallel_loop3A_165 = arith.index_cast %parallel_loop3A_131 : i32 to index
      %parallel_loop3A_166 = arith.constant 32 : index
      %parallel_loop3A_167 = tpu.vector_load %arg15[%parallel_loop3A_165, %parallel_loop3A_166] {strides = array<i32>} : memref<128x128xf32, #tpu.memory_space<vmem>>, vector<16xf32>,
      %parallel_loop3A_168 = arith.mulf %parallel_loop3A_136, %parallel_loop3A_167 : vector<16xf32>
      %parallel_loop3A_169 = arith.addf %parallel_loop3A_164, %parallel_loop3A_168 : vector<16xf32>
      %parallel_loop3A_170 = arith.index_cast %parallel_loop3A_131 : i32 to index
      %parallel_loop3A_171 = arith.constant 32 : index
      %parallel_loop3A_172 = tpu.vector_load %arg17[%parallel_loop3A_170, %parallel_loop3A_171] {strides = array<i32>} : memref<128x128xf32, #tpu.memory_space<vmem>>, vector<16xf32>,
      tpu.vector_store %arg17[%parallel_loop3A_170, %parallel_loop3A_171], %parallel_loop3A_169 {strides = array<i32>} : memref<128x128xf32, #tpu.memory_space<vmem>>, vector<16xf32>,
      %parallel_loop3A_173 = arith.index_cast %parallel_loop3A_131 : i32 to index
      %parallel_loop3A_174 = arith.constant 48 : index
      %parallel_loop3A_175 = tpu.vector_load %arg13[%parallel_loop3A_173, %parallel_loop3A_174] {strides = array<i32>} : memref<128x128xf32, #tpu.memory_space<vmem>>, vector<16xf32>,
      %parallel_loop3A_176 = arith.mulf %parallel_loop3A_135, %parallel_loop3A_175 : vector<16xf32>
      %parallel_loop3A_177 = arith.index_cast %parallel_loop3A_131 : i32 to index
      %parallel_loop3A_178 = arith.constant 48 : index
      %parallel_loop3A_179 = tpu.vector_load %arg15[%parallel_loop3A_177, %parallel_loop3A_178] {strides = array<i32>} : memref<128x128xf32, #tpu.memory_space<vmem>>, vector<16xf32>,
      %parallel_loop3A_180 = arith.mulf %parallel_loop3A_136, %parallel_loop3A_179 : vector<16xf32>
      %parallel_loop3A_181 = arith.addf %parallel_loop3A_176, %parallel_loop3A_180 : vector<16xf32>
      %parallel_loop3A_182 = arith.index_cast %parallel_loop3A_131 : i32 to index
      %parallel_loop3A_183 = arith.constant 48 : index
      %parallel_loop3A_184 = tpu.vector_load %arg17[%parallel_loop3A_182, %parallel_loop3A_183] {strides = array<i32>} : memref<128x128xf32, #tpu.memory_space<vmem>>, vector<16xf32>,
      tpu.vector_store %arg17[%parallel_loop3A_182, %parallel_loop3A_183], %parallel_loop3A_181 {strides = array<i32>} : memref<128x128xf32, #tpu.memory_space<vmem>>, vector<16xf32>,
      %parallel_loop3A_185 = arith.index_cast %parallel_loop3A_131 : i32 to index
      %parallel_loop3A_186 = arith.constant 64 : index
      %parallel_loop3A_187 = tpu.vector_load %arg13[%parallel_loop3A_185, %parallel_loop3A_186] {strides = array<i32>} : memref<128x128xf32, #tpu.memory_space<vmem>>, vector<16xf32>,
      %parallel_loop3A_188 = arith.mulf %parallel_loop3A_135, %parallel_loop3A_187 : vector<16xf32>
      %parallel_loop3A_189 = arith.index_cast %parallel_loop3A_131 : i32 to index
      %parallel_loop3A_190 = arith.constant 64 : index
      %parallel_loop3A_191 = tpu.vector_load %arg15[%parallel_loop3A_189, %parallel_loop3A_190] {strides = array<i32>} : memref<128x128xf32, #tpu.memory_space<vmem>>, vector<16xf32>,
      %parallel_loop3A_192 = arith.mulf %parallel_loop3A_136, %parallel_loop3A_191 : vector<16xf32>
      %parallel_loop3A_193 = arith.addf %parallel_loop3A_188, %parallel_loop3A_192 : vector<16xf32>
      %parallel_loop3A_194 = arith.index_cast %parallel_loop3A_131 : i32 to index
      %parallel_loop3A_195 = arith.constant 64 : index
      %parallel_loop3A_196 = tpu.vector_load %arg17[%parallel_loop3A_194, %parallel_loop3A_195] {strides = array<i32>} : memref<128x128xf32, #tpu.memory_space<vmem>>, vector<16xf32>,
      tpu.vector_store %arg17[%parallel_loop3A_194, %parallel_loop3A_195], %parallel_loop3A_193 {strides = array<i32>} : memref<128x128xf32, #tpu.memory_space<vmem>>, vector<16xf32>,
      %parallel_loop3A_197 = arith.index_cast %parallel_loop3A_131 : i32 to index
      %parallel_loop3A_198 = arith.constant 80 : index
      %parallel_loop3A_199 = tpu.vector_load %arg13[%parallel_loop3A_197, %parallel_loop3A_198] {strides = array<i32>} : memref<128x128xf32, #tpu.memory_space<vmem>>, vector<16xf32>,
      %parallel_loop3A_200 = arith.mulf %parallel_loop3A_135, %parallel_loop3A_199 : vector<16xf32>
      %parallel_loop3A_201 = arith.index_cast %parallel_loop3A_131 : i32 to index
      %parallel_loop3A_202 = arith.constant 80 : index
      %parallel_loop3A_203 = tpu.vector_load %arg15[%parallel_loop3A_201, %parallel_loop3A_202] {strides = array<i32>} : memref<128x128xf32, #tpu.memory_space<vmem>>, vector<16xf32>,
      %parallel_loop3A_204 = arith.mulf %parallel_loop3A_136, %parallel_loop3A_203 : vector<16xf32>
      %parallel_loop3A_205 = arith.addf %parallel_loop3A_200, %parallel_loop3A_204 : vector<16xf32>
      %parallel_loop3A_206 = arith.index_cast %parallel_loop3A_131 : i32 to index
      %parallel_loop3A_207 = arith.constant 80 : index
      %parallel_loop3A_208 = tpu.vector_load %arg17[%parallel_loop3A_206, %parallel_loop3A_207] {strides = array<i32>} : memref<128x128xf32, #tpu.memory_space<vmem>>, vector<16xf32>,
      tpu.vector_store %arg17[%parallel_loop3A_206, %parallel_loop3A_207], %parallel_loop3A_205 {strides = array<i32>} : memref<128x128xf32, #tpu.memory_space<vmem>>, vector<16xf32>,
      %parallel_loop3A_209 = arith.index_cast %parallel_loop3A_131 : i32 to index
      %parallel_loop3A_210 = arith.constant 96 : index
      %parallel_loop3A_211 = tpu.vector_load %arg13[%parallel_loop3A_209, %parallel_loop3A_210] {strides = array<i32>} : memref<128x128xf32, #tpu.memory_space<vmem>>, vector<16xf32>,
      %parallel_loop3A_212 = arith.mulf %parallel_loop3A_135, %parallel_loop3A_211 : vector<16xf32>
      %parallel_loop3A_213 = arith.index_cast %parallel_loop3A_131 : i32 to index
      %parallel_loop3A_214 = arith.constant 96 : index
      %parallel_loop3A_215 = tpu.vector_load %arg15[%parallel_loop3A_213, %parallel_loop3A_214] {strides = array<i32>} : memref<128x128xf32, #tpu.memory_space<vmem>>, vector<16xf32>,
      %parallel_loop3A_216 = arith.mulf %parallel_loop3A_136, %parallel_loop3A_215 : vector<16xf32>
      %parallel_loop3A_217 = arith.addf %parallel_loop3A_212, %parallel_loop3A_216 : vector<16xf32>
      %parallel_loop3A_218 = arith.index_cast %parallel_loop3A_131 : i32 to index
      %parallel_loop3A_219 = arith.constant 96 : index
      %parallel_loop3A_220 = tpu.vector_load %arg17[%parallel_loop3A_218, %parallel_loop3A_219] {strides = array<i32>} : memref<128x128xf32, #tpu.memory_space<vmem>>, vector<16xf32>,
      tpu.vector_store %arg17[%parallel_loop3A_218, %parallel_loop3A_219], %parallel_loop3A_217 {strides = array<i32>} : memref<128x128xf32, #tpu.memory_space<vmem>>, vector<16xf32>,
      %parallel_loop3A_221 = arith.index_cast %parallel_loop3A_131 : i32 to index
      %parallel_loop3A_222 = arith.constant 112 : index
      %parallel_loop3A_223 = tpu.vector_load %arg13[%parallel_loop3A_221, %parallel_loop3A_222] {strides = array<i32>} : memref<128x128xf32, #tpu.memory_space<vmem>>, vector<16xf32>,
      %parallel_loop3A_224 = arith.mulf %parallel_loop3A_135, %parallel_loop3A_223 : vector<16xf32>
      %parallel_loop3A_225 = arith.index_cast %parallel_loop3A_131 : i32 to index
      %parallel_loop3A_226 = arith.constant 112 : index
      %parallel_loop3A_227 = tpu.vector_load %arg15[%parallel_loop3A_225, %parallel_loop3A_226] {strides = array<i32>} : memref<128x128xf32, #tpu.memory_space<vmem>>, vector<16xf32>,
      %parallel_loop3A_228 = arith.mulf %parallel_loop3A_136, %parallel_loop3A_227 : vector<16xf32>
      %parallel_loop3A_229 = arith.addf %parallel_loop3A_224, %parallel_loop3A_228 : vector<16xf32>
      %parallel_loop3A_230 = arith.index_cast %parallel_loop3A_131 : i32 to index
      %parallel_loop3A_231 = arith.constant 112 : index
      %parallel_loop3A_232 = tpu.vector_load %arg17[%parallel_loop3A_230, %parallel_loop3A_231] {strides = array<i32>} : memref<128x128xf32, #tpu.memory_space<vmem>>, vector<16xf32>,
      tpu.vector_store %arg17[%parallel_loop3A_230, %parallel_loop3A_231], %parallel_loop3A_229 {strides = array<i32>} : memref<128x128xf32, #tpu.memory_space<vmem>>, vector<16xf32>,
    } {sc.loop_unroll_factor = 4 : i64, sc.parallel_access}
    %add3A_96 = arith.constant 256 : i32
    %add3A_97 = arith.addi %mul3A_2, %add3A_96 : i32
    %dma_start3A_98 = arith.constant 0 : i32
    %dma_start3A_99 = tpu.memref_slice %arg7[%add3A_97, %dma_start3A_98] : memref<16384x128xf32, #tpu.memory_space<hbm>> -> memref<128x128xf32, #tpu.memory_space<hbm>>
    %dma_start3A_100 = arith.constant 0 : i32
    %dma_start3A_101 = tpu.memref_slice %arg7[%add3A_97, %dma_start3A_100] : memref<16384x128xf32, #tpu.memory_space<hbm>> -> memref<128x128xf32, #tpu.memory_space<hbm>>
    tpu.enqueue_dma source(%arg17 : memref<128x128xf32, #tpu.memory_space<vmem>>) target(%dma_start3A_101 : memref<128x128xf32, #tpu.memory_space<hbm>>) target_semaphore(%arg21 : memref<!tpu.dma_semaphore, #tpu.memory_space<semaphore_mem>>)
    %dma_wait3A_102 = arith.constant 0 : i32
    %dma_wait3A_103 = tpu.memref_slice %arg2[%add3A_72, %dma_wait3A_102] : memref<16384x128xf32, #tpu.memory_space<hbm>> -> memref<128x128xf32, #tpu.memory_space<hbm>>
    %dma_wait3A_104 = arith.constant 0 : i32
    %dma_wait3A_105 = tpu.memref_slice %arg2[%add3A_72, %dma_wait3A_104] : memref<16384x128xf32, #tpu.memory_space<hbm>> -> memref<128x128xf32, #tpu.memory_space<hbm>>
    tpu.wait_dma2 semaphore(%arg20 : memref<!tpu.dma_semaphore, #tpu.memory_space<semaphore_mem>>) src(%dma_wait3A_105 : memref<128x128xf32, #tpu.memory_space<hbm>>) dst(%arg14 : memref<128x128xf32, #tpu.memory_space<vmem>>)
    %dma_wait3A_106 = arith.constant 0 : i32
    %dma_wait3A_107 = tpu.memref_slice %arg3[%add3A_72, %dma_wait3A_106] : memref<16384x128xf32, #tpu.memory_space<hbm>> -> memref<128x128xf32, #tpu.memory_space<hbm>>
    %dma_wait3A_108 = arith.constant 0 : i32
    %dma_wait3A_109 = tpu.memref_slice %arg3[%add3A_72, %dma_wait3A_108] : memref<16384x128xf32, #tpu.memory_space<hbm>> -> memref<128x128xf32, #tpu.memory_space<hbm>>
    tpu.wait_dma2 semaphore(%arg20 : memref<!tpu.dma_semaphore, #tpu.memory_space<semaphore_mem>>) src(%dma_wait3A_109 : memref<128x128xf32, #tpu.memory_space<hbm>>) dst(%arg16 : memref<128x128xf32, #tpu.memory_space<vmem>>)
    %dma_wait3A_110 = arith.constant 0 : i32
    %dma_wait3A_111 = tpu.memref_slice %arg7[%add3A_66, %dma_wait3A_110] : memref<16384x128xf32, #tpu.memory_space<hbm>> -> memref<128x128xf32, #tpu.memory_space<hbm>>
    %dma_wait3A_112 = arith.constant 0 : i32
    %dma_wait3A_113 = tpu.memref_slice %arg7[%add3A_66, %dma_wait3A_112] : memref<16384x128xf32, #tpu.memory_space<hbm>> -> memref<128x128xf32, #tpu.memory_space<hbm>>
    tpu.wait_dma2 semaphore(%arg22 : memref<!tpu.dma_semaphore, #tpu.memory_space<semaphore_mem>>) src(%arg18 : memref<128x128xf32, #tpu.memory_space<vmem>>) dst(%dma_wait3A_113 : memref<128x128xf32, #tpu.memory_space<hbm>>)
    %parallel_loop3A_114 = arith.constant 0 : i32
    %parallel_loop3A_115 = arith.constant 128 : i32
    %parallel_loop3A_116 = arith.constant 1 : i32
    scf.for %parallel_loop3A_131 = %parallel_loop3A_114 to %parallel_loop3A_115 step %parallel_loop3A_116  : i32 {
      %parallel_loop3A_132 = arith.constant 384 : i32
      %parallel_loop3A_133 = arith.addi %parallel_loop3A_132, %parallel_loop3A_131 : i32
      %parallel_loop3A_134 = vector.broadcast %parallel_loop3A_133 : i32 to vector<16xi32>
      %parallel_loop3A_135 = tpu.vector_load_idx %arg11[%parallel_loop3A_134] : memref<512xf32, #tpu.memory_space<vmem>>[vector<16xi32>], vector<16xf32>,
      %parallel_loop3A_136 = tpu.vector_load_idx %arg12[%parallel_loop3A_134] : memref<512xf32, #tpu.memory_space<vmem>>[vector<16xi32>], vector<16xf32>,
      %parallel_loop3A_137 = arith.index_cast %parallel_loop3A_131 : i32 to index
      %parallel_loop3A_138 = arith.constant 0 : index
      %parallel_loop3A_139 = tpu.vector_load %arg14[%parallel_loop3A_137, %parallel_loop3A_138] {strides = array<i32>} : memref<128x128xf32, #tpu.memory_space<vmem>>, vector<16xf32>,
      %parallel_loop3A_140 = arith.mulf %parallel_loop3A_135, %parallel_loop3A_139 : vector<16xf32>
      %parallel_loop3A_141 = arith.index_cast %parallel_loop3A_131 : i32 to index
      %parallel_loop3A_142 = arith.constant 0 : index
      %parallel_loop3A_143 = tpu.vector_load %arg16[%parallel_loop3A_141, %parallel_loop3A_142] {strides = array<i32>} : memref<128x128xf32, #tpu.memory_space<vmem>>, vector<16xf32>,
      %parallel_loop3A_144 = arith.mulf %parallel_loop3A_136, %parallel_loop3A_143 : vector<16xf32>
      %parallel_loop3A_145 = arith.addf %parallel_loop3A_140, %parallel_loop3A_144 : vector<16xf32>
      %parallel_loop3A_146 = arith.index_cast %parallel_loop3A_131 : i32 to index
      %parallel_loop3A_147 = arith.constant 0 : index
      %parallel_loop3A_148 = tpu.vector_load %arg18[%parallel_loop3A_146, %parallel_loop3A_147] {strides = array<i32>} : memref<128x128xf32, #tpu.memory_space<vmem>>, vector<16xf32>,
      tpu.vector_store %arg18[%parallel_loop3A_146, %parallel_loop3A_147], %parallel_loop3A_145 {strides = array<i32>} : memref<128x128xf32, #tpu.memory_space<vmem>>, vector<16xf32>,
      %parallel_loop3A_149 = arith.index_cast %parallel_loop3A_131 : i32 to index
      %parallel_loop3A_150 = arith.constant 16 : index
      %parallel_loop3A_151 = tpu.vector_load %arg14[%parallel_loop3A_149, %parallel_loop3A_150] {strides = array<i32>} : memref<128x128xf32, #tpu.memory_space<vmem>>, vector<16xf32>,
      %parallel_loop3A_152 = arith.mulf %parallel_loop3A_135, %parallel_loop3A_151 : vector<16xf32>
      %parallel_loop3A_153 = arith.index_cast %parallel_loop3A_131 : i32 to index
      %parallel_loop3A_154 = arith.constant 16 : index
      %parallel_loop3A_155 = tpu.vector_load %arg16[%parallel_loop3A_153, %parallel_loop3A_154] {strides = array<i32>} : memref<128x128xf32, #tpu.memory_space<vmem>>, vector<16xf32>,
      %parallel_loop3A_156 = arith.mulf %parallel_loop3A_136, %parallel_loop3A_155 : vector<16xf32>
      %parallel_loop3A_157 = arith.addf %parallel_loop3A_152, %parallel_loop3A_156 : vector<16xf32>
      %parallel_loop3A_158 = arith.index_cast %parallel_loop3A_131 : i32 to index
      %parallel_loop3A_159 = arith.constant 16 : index
      %parallel_loop3A_160 = tpu.vector_load %arg18[%parallel_loop3A_158, %parallel_loop3A_159] {strides = array<i32>} : memref<128x128xf32, #tpu.memory_space<vmem>>, vector<16xf32>,
      tpu.vector_store %arg18[%parallel_loop3A_158, %parallel_loop3A_159], %parallel_loop3A_157 {strides = array<i32>} : memref<128x128xf32, #tpu.memory_space<vmem>>, vector<16xf32>,
      %parallel_loop3A_161 = arith.index_cast %parallel_loop3A_131 : i32 to index
      %parallel_loop3A_162 = arith.constant 32 : index
      %parallel_loop3A_163 = tpu.vector_load %arg14[%parallel_loop3A_161, %parallel_loop3A_162] {strides = array<i32>} : memref<128x128xf32, #tpu.memory_space<vmem>>, vector<16xf32>,
      %parallel_loop3A_164 = arith.mulf %parallel_loop3A_135, %parallel_loop3A_163 : vector<16xf32>
      %parallel_loop3A_165 = arith.index_cast %parallel_loop3A_131 : i32 to index
      %parallel_loop3A_166 = arith.constant 32 : index
      %parallel_loop3A_167 = tpu.vector_load %arg16[%parallel_loop3A_165, %parallel_loop3A_166] {strides = array<i32>} : memref<128x128xf32, #tpu.memory_space<vmem>>, vector<16xf32>,
      %parallel_loop3A_168 = arith.mulf %parallel_loop3A_136, %parallel_loop3A_167 : vector<16xf32>
      %parallel_loop3A_169 = arith.addf %parallel_loop3A_164, %parallel_loop3A_168 : vector<16xf32>
      %parallel_loop3A_170 = arith.index_cast %parallel_loop3A_131 : i32 to index
      %parallel_loop3A_171 = arith.constant 32 : index
      %parallel_loop3A_172 = tpu.vector_load %arg18[%parallel_loop3A_170, %parallel_loop3A_171] {strides = array<i32>} : memref<128x128xf32, #tpu.memory_space<vmem>>, vector<16xf32>,
      tpu.vector_store %arg18[%parallel_loop3A_170, %parallel_loop3A_171], %parallel_loop3A_169 {strides = array<i32>} : memref<128x128xf32, #tpu.memory_space<vmem>>, vector<16xf32>,
      %parallel_loop3A_173 = arith.index_cast %parallel_loop3A_131 : i32 to index
      %parallel_loop3A_174 = arith.constant 48 : index
      %parallel_loop3A_175 = tpu.vector_load %arg14[%parallel_loop3A_173, %parallel_loop3A_174] {strides = array<i32>} : memref<128x128xf32, #tpu.memory_space<vmem>>, vector<16xf32>,
      %parallel_loop3A_176 = arith.mulf %parallel_loop3A_135, %parallel_loop3A_175 : vector<16xf32>
      %parallel_loop3A_177 = arith.index_cast %parallel_loop3A_131 : i32 to index
      %parallel_loop3A_178 = arith.constant 48 : index
      %parallel_loop3A_179 = tpu.vector_load %arg16[%parallel_loop3A_177, %parallel_loop3A_178] {strides = array<i32>} : memref<128x128xf32, #tpu.memory_space<vmem>>, vector<16xf32>,
      %parallel_loop3A_180 = arith.mulf %parallel_loop3A_136, %parallel_loop3A_179 : vector<16xf32>
      %parallel_loop3A_181 = arith.addf %parallel_loop3A_176, %parallel_loop3A_180 : vector<16xf32>
      %parallel_loop3A_182 = arith.index_cast %parallel_loop3A_131 : i32 to index
      %parallel_loop3A_183 = arith.constant 48 : index
      %parallel_loop3A_184 = tpu.vector_load %arg18[%parallel_loop3A_182, %parallel_loop3A_183] {strides = array<i32>} : memref<128x128xf32, #tpu.memory_space<vmem>>, vector<16xf32>,
      tpu.vector_store %arg18[%parallel_loop3A_182, %parallel_loop3A_183], %parallel_loop3A_181 {strides = array<i32>} : memref<128x128xf32, #tpu.memory_space<vmem>>, vector<16xf32>,
      %parallel_loop3A_185 = arith.index_cast %parallel_loop3A_131 : i32 to index
      %parallel_loop3A_186 = arith.constant 64 : index
      %parallel_loop3A_187 = tpu.vector_load %arg14[%parallel_loop3A_185, %parallel_loop3A_186] {strides = array<i32>} : memref<128x128xf32, #tpu.memory_space<vmem>>, vector<16xf32>,
      %parallel_loop3A_188 = arith.mulf %parallel_loop3A_135, %parallel_loop3A_187 : vector<16xf32>
      %parallel_loop3A_189 = arith.index_cast %parallel_loop3A_131 : i32 to index
      %parallel_loop3A_190 = arith.constant 64 : index
      %parallel_loop3A_191 = tpu.vector_load %arg16[%parallel_loop3A_189, %parallel_loop3A_190] {strides = array<i32>} : memref<128x128xf32, #tpu.memory_space<vmem>>, vector<16xf32>,
      %parallel_loop3A_192 = arith.mulf %parallel_loop3A_136, %parallel_loop3A_191 : vector<16xf32>
      %parallel_loop3A_193 = arith.addf %parallel_loop3A_188, %parallel_loop3A_192 : vector<16xf32>
      %parallel_loop3A_194 = arith.index_cast %parallel_loop3A_131 : i32 to index
      %parallel_loop3A_195 = arith.constant 64 : index
      %parallel_loop3A_196 = tpu.vector_load %arg18[%parallel_loop3A_194, %parallel_loop3A_195] {strides = array<i32>} : memref<128x128xf32, #tpu.memory_space<vmem>>, vector<16xf32>,
      tpu.vector_store %arg18[%parallel_loop3A_194, %parallel_loop3A_195], %parallel_loop3A_193 {strides = array<i32>} : memref<128x128xf32, #tpu.memory_space<vmem>>, vector<16xf32>,
      %parallel_loop3A_197 = arith.index_cast %parallel_loop3A_131 : i32 to index
      %parallel_loop3A_198 = arith.constant 80 : index
      %parallel_loop3A_199 = tpu.vector_load %arg14[%parallel_loop3A_197, %parallel_loop3A_198] {strides = array<i32>} : memref<128x128xf32, #tpu.memory_space<vmem>>, vector<16xf32>,
      %parallel_loop3A_200 = arith.mulf %parallel_loop3A_135, %parallel_loop3A_199 : vector<16xf32>
      %parallel_loop3A_201 = arith.index_cast %parallel_loop3A_131 : i32 to index
      %parallel_loop3A_202 = arith.constant 80 : index
      %parallel_loop3A_203 = tpu.vector_load %arg16[%parallel_loop3A_201, %parallel_loop3A_202] {strides = array<i32>} : memref<128x128xf32, #tpu.memory_space<vmem>>, vector<16xf32>,
      %parallel_loop3A_204 = arith.mulf %parallel_loop3A_136, %parallel_loop3A_203 : vector<16xf32>
      %parallel_loop3A_205 = arith.addf %parallel_loop3A_200, %parallel_loop3A_204 : vector<16xf32>
      %parallel_loop3A_206 = arith.index_cast %parallel_loop3A_131 : i32 to index
      %parallel_loop3A_207 = arith.constant 80 : index
      %parallel_loop3A_208 = tpu.vector_load %arg18[%parallel_loop3A_206, %parallel_loop3A_207] {strides = array<i32>} : memref<128x128xf32, #tpu.memory_space<vmem>>, vector<16xf32>,
      tpu.vector_store %arg18[%parallel_loop3A_206, %parallel_loop3A_207], %parallel_loop3A_205 {strides = array<i32>} : memref<128x128xf32, #tpu.memory_space<vmem>>, vector<16xf32>,
      %parallel_loop3A_209 = arith.index_cast %parallel_loop3A_131 : i32 to index
      %parallel_loop3A_210 = arith.constant 96 : index
      %parallel_loop3A_211 = tpu.vector_load %arg14[%parallel_loop3A_209, %parallel_loop3A_210] {strides = array<i32>} : memref<128x128xf32, #tpu.memory_space<vmem>>, vector<16xf32>,
      %parallel_loop3A_212 = arith.mulf %parallel_loop3A_135, %parallel_loop3A_211 : vector<16xf32>
      %parallel_loop3A_213 = arith.index_cast %parallel_loop3A_131 : i32 to index
      %parallel_loop3A_214 = arith.constant 96 : index
      %parallel_loop3A_215 = tpu.vector_load %arg16[%parallel_loop3A_213, %parallel_loop3A_214] {strides = array<i32>} : memref<128x128xf32, #tpu.memory_space<vmem>>, vector<16xf32>,
      %parallel_loop3A_216 = arith.mulf %parallel_loop3A_136, %parallel_loop3A_215 : vector<16xf32>
      %parallel_loop3A_217 = arith.addf %parallel_loop3A_212, %parallel_loop3A_216 : vector<16xf32>
      %parallel_loop3A_218 = arith.index_cast %parallel_loop3A_131 : i32 to index
      %parallel_loop3A_219 = arith.constant 96 : index
      %parallel_loop3A_220 = tpu.vector_load %arg18[%parallel_loop3A_218, %parallel_loop3A_219] {strides = array<i32>} : memref<128x128xf32, #tpu.memory_space<vmem>>, vector<16xf32>,
      tpu.vector_store %arg18[%parallel_loop3A_218, %parallel_loop3A_219], %parallel_loop3A_217 {strides = array<i32>} : memref<128x128xf32, #tpu.memory_space<vmem>>, vector<16xf32>,
      %parallel_loop3A_221 = arith.index_cast %parallel_loop3A_131 : i32 to index
      %parallel_loop3A_222 = arith.constant 112 : index
      %parallel_loop3A_223 = tpu.vector_load %arg14[%parallel_loop3A_221, %parallel_loop3A_222] {strides = array<i32>} : memref<128x128xf32, #tpu.memory_space<vmem>>, vector<16xf32>,
      %parallel_loop3A_224 = arith.mulf %parallel_loop3A_135, %parallel_loop3A_223 : vector<16xf32>
      %parallel_loop3A_225 = arith.index_cast %parallel_loop3A_131 : i32 to index
      %parallel_loop3A_226 = arith.constant 112 : index
      %parallel_loop3A_227 = tpu.vector_load %arg16[%parallel_loop3A_225, %parallel_loop3A_226] {strides = array<i32>} : memref<128x128xf32, #tpu.memory_space<vmem>>, vector<16xf32>,
      %parallel_loop3A_228 = arith.mulf %parallel_loop3A_136, %parallel_loop3A_227 : vector<16xf32>
      %parallel_loop3A_229 = arith.addf %parallel_loop3A_224, %parallel_loop3A_228 : vector<16xf32>
      %parallel_loop3A_230 = arith.index_cast %parallel_loop3A_131 : i32 to index
      %parallel_loop3A_231 = arith.constant 112 : index
      %parallel_loop3A_232 = tpu.vector_load %arg18[%parallel_loop3A_230, %parallel_loop3A_231] {strides = array<i32>} : memref<128x128xf32, #tpu.memory_space<vmem>>, vector<16xf32>,
      tpu.vector_store %arg18[%parallel_loop3A_230, %parallel_loop3A_231], %parallel_loop3A_229 {strides = array<i32>} : memref<128x128xf32, #tpu.memory_space<vmem>>, vector<16xf32>,
    } {sc.loop_unroll_factor = 4 : i64, sc.parallel_access}
    %add3A_117 = arith.constant 384 : i32
    %add3A_118 = arith.addi %mul3A_2, %add3A_117 : i32
    %dma_start3A_119 = arith.constant 0 : i32
    %dma_start3A_120 = tpu.memref_slice %arg7[%add3A_118, %dma_start3A_119] : memref<16384x128xf32, #tpu.memory_space<hbm>> -> memref<128x128xf32, #tpu.memory_space<hbm>>
    %dma_start3A_121 = arith.constant 0 : i32
    %dma_start3A_122 = tpu.memref_slice %arg7[%add3A_118, %dma_start3A_121] : memref<16384x128xf32, #tpu.memory_space<hbm>> -> memref<128x128xf32, #tpu.memory_space<hbm>>
    tpu.enqueue_dma source(%arg18 : memref<128x128xf32, #tpu.memory_space<vmem>>) target(%dma_start3A_122 : memref<128x128xf32, #tpu.memory_space<hbm>>) target_semaphore(%arg22 : memref<!tpu.dma_semaphore, #tpu.memory_space<semaphore_mem>>)
    %dma_wait3A_123 = arith.constant 0 : i32
    %dma_wait3A_124 = tpu.memref_slice %arg7[%add3A_97, %dma_wait3A_123] : memref<16384x128xf32, #tpu.memory_space<hbm>> -> memref<128x128xf32, #tpu.memory_space<hbm>>
    %dma_wait3A_125 = arith.constant 0 : i32
    %dma_wait3A_126 = tpu.memref_slice %arg7[%add3A_97, %dma_wait3A_125] : memref<16384x128xf32, #tpu.memory_space<hbm>> -> memref<128x128xf32, #tpu.memory_space<hbm>>
    tpu.wait_dma2 semaphore(%arg21 : memref<!tpu.dma_semaphore, #tpu.memory_space<semaphore_mem>>) src(%arg17 : memref<128x128xf32, #tpu.memory_space<vmem>>) dst(%dma_wait3A_126 : memref<128x128xf32, #tpu.memory_space<hbm>>)
    %dma_wait3A_127 = arith.constant 0 : i32
    %dma_wait3A_128 = tpu.memref_slice %arg7[%add3A_118, %dma_wait3A_127] : memref<16384x128xf32, #tpu.memory_space<hbm>> -> memref<128x128xf32, #tpu.memory_space<hbm>>
    %dma_wait3A_129 = arith.constant 0 : i32
    %dma_wait3A_130 = tpu.memref_slice %arg7[%add3A_118, %dma_wait3A_129] : memref<16384x128xf32, #tpu.memory_space<hbm>> -> memref<128x128xf32, #tpu.memory_space<hbm>>
    tpu.wait_dma2 semaphore(%arg22 : memref<!tpu.dma_semaphore, #tpu.memory_space<semaphore_mem>>) src(%arg18 : memref<128x128xf32, #tpu.memory_space<vmem>>) dst(%dma_wait3A_130 : memref<128x128xf32, #tpu.memory_space<hbm>>)
    return
  }
}

</mosaic_0001>

<sc_bundles>
// kernel: kernel.3.cloned.1.call-start
scs
__scs_entry_jumppad:
0x0: {  	(pc) =	sbr.rel $0x88, $3  }
0x1: {  	(tag) =	ssettag $0x0;
	lr =	simm.s32 $0x1  }
0x2: {  	[smem:$0x3F9C] =	sst lr;
	_ =	strace $0xD0000000  }
0x3: {  	_ = 	snop  }
0x4: {  	_ = 	snop  }
0x5: {  	_ = 	snop  }
0x6: {  	_ = 	snop  }
0x7: {  	_ = 	snop  }
__scs_overlays_trampoline_lowered:
0x8: {  	[smem:$0x3FAB] =	sst s0  }
0x9: {  	[smem:$0x3FAC] =	sst s1  }
0xa: {  	[smem:$0x3FAD] =	sst s2  }
0xb: {  	[smem:$0x3FAE] =	sst s3  }
0xc: {  	[smem:$0x3FAF] =	sst s4  }
0xd: {  	[smem:$0x3FB0] =	sst s5  }
0xe: {  	[smem:$0x3FB1] =	sst s6  }
0xf: {  	[smem:$0x3FB2] =	sst s7  }
0x10: {  	[smem:$0x3FB3] =	sst s8  }
0x11: {  	[smem:$0x3FB4] =	sst s9;
	s0 =	simm.s32 @!p0 $0x0  }
0x12: {  	s1 =	sld [smem:$0x3F9A];
	s0 =	simm.s32 @p0 $0x1  }
0x13: {  	[smem:$0x3FB5] =	sst s0;
	s0 =	simm.s32 @!p1 $0x0  }
0x14: {  	s2 =	sld [smem:$0x3F99];
	s0 =	simm.s32 @p1 $0x1  }
0x15: {  	[smem:$0x3FB6] =	sst s0;
	s0 =	simm.s32 @!p2 $0x0  }
0x16: {  	s3 =	sld [smem:$0x3FDB];
	s0 =	simm.s32 @p2 $0x1  }
0x17: {  	s4 =	simm.s32 $0x1BF5;
	[smem:$0x3FB8] =	sst s0  }
0x18: {  	s0 =	sld [smem:$0x3F9B];
	_ =	swait.ge [sflag:s4], $0x0  }
0x19: {  	s7 =	sld [smem:$0x3F9C]  }
0x1a: {  	s8 =	sadd.s32 $0xFFFFE003, lr  }
0x1b: {  	s9 =	sadd.s32 $0xFFFFFEF7, lr;
	s5 =	simm.s32 $0xFFFFFFFF;
	p2 =	slt.u32 s8, $0xFFFFF086  }
0x1c: {  	p1 =	slt.u32 s9, $0xF7A;
	s5 =	simm.s32 @!p2 $0x0  }
0x1d: {  	s5 =	simm.s32 @p1 $0x1;
	p0 =	seq.s32 s7, s2  }
0x1e: {  	s7 =	smul.u32 @!p0 $0xF7A, s2;
	p2 =	seq.s32 @!p0 s5, $0x0  }
0x1f: {  	s9 =	smul.u32 $0xF7A, s1;
	s8 =	simm.s32 @!p0 $0x1BF5;
	p2 =	por !p2, p0  }
0x20: {  	[sflag:s8] =	ssyncset.s32 @!p0 $0xFFFFF086;
	s6 =	sadd.s32 @!p0 s3, s7;
	s7 =	simm.s32 @!p0 $0x108  }
0x21: {  	s3 =	sadd.s32 s3, s9;
	s6 =	sadd.s32 @!p0 $0x88, s6;
	s7 =	simm.s32 @p2 $0x1082  }
0x22: {  	[simem:s7], [sflag:s8] =	dma.local @!p0 [hbm:s6], $0xF7A  }
0x23: {  	s9 =	sor.u32 $0xD0000000, s2;
	s6 =	simm.s32 $0x108;
	_ =	swait.ge @!p0 [sflag:s8], $0x0  }
0x24: {  	s3 =	sadd.s32 $0x88, s3;
	s6 =	simm.s32 @!p1 $0x1082;
	[sflag:s4] =	ssyncset.s32 $0xFFFFF086  }
0x25: {  	[simem:s6], [sflag:s4] =	dma.local [hbm:s3], $0xF7A  }
0x26: {  	[smem:$0x3F9C] =	sst s1;
	(tag) =	ssettag s2;
	_ =	strace s9  }
0x27: {  	s1 =	sld [smem:$0x3FAC]  }
0x28: {  	s2 =	sld [smem:$0x3FAD]  }
0x29: {  	s4 =	sld [smem:$0x3FAF]  }
0x2a: {  	p0 =	seq.s32 s5, $0x0;
	s5 =	sld [smem:$0x3FB0]  }
0x2b: {  	s6 =	sld [smem:$0x3FB1]  }
0x2c: {  	s7 =	sld [smem:$0x3FB2]  }
0x2d: {  	s3 =	simm.s32 $0x108;
	s8 =	sld [smem:$0x3FB3]  }
0x2e: {  	s3 =	simm.s32 @!p0 $0x1082;
	s9 =	sld [smem:$0x3FB4]  }
0x2f: {  	lr =	sadd.s32 s0, s3;
	s0 =	sld [smem:$0x3FAB]  }
0x30: {  	s3 =	sld [smem:$0x3FAE]  }
0x31: {  	[smem:$0x3FB7] =	sst s10  }
0x32: {  	s10 =	sld [smem:$0x3FB5];
	_ =	sdelay $0x3  }
0x33: {  	p0 =	seq.s32 s10, $0x1;
	s10 =	sld [smem:$0x3FB7];
	_ =	sdelay $0x3  }
0x34: {  	[smem:$0x3FB7] =	sst s10  }
0x35: {  	s10 =	sld [smem:$0x3FB6];
	_ =	sdelay $0x3  }
0x36: {  	p1 =	seq.s32 s10, $0x1;
	s10 =	sld [smem:$0x3FB7];
	_ =	sdelay $0x3  }
0x37: {  	[smem:$0x3FB7] =	sst s10  }
0x38: {  	s10 =	sld [smem:$0x3FB8]  }
0x39: {  	_ = 	snop;
	(pc) =	sbr.ind lr, $3  }
0x3a: {  	_ = 	snop  }
0x3b: {  	_ = 	snop  }
0x3c: {  	p2 =	seq.s32 s10, $0x1;
	s10 =	sld [smem:$0x3FB7]  }
0x3d: {  	_ =	shalt  }
0x3e: {  	_ =	shalt  }
0x3f: {  	_ =	shalt  }
0x40: {  	_ =	shalt  }
0x41: {  	_ =	shalt  }
0x42: {  	_ =	shalt  }
0x43: {  	_ =	shalt  }
0x44: {  	_ =	shalt  }
0x45: {  	_ =	shalt  }
0x46: {  	_ =	shalt  }
0x47: {  	_ =	shalt  }
0x48: {  	_ =	shalt  }
0x49: {  	_ =	shalt  }
0x4a: {  	_ =	shalt  }
0x4b: {  	_ =	shalt  }
0x4c: {  	_ =	shalt  }
0x4d: {  	_ =	shalt  }
0x4e: {  	_ =	shalt  }
0x4f: {  	_ =	shalt  }
0x50: {  	_ =	shalt  }
0x51: {  	_ =	shalt  }
0x52: {  	_ =	shalt  }
0x53: {  	_ =	shalt  }
0x54: {  	_ =	shalt  }
0x55: {  	_ =	shalt  }
0x56: {  	_ =	shalt  }
0x57: {  	_ =	shalt  }
0x58: {  	_ =	shalt  }
0x59: {  	_ =	shalt  }
0x5a: {  	_ =	shalt  }
0x5b: {  	_ =	shalt  }
0x5c: {  	_ =	shalt  }
0x5d: {  	_ =	shalt  }
0x5e: {  	_ =	shalt  }
0x5f: {  	_ =	shalt  }
0x60: {  	_ =	shalt  }
0x61: {  	_ =	shalt  }
0x62: {  	_ =	shalt  }
0x63: {  	_ =	shalt  }
0x64: {  	_ =	shalt  }
0x65: {  	_ =	shalt  }
0x66: {  	_ =	shalt  }
0x67: {  	_ =	shalt  }
0x68: {  	_ =	shalt  }
0x69: {  	_ =	shalt  }
0x6a: {  	_ =	shalt  }
0x6b: {  	_ =	shalt  }
0x6c: {  	_ =	shalt  }
0x6d: {  	_ =	shalt  }
0x6e: {  	_ =	shalt  }
0x6f: {  	_ =	shalt  }
0x70: {  	_ =	shalt  }
0x71: {  	_ =	shalt  }
0x72: {  	_ =	shalt  }
0x73: {  	_ =	shalt  }
0x74: {  	_ =	shalt  }
0x75: {  	_ =	shalt  }
0x76: {  	_ =	shalt  }
0x77: {  	_ =	shalt  }
0x78: {  	_ =	shalt  }
0x79: {  	_ =	shalt  }
0x7a: {  	_ =	shalt  }
0x7b: {  	_ =	shalt  }
0x7c: {  	_ =	shalt  }
0x7d: {  	_ =	shalt  }
0x7e: {  	_ =	shalt  }
0x7f: {  	_ =	shalt  }
0x80: {  	_ =	shalt  }
0x81: {  	_ =	shalt  }
0x82: {  	_ =	shalt  }
0x83: {  	_ =	shalt  }
0x84: {  	_ =	shalt  }
0x85: {  	_ =	shalt  }
0x86: {  	_ =	shalt  }
0x87: {  	_ =	shalt  }
.Lfunc_end0:
.L_simem_size_0:
called_computation_lowered:
.L_overlay_start_0:
0x88: {  	s2 =	sld [smem:$0x3FD9]  }
0x89: {  	s3 =	sld [smem:$0x3FFE];
	_ =	sdelay $0x1  }
0x8a: {  	s1 =	srdreg.scid  }
0x8b: {  	s0 =	sand.u32 $0x1, s1  }
0x8c: {  	s18 =	sshll.u32 s0, $0xA;
	s2 =	sadd.s32 s3, s2  }
0x8d: {  	s2 =	sadd.s32 s2, s18  }
0x8e: {  	[smem:$0x3FC3] =	sst s2  }
0x8f: {  	_ = 	snop  }
0x90: {  	s2 =	sld [smem:$0x3FC9]  }
0x91: {  	s19 =	sld [smem:$0x3FC8]  }
0x92: {  	s4 =	sld [smem:$0x3FC7]  }
0x93: {  	s5 =	sld [smem:$0x3FC6]  }
0x94: {  	s6 =	sld [smem:$0x3FC5]  }
0x95: {  	s7 =	sld [smem:$0x3FD0];
	(tm) =	ssettm $0x1  }
0x96: {  	s8 =	sld [smem:$0x3FFB];
	_ =	sdelay $0x3  }
0x97: {  	_ =	strace s8  }
0x98: {  	s8 =	sld [smem:$0x3FFC];
	_ =	sdelay $0x3  }
0x99: {  	_ =	strace s8  }
0x9a: {  	s8 =	sld [smem:$0x3FFD];
	_ =	sdelay $0x3  }
0x9b: {  	_ =	strace s8  }
0x9c: {  	_ =	strace $0x8FFFFFFF  }
0x9d: {  	s20 =	sld [smem:$0x3FDB];
	_ =	sdelay $0x1  }
0x9e: {  	s9 =	simm.s32 $_scs_section_size  }
0x9f: {  	s10 =	simm.s32 $_size__tile_overlayer_lowered;
	s11 =	simm.s32 $_tile_overlayer_lowered  }
0xa0: {  	s23 =	simm.s32 $0x1BFF;
	s22 =	sshll.u32 s11, $0x1;
	s8 =	sadd.s32 s9, s20  }
0xa1: {  	s12 =	simm.s32 $0x0;
	s21 =	sshll.u32 s10, $0x1;
	s10 =	sadd.s32 s22, s8  }
0xa2: {  	[timem:s12], [sflag:s23] =	dma.local [hbm:s10], s21  }
0xa3: {  	_ =	swait.ge [sflag:s23], s21  }
0xa4: {  	s9 =	ssub.s32 $0x0, s21;
	[sflag:s23] =	ssyncset.done $0x0  }
0xa5: {  	[sflag:s23] =	ssyncadd.s32 s9;
	_ =	sdelay $0x1  }
0xa6: {  	s24 =	simm.s32 $0x1B8B  }
0xa7: {  	_ =	swait.ge [sflag:s24], $0x1  }
0xa8: {  	[sflag:s24] =	ssyncset.done $0x0  }
0xa9: {  	s25 =	simm.s32 $0x1B8E;
	[sflag:s24] =	ssyncadd.s32 $0xFFFFFFFF  }
0xaa: {  	s26 =	simm.s32 $execute0_lowered;
	[smem:$0x3FD2] =	sst s25  }
0xab: {  	s9 =	sshll.u32 s26, $0x1;
	_ =	strace $0x80000046;
	[dreg:$0x1] =	wrdreg $0xFFFFFFFF  }
0xac: {  	s28 =	simm.s32 $_size_execute0_lowered;
	s8 =	sadd.s32 s8, s9;
	[dreg:$0x0] =	wrdreg $0x0  }
0xad: {  	s9 =	sshll.u32 s28, $0x1;
	[dreg:$0x2] =	wrdreg s8  }
0xae: {  	[dreg:$0x3] =	wrdreg s9  }
0xaf: {  	[dreg:$0x4] =	wrdreg $0xC0  }
0xb0: {  	_ =	task [dreg:s12], $0x5FFFF  }
0xb1: {  	[dreg:$0x1] =	wrdreg $0xFFFFFFFF  }
0xb2: {  	[dreg:$0x0] =	wrdreg $0x60  }
0xb3: {  	[dreg:$0x2] =	wrdreg s2  }
0xb4: {  	[dreg:$0x3] =	wrdreg s19  }
0xb5: {  	[dreg:$0x4] =	wrdreg s4  }
0xb6: {  	[dreg:$0x5] =	wrdreg s5  }
0xb7: {  	[dreg:$0x6] =	wrdreg s6  }
0xb8: {  	[dreg:$0x7] =	wrdreg s7  }
0xb9: {  	[dreg:$0x8] =	wrdreg $0x9  }
0xba: {  	_ =	task.clear_ibuf [dreg:s12], $0x9FFFF;
	_ =	strace $0x90000046  }
0xbb: {  	s29 =	simm.s32 $0x9;
	_ =	strace $0x80000048  }
0xbc: {  	_ =	swait.ge [sflag:s29], $0x1  }
0xbd: {  	[sflag:s29] =	ssyncadd.s32 $0xFFFFFFFF  }
0xbe: {  	_ =	strace $0x90000048  }
0xbf: {  	_ =	sfence  }
0xc0: {  	s30 =	sld [smem:$0x0];
	_ =	sdelay $0x2  }
0xc1: {  	s31 =	sshll.u32 s1, $0xD;
	s1 =	sshrl.u32 s1, $0x2  }
0xc2: {  	s3 =	sand.u32 $0x4000, s31;
	s1 =	sadd.s32 s1, s30  }
0xc3: {  	s0 =	sor.u32 s3, s0;
	s1 =	sshll.u32 s1, $0x11  }
0xc4: {  	s0 =	sor.u32 s1, s0  }
0xc5: {  	s0 =	sadd.s32 $0x8F2B, s0  }
0xc6: {  	[sflag:s0] =	ssyncadd.remote.s32 $0x1  }
0xc7: {  	_ =	sfence.sel $0xFFFF  }
0xc8: {  	[dreg:$0x0] =	wrdreg $0xFFFFFFFF;
	(pc) =	sbr.abs _section_cstart, $3  }
0xc9: {  	[dreg:$0x1] =	wrdreg $0xFFFFFFFF  }
0xca: {  	_ =	task.clear_ibuf [dreg:s12], $0x2FFFF;
	_ =	strace $0x9FFFFFFF  }
0xcb: {  	(tm) =	ssettm $0x7FFFFFFF  }
tec
execute0_lowered:
.L_overlay_start_1:
0x0: {  	(tag) =	ssettag $0x1  }
0x1: {  	s0 =	rddreg [dreg:$0x0]  }
0x2: {  	s1 =	rddreg [dreg:$0x1]  }
0x3: {  	s2 =	rddreg [dreg:$0x2]  }
0x4: {  	s3 =	srdreg.scid;
	s5 =	rddreg [dreg:$0x5]  }
0x5: {  	s4 =	stileid.u32;
	s23 =	simm.s32 $0x200;
	s28 =	simm.s32 $0xA00  }
0x6: {  	s29 =	simm.s32 $0xC00;
	s31 =	simm.s32 $0x2;
	s3 =	sand.u32 $0x1, s3  }
0x7: {  	s6 =	sshll.u32 s4, $0xA;
	s4 =	simm.s32 $0x0;
	s7 =	sshll.u32 s3, $0x9  }
0x8: {  	s3 =	ssub.s32 $0x2, s3;
	[smem:$0x7FF] =	sst s4;
	s9 =	sor.u32 s7, s6  }
0x9: {  	s24 =	sshrl.u32 s3, $0x1;
	_ =	strace $0x80000047;
	s14 =	sshll.u32 s9, $0x4  }
0xa: {  	s3 =	ssub.s32 s3, s24;
	s9 =	sshrl.u32 s9, $0x3;
	s24 =	simm.s32 $0x600  }
0xb: {  	s13 =	sor.u32 $0x800, s14;
	s25 =	sadd.s32 s0, s14;
	s26 =	sadd.s32 s1, s14  }
0xc: {  	s16 =	sor.u32 $0x1000, s14;
	s9 =	sadd.s32 s2, s9;
	s10 =	sadd.s32 s5, s14  }
0xd: {  	s30 =	sor.u32 $0x1800, s14;
	s18 =	smax.u32 s3, $0x1;
	[dreg:$0x7] =	wrdreg s25  }
0xe: {  	s2 =	simm.s32 $0x4;
	s3 =	simm.s32 $0x0;
	[dreg:$0x8] =	wrdreg s26  }
0xf: {  	s7 =	sadd.s32 s0, s13;
	s8 =	sadd.s32 s1, s13;
	s11 =	sadd.s32 s0, s16  }
0x10: {  	s12 =	sadd.s32 s1, s16;
	s13 =	sadd.s32 s5, s13;
	s14 =	sadd.s32 s0, s30  }
0x11: {  	s15 =	sadd.s32 s1, s30;
	s16 =	sadd.s32 s5, s16;
	s17 =	sadd.s32 s5, s30  }
0x12: {  	s25 =	simm.s32 $0x5;
	s26 =	simm.s32 $0x1;
	s1 =	simm.s32 $0x3  }
.LBB2_1:
0x13: {  	s0 =	rddreg [dreg:$0x7];
	s5 =	simm.s32 $0xE00  }
0x14: {  	[tilespmem:s5], [sflag:$0x1] =	stream.linear.gather [hbm4b:s0+s4], $0x4000, $0x38;
	[tilespmem:$0x18E00] =	vst v63  }
0x15: {  	s22 =	rddreg [dreg:$0x8];
	s30 =	simm.s32 $0x8E00  }
0x16: {  	[tilespmem:s30], [sflag:$0x1] =	stream.linear.gather [hbm4b:s22+s4], $0x4000, $0x38;
	[tilespmem:$0x18E00] =	vst v63  }
0x17: {  	s5 =	simm.s32 $0x4E00  }
0x18: {  	[tilespmem:s5], [sflag:$0x2] =	stream.linear.gather [hbm4b:s7+s4], $0x4000, $0x38;
	[tilespmem:$0x18E00] =	vst v63  }
0x19: {  	s6 =	simm.s32 $0xCE00  }
0x1a: {  	[tilespmem:s6], [sflag:$0x2] =	stream.linear.gather [hbm4b:s8+s4], $0x4000, $0x38;
	[tilespmem:$0x18E00] =	vst v63  }
0x1b: {  	_ = 	snop  }
0x1c: {  	[tilespmem:s4], [sflag:$0x5] =	stream.linear.gather [hbm4b:s9+s4], $0x200, $0x38;
	[tilespmem:$0x18E00] =	vst v63  }
0x1d: {  	s19 =	rddreg [dreg:$0x3]  }
0x1e: {  	[tilespmem:s23], [sflag:$0x5] =	stream.linear.gather [hbm4b:s19+s4], $0x400, $0x38;
	[tilespmem:$0x18E00] =	vst v63  }
0x1f: {  	s20 =	rddreg [dreg:$0x4]  }
0x20: {  	[tilespmem:s24], [sflag:$0x5] =	stream.linear.gather [hbm4b:s20+s4], $0x400, $0x38;
	[tilespmem:$0x18E00] =	vst v63  }
0x21: {  	_ =	swait.ge [sflag:s25], $0x200  }
0x22: {  	[sflag:s25] =	ssyncset.done $0x0  }
0x23: {  	[sflag:s25] =	ssyncadd.s32 $0xFFFFFE00  }
0x24: {  	_ =	swait.ge [sflag:s25], $0x400  }
0x25: {  	[sflag:s25] =	ssyncset.done $0x0  }
0x26: {  	[sflag:s25] =	ssyncadd.s32 $0xFFFFFC00  }
0x27: {  	_ =	swait.ge [sflag:s25], $0x400  }
0x28: {  	[sflag:s25] =	ssyncset.done $0x0  }
0x29: {  	s21 =	simm.s32 $0x20;
	[sflag:s25] =	ssyncadd.s32 $0xFFFFFC00  }
0x2a: {  	v1 =	vld [tilespmem:s21+$0xFFFFFFF0]  }
0x2b: {  	v2 =	vld [tilespmem:s21+$0x0]  }
0x2c: {  	v0 =	vld [tilespmem:s21+$0x10]  }
0x2d: {  	s22 =	simm.s32 $0x60;
	v5 =	vld [tilespmem:s21+$0xFFFFFFE0]  }
0x2e: {  	v7 =	vld [tilespmem:s22+$0xFFFFFFF0]  }
0x2f: {  	v6 =	vld [tilespmem:s22+$0x10]  }
0x30: {  	v10 =	vld [tilespmem:s22+$0x0];
	_ =	sdelay $0x1  }
0x31: {  	v4 =	vld.idx.msk [tilespmem:v1+s23+$0x0], $0xffff  }
0x32: {  	v8 =	vld.idx.msk [tilespmem:v2+s23+$0x0], $0xffff  }
0x33: {  	v3 =	vld.idx.msk [tilespmem:v0+s23+$0x0], $0xffff  }
0x34: {  	v11 =	vld.idx.msk [tilespmem:v5+s23+$0x0], $0xffff  }
0x35: {  	s30 =	simm.s32 $0xA20;
	v13 =	vld.idx.msk [tilespmem:v7+s23+$0x0], $0xffff  }
0x36: {  	[tilespmem:s30+$0xFFFFFFF0] =	vst v4;
	v4 =	vld.idx.msk [tilespmem:v6+s23+$0x0], $0xffff  }
0x37: {  	s20 =	simm.s32 $0xA0;
	[tilespmem:s30+$0x0] =	vst v8;
	v8 =	vld.idx.msk [tilespmem:v10+s23+$0x0], $0xffff  }
0x38: {  	[tilespmem:s30+$0x10] =	vst v3;
	v3 =	vld [tilespmem:s20+$0x10]  }
0x39: {  	v9 =	vld.idx.msk [tilespmem:v0+s24+$0x0], $0xffff  }
0x3a: {  	v0 =	vld [tilespmem:s22+$0xFFFFFFE0]  }
0x3b: {  	v12 =	vld.idx.msk [tilespmem:v1+s24+$0x0], $0xffff  }
0x3c: {  	v14 =	vld.idx.msk [tilespmem:v2+s24+$0x0], $0xffff  }
0x3d: {  	v1 =	vld [tilespmem:s20+$0xFFFFFFF0]  }
0x3e: {  	s0 =	simm.s32 $0xA60;
	v2 =	vld [tilespmem:s20+$0x0]  }
0x3f: {  	[tilespmem:s0+$0x10] =	vst v4;
	v4 =	vld [tilespmem:s20+$0xFFFFFFE0]  }
0x40: {  	s19 =	simm.s32 $0xC20;
	[tilespmem:s30+$0xFFFFFFE0] =	vst v11;
	v15 =	vld.idx.msk [tilespmem:v6+s24+$0x0], $0xffff  }
0x41: {  	[tilespmem:s19+$0x10] =	vst v9;
	v9 =	vld.idx.msk [tilespmem:v5+s24+$0x0], $0xffff  }
0x42: {  	[tilespmem:s0+$0xFFFFFFF0] =	vst v13;
	v11 =	vld.idx.msk [tilespmem:v0+s23+$0x0], $0xffff  }
0x43: {  	[tilespmem:s0+$0x0] =	vst v8;
	v5 =	vld.idx.msk [tilespmem:v7+s24+$0x0], $0xffff  }
0x44: {  	[tilespmem:s19+$0xFFFFFFF0] =	vst v12;
	v10 =	vld.idx.msk [tilespmem:v10+s24+$0x0], $0xffff  }
0x45: {  	s5 =	simm.s32 $0xC60;
	[tilespmem:s19+$0x0] =	vst v14;
	v6 =	vld.idx.msk [tilespmem:v3+s23+$0x0], $0xffff  }
0x46: {  	v7 =	vld.idx.msk [tilespmem:v1+s23+$0x0], $0xffff;
	[tilespmem:s5+$0x10] =	vst v15  }
0x47: {  	s21 =	simm.s32 $0xE0;
	s20 =	simm.s32 $0x8;
	v8 =	vld.idx.msk [tilespmem:v2+s23+$0x0], $0xffff;
	[tilespmem:s0+$0xFFFFFFE0] =	vst v11  }
.LBB2_2:
0x48: {  	v11 =	vld [tilespmem:s21+$0x10];
	s20 =	sadd.s32 $0x4, s20;
	[tilespmem:s19+$0xFFFFFFE0] =	vst v9;
	s19 =	smov.u32 s5  }
0x49: {  	s0 =	sadd.s32 $0x40, s0;
	v12 =	vld [tilespmem:s21+$0xFFFFFFF0];
	p0 =	slt.u32 s20, $0x1C;
	[tilespmem:s5+$0xFFFFFFF0] =	vst v5  }
0x4a: {  	v13 =	vld [tilespmem:s21+$0x0];
	[tilespmem:s0+$0x10] =	vst v6  }
0x4b: {  	[tilespmem:s0+$0xFFFFFFF0] =	vst v7;
	v14 =	vld.idx.msk [tilespmem:v3+s24+$0x0], $0xffff  }
0x4c: {  	v15 =	vld [tilespmem:s21+$0xFFFFFFE0];
	[tilespmem:s0+$0x0] =	vst v8  }
0x4d: {  	v16 =	vld.idx.msk [tilespmem:v4+s23+$0x0], $0xffff;
	[tilespmem:s5+$0x0] =	vst v10;
	v3 =	vmov v11  }
0x4e: {  	v9 =	vld.idx.msk [tilespmem:v0+s24+$0x0], $0xffff;
	v0 =	vmov v4  }
.Ltmp0:
0x4f: {  	v5 =	vld.idx.msk [tilespmem:v1+s24+$0x0], $0xffff;
	v1 =	vmov v12;
	(pc) =	sbr.rel @p0 .LBB2_2-.Ltmp0, $4  }
0x50: {  	s5 =	sadd.s32 $0x40, s5;
	v6 =	vld.idx.msk [tilespmem:v11+s23+$0x0], $0xffff  }
0x51: {  	v7 =	vld.idx.msk [tilespmem:v12+s23+$0x0], $0xffff;
	[tilespmem:s5+$0x10] =	vst v14;
	v4 =	vmov v15  }
0x52: {  	v8 =	vld.idx.msk [tilespmem:v13+s23+$0x0], $0xffff  }
0x53: {  	s21 =	sadd.s32 $0x40, s21;
	[tilespmem:s0+$0xFFFFFFE0] =	vst v16;
	v10 =	vld.idx.msk [tilespmem:v2+s24+$0x0], $0xffff;
	v2 =	vmov v13  }
0x54: {  	_ =	sdelay $0x3  }
0x55: {  	[tilespmem:s19+$0xFFFFFFE0] =	vst v9;
	v9 =	vld.idx.msk [tilespmem:v4+s23+$0x0], $0xffff  }
0x56: {  	s0 =	sadd.s32 $0x40, s0;
	[tilespmem:s5+$0xFFFFFFF0] =	vst v5  }
0x57: {  	v0 =	vld.idx.msk [tilespmem:v0+s24+$0x0], $0xffff;
	[tilespmem:s0+$0x10] =	vst v6  }
0x58: {  	v3 =	vld.idx.msk [tilespmem:v3+s24+$0x0], $0xffff;
	[tilespmem:s0+$0xFFFFFFF0] =	vst v7  }
0x59: {  	[tilespmem:s0+$0x0] =	vst v8;
	v1 =	vld.idx.msk [tilespmem:v1+s24+$0x0], $0xffff  }
0x5a: {  	v2 =	vld.idx.msk [tilespmem:v2+s24+$0x0], $0xffff;
	[tilespmem:s0+$0xFFFFFFE0] =	vst v9  }
0x5b: {  	[tilespmem:s5+$0x0] =	vst v10;
	v4 =	vld.idx.msk [tilespmem:v4+s24+$0x0], $0xffff  }
0x5c: {  	s22 =	sadd.s32 $0x40, s5;
	[tilespmem:s5+$0xFFFFFFE0] =	vst v0  }
0x5d: {  	[tilespmem:s22+$0x10] =	vst v3  }
0x5e: {  	[tilespmem:s22+$0xFFFFFFF0] =	vst v1  }
0x5f: {  	[tilespmem:s22+$0x0] =	vst v2  }
0x60: {  	s6 =	simm.s32 $0x0;
	[tilespmem:s22+$0xFFFFFFE0] =	vst v4  }
0x61: {  	s19 =	simm.s32 $0x3;
	v0 =	vmov s6;
	_ =	swait.ge [sflag:s26], $0x4000  }
0x62: {  	v0 =	vand.u32 $0xFFFFFFFC, v0;
	v2 =	vmov s19;
	[sflag:s26] =	ssyncset.done $0x0  }
0x63: {  	s20 =	simm.s32 $0x2;
	v3 =	vbroadcast v0, $0x0;
	[sflag:s26] =	ssyncadd.s32 $0xFFFFC000  }
0x64: {  	v0 =	vmov s20;
	_ =	swait.ge [sflag:s26], $0x4000  }
0x65: {  	v0 =	vand.u32 $0xFFFFFFFE, v0;
	[sflag:s26] =	ssyncset.done $0x0  }
0x66: {  	v5 =	vbroadcast v0, $0x0;
	[sflag:s26] =	ssyncadd.s32 $0xFFFFC000  }
0x67: {  	v1 =	vld.idx.msk [tilespmem:v2+s28+$0x0], $0xffff  }
0x68: {  	v0 =	vld.idx.msk [tilespmem:v2+s29+$0x0], $0xffff  }
0x69: {  	s21 =	simm.s32 $0x1;
	v2 =	vld.idx.msk [tilespmem:v3+s28+$0x0], $0xffff  }
0x6a: {  	s19 =	simm.s32 $0xF00;
	v4 =	vmov s21;
	v3 =	vld.idx.msk [tilespmem:v3+s29+$0x0], $0xffff  }
0x6b: {  	v4 =	vand.u32 $0xFFFFFFFD, v4;
	v8 =	vld [tilespmem:s19+$0x0]  }
0x6c: {  	v7 =	vbroadcast v4, $0x0;
	v4 =	vld.idx.msk [tilespmem:v5+s28+$0x0], $0xffff  }
0x6d: {  	s0 =	simm.s32 $0x8F00;
	v5 =	vld.idx.msk [tilespmem:v5+s29+$0x0], $0xffff  }
0x6e: {  	v9 =	vld [tilespmem:s0+$0x0]  }
0x6f: {  	v10 =	vld [tilespmem:s19+$0xFFFFFF00]  }
0x70: {  	v11 =	vld [tilespmem:s0+$0xFFFFFF00];
	_ =	sdelay $0x1  }
0x71: {  	v12 =	vld [tilespmem:s19+$0xFFFFFF80]  }
0x72: {  	v13 =	vld [tilespmem:s0+$0xFFFFFF80];
	v8 =	vmul.f32 v8, v4;
	v9 =	vmul.f32 v9, v5  }
0x73: {  	v6 =	vld.idx.msk [tilespmem:v7+s28+$0x0], $0xffff  }
0x74: {  	v7 =	vld.idx.msk [tilespmem:v7+s29+$0x0], $0xffff;
	v10 =	vmul.f32 v10, v2;
	v11 =	vmul.f32 v11, v3;
	v8 =	vadd.f32 v9, v8  }
0x75: {  	s20 =	simm.s32 $0x10F00;
	v14 =	vld [tilespmem:s0+$0x80]  }
0x76: {  	v9 =	vld [tilespmem:s19+$0x80];
	v10 =	vadd.f32 v11, v10;
	[tilespmem:s20+$0x0] =	vst v8  }
0x77: {  	v8 =	vld [tilespmem:s19+$0x10]  }
0x78: {  	v11 =	vmul.f32 v12, v6;
	[tilespmem:s20+$0xFFFFFF00] =	vst v10;
	v12 =	vld [tilespmem:s0+$0x10]  }
0x79: {  	v10 =	vmul.f32 v13, v7;
	v13 =	vld [tilespmem:s19+$0xFFFFFF10]  }
0x7a: {  	v15 =	vld [tilespmem:s0+$0xFFFFFF10]  }
0x7b: {  	v10 =	vadd.f32 v10, v11;
	v11 =	vmul.f32 v14, v0;
	v9 =	vmul.f32 v9, v1;
	_ =	sdelay $0x1  }
0x7c: {  	[tilespmem:s20+$0xFFFFFF80] =	vst v10;
	v9 =	vadd.f32 v11, v9;
	v8 =	vmul.f32 v8, v4;
	v11 =	vmul.f32 v12, v5  }
0x7d: {  	v12 =	vld [tilespmem:s0+$0xFFFFFF90]  }
0x7e: {  	v10 =	vld [tilespmem:s19+$0xFFFFFF90];
	[tilespmem:s20+$0x80] =	vst v9;
	v9 =	vmul.f32 v13, v2;
	v13 =	vmul.f32 v15, v3;
	v8 =	vadd.f32 v11, v8  }
0x7f: {  	v11 =	vld [tilespmem:s19+$0x90]  }
0x80: {  	v14 =	vld [tilespmem:s0+$0x90];
	v9 =	vadd.f32 v13, v9;
	[tilespmem:s20+$0x10] =	vst v8  }
0x81: {  	v8 =	vld [tilespmem:s19+$0x20]  }
0x82: {  	[tilespmem:s20+$0xFFFFFF10] =	vst v9;
	v9 =	vmul.f32 v12, v7;
	v12 =	vld [tilespmem:s0+$0x20]  }
0x83: {  	v10 =	vmul.f32 v10, v6;
	v13 =	vld [tilespmem:s19+$0xFFFFFF20]  }
0x84: {  	v15 =	vld [tilespmem:s0+$0xFFFFFF20]  }
0x85: {  	v11 =	vmul.f32 v11, v1;
	v9 =	vadd.f32 v9, v10;
	v10 =	vmul.f32 v14, v0;
	_ =	sdelay $0x1  }
0x86: {  	[tilespmem:s20+$0xFFFFFF90] =	vst v9;
	v9 =	vadd.f32 v10, v11;
	v8 =	vmul.f32 v8, v4;
	v11 =	vmul.f32 v12, v5  }
0x87: {  	v12 =	vld [tilespmem:s0+$0xFFFFFFA0]  }
0x88: {  	v10 =	vld [tilespmem:s19+$0xFFFFFFA0];
	[tilespmem:s20+$0x90] =	vst v9;
	v9 =	vmul.f32 v13, v2;
	v13 =	vmul.f32 v15, v3;
	v8 =	vadd.f32 v11, v8  }
0x89: {  	v11 =	vld [tilespmem:s19+$0xA0]  }
0x8a: {  	v14 =	vld [tilespmem:s0+$0xA0];
	v9 =	vadd.f32 v13, v9;
	[tilespmem:s20+$0x20] =	vst v8  }
0x8b: {  	v8 =	vld [tilespmem:s19+$0x30]  }
0x8c: {  	[tilespmem:s20+$0xFFFFFF20] =	vst v9;
	v9 =	vmul.f32 v12, v7;
	v12 =	vld [tilespmem:s0+$0x30]  }
0x8d: {  	v10 =	vmul.f32 v10, v6;
	v13 =	vld [tilespmem:s19+$0xFFFFFF30]  }
0x8e: {  	v15 =	vld [tilespmem:s0+$0xFFFFFF30]  }
0x8f: {  	v11 =	vmul.f32 v11, v1;
	v9 =	vadd.f32 v9, v10;
	v10 =	vmul.f32 v14, v0;
	_ =	sdelay $0x1  }
0x90: {  	[tilespmem:s20+$0xFFFFFFA0] =	vst v9;
	v9 =	vadd.f32 v10, v11;
	v8 =	vmul.f32 v8, v4;
	v11 =	vmul.f32 v12, v5  }
0x91: {  	v10 =	vld [tilespmem:s19+$0xFFFFFFB0]  }
0x92: {  	v12 =	vld [tilespmem:s0+$0xFFFFFFB0];
	[tilespmem:s20+$0xA0] =	vst v9;
	v9 =	vmul.f32 v13, v2;
	v13 =	vmul.f32 v15, v3;
	v8 =	vadd.f32 v11, v8  }
0x93: {  	s22 =	simm.s32 $0x7;
	v11 =	vld [tilespmem:s19+$0xB0]  }
0x94: {  	v15 =	vmov s22;
	v14 =	vld [tilespmem:s0+$0xB0];
	v9 =	vadd.f32 v13, v9;
	[tilespmem:s20+$0x30] =	vst v8  }
0x95: {  	v13 =	vld [tilespmem:s19+$0x40]  }
0x96: {  	v8 =	vmul.f32 v10, v6;
	[tilespmem:s20+$0xFFFFFF30] =	vst v9;
	v10 =	vld [tilespmem:s0+$0x40]  }
0x97: {  	v9 =	vmul.f32 v12, v7;
	v16 =	vld [tilespmem:s19+$0xFFFFFF40]  }
0x98: {  	v17 =	vld [tilespmem:s0+$0xFFFFFF40]  }
0x99: {  	v11 =	vmul.f32 v11, v1;
	v18 =	vadd.f32 v9, v8;
	v14 =	vmul.f32 v14, v0;
	v9 =	vld.idx.msk [tilespmem:v15+s28+$0x0], $0xffff  }
0x9a: {  	v8 =	vld.idx.msk [tilespmem:v15+s29+$0x0], $0xffff  }
0x9b: {  	[tilespmem:s20+$0xFFFFFFB0] =	vst v18;
	v11 =	vadd.f32 v14, v11;
	v13 =	vmul.f32 v13, v4;
	v10 =	vmul.f32 v10, v5  }
0x9c: {  	s21 =	simm.s32 $0x5;
	v14 =	vld [tilespmem:s19+$0xFFFFFFC0];
	v15 =	vmul.f32 v16, v2  }
0x9d: {  	s6 =	simm.s32 $0x4;
	v16 =	vld [tilespmem:s0+$0xFFFFFFC0];
	[tilespmem:s20+$0xB0] =	vst v11;
	v11 =	vmov s21;
	v17 =	vmul.f32 v17, v3;
	v13 =	vadd.f32 v10, v13  }
0x9e: {  	v12 =	vmov s6;
	v18 =	vld [tilespmem:s19+$0xC0];
	v11 =	vand.u32 $0xFFFFFFFD, v11  }
0x9f: {  	v12 =	vand.u32 $0xFFFFFFFC, v12;
	v19 =	vld [tilespmem:s0+$0xC0];
	v20 =	vbroadcast v11, $0x0;
	v11 =	vadd.f32 v17, v15;
	[tilespmem:s20+$0x40] =	vst v13  }
0xa0: {  	v12 =	vbroadcast v12, $0x0;
	v13 =	vld [tilespmem:s19+$0x50]  }
0xa1: {  	[tilespmem:s20+$0xFFFFFF40] =	vst v11;
	v15 =	vld [tilespmem:s0+$0x50]  }
0xa2: {  	v14 =	vmul.f32 v14, v6;
	v11 =	vmul.f32 v16, v7;
	v16 =	vld [tilespmem:s19+$0xFFFFFF50]  }
0xa3: {  	v17 =	vmul.f32 v18, v1;
	v18 =	vld [tilespmem:s0+$0xFFFFFF50]  }
0xa4: {  	v19 =	vmul.f32 v19, v0;
	v14 =	vadd.f32 v11, v14;
	_ =	sdelay $0x1  }
0xa5: {  	v10 =	vld.idx.msk [tilespmem:v12+s28+$0x0], $0xffff;
	[tilespmem:s20+$0xFFFFFFC0] =	vst v14;
	v14 =	vadd.f32 v19, v17  }
0xa6: {  	v11 =	vld.idx.msk [tilespmem:v12+s29+$0x0], $0xffff;
	v13 =	vmul.f32 v13, v4;
	v15 =	vmul.f32 v15, v5  }
0xa7: {  	v12 =	vld.idx.msk [tilespmem:v20+s28+$0x0], $0xffff;
	[tilespmem:s20+$0xC0] =	vst v14;
	v14 =	vmul.f32 v16, v2;
	v16 =	vmul.f32 v18, v3  }
0xa8: {  	v17 =	vld [tilespmem:s19+$0xFFFFFFD0];
	v15 =	vadd.f32 v15, v13  }
0xa9: {  	s22 =	simm.s32 $0x6;
	v19 =	vld [tilespmem:s0+$0xFFFFFFD0];
	v14 =	vadd.f32 v16, v14  }
0xaa: {  	v18 =	vld [tilespmem:s19+$0xD0];
	[tilespmem:s20+$0x50] =	vst v15;
	v15 =	vmov s22  }
0xab: {  	v23 =	vld [tilespmem:s0+$0xD0];
	[tilespmem:s20+$0xFFFFFF50] =	vst v14;
	v14 =	vand.u32 $0xFFFFFFFE, v15  }
0xac: {  	v13 =	vld.idx.msk [tilespmem:v20+s29+$0x0], $0xffff;
	v15 =	vbroadcast v14, $0x0  }
0xad: {  	v20 =	vld [tilespmem:s19+$0x60]  }
0xae: {  	v21 =	vld [tilespmem:s0+$0x60];
	v22 =	vmul.f32 v17, v6;
	v19 =	vmul.f32 v19, v7  }
0xaf: {  	v16 =	vld [tilespmem:s19+$0xFFFFFF60]  }
0xb0: {  	s22 =	simm.s32 $0x1100;
	v17 =	vld [tilespmem:s0+$0xFFFFFF60];
	v18 =	vmul.f32 v18, v1;
	v22 =	vadd.f32 v19, v22;
	v19 =	vmul.f32 v23, v0  }
0xb1: {  	s30 =	simm.s32 $0x8F00;
	s5 =	simm.s32 $0x8;
	s21 =	simm.s32 $0x10F00;
	v23 =	vld [tilespmem:s22+$0x0]  }
.LBB2_4:
0xb2: {  	p0 =	slt.u32 s5, $0x7C;
	v14 =	vld.idx.msk [tilespmem:v15+s28+$0x0], $0xffff;
	[tilespmem:s20+$0xFFFFFFD0] =	vst v22;
	v18 =	vadd.f32 v19, v18  }
0xb3: {  	v19 =	vmul.f32 v20, v4;
	s0 =	sadd.s32 $0x200, s0;
	v15 =	vld.idx.msk [tilespmem:v15+s29+$0x0], $0xffff;
	v20 =	vmul.f32 v21, v5  }
0xb4: {  	v21 =	vld [tilespmem:s0+$0x0];
	v16 =	vmul.f32 v16, v2;
	[tilespmem:s20+$0xD0] =	vst v18  }
0xb5: {  	v18 =	vld [tilespmem:s22+$0xFFFFFF00];
	v17 =	vmul.f32 v17, v3;
	v19 =	vadd.f32 v20, v19  }
0xb6: {  	v20 =	vld [tilespmem:s0+$0xFFFFFF00]  }
0xb7: {  	v22 =	vld [tilespmem:s22+$0xFFFFFF80];
	v16 =	vadd.f32 v17, v16;
	[tilespmem:s20+$0x60] =	vst v19  }
0xb8: {  	v17 =	vld [tilespmem:s19+$0x70]  }
0xb9: {  	v19 =	vmul.f32 v23, v14;
	v21 =	vmul.f32 v21, v15;
	[tilespmem:s20+$0xFFFFFF60] =	vst v16;
	v16 =	vld [tilespmem:s30+$0x70]  }
0xba: {  	v18 =	vmul.f32 v18, v10;
	v23 =	vld [tilespmem:s0+$0xFFFFFF80]  }
0xbb: {  	v20 =	vmul.f32 v20, v11;
	v19 =	vadd.f32 v21, v19;
	v21 =	vld [tilespmem:s22+$0x80]  }
0xbc: {  	s20 =	sadd.s32 $0x200, s20;
	v22 =	vmul.f32 v22, v12;
	v24 =	vld [tilespmem:s0+$0x80]  }
0xbd: {  	v18 =	vadd.f32 v20, v18;
	[tilespmem:s20+$0x0] =	vst v19;
	v19 =	vld [tilespmem:s19+$0xFFFFFFE0]  }
0xbe: {  	v17 =	vmul.f32 v17, v4;
	v4 =	vmovc v14;
	v20 =	vld [tilespmem:s22+$0x10];
	v16 =	vmul.f32 v16, v5;
	v5 =	vmov v15  }
0xbf: {  	[tilespmem:s20+$0xFFFFFF00] =	vst v18;
	v14 =	vmul.f32 v23, v13;
	v15 =	vld [tilespmem:s0+$0x10]  }
0xc0: {  	v18 =	vld [tilespmem:s22+$0xFFFFFF10];
	v21 =	vmul.f32 v21, v9;
	v16 =	vadd.f32 v16, v17  }
0xc1: {  	v17 =	vld [tilespmem:s0+$0xFFFFFF10];
	v14 =	vadd.f32 v14, v22;
	v22 =	vmul.f32 v24, v8  }
0xc2: {  	v19 =	vmul.f32 v19, v6;
	v23 =	vld [tilespmem:s30+$0xFFFFFFE0];
	[tilespmem:s21+$0x70] =	vst v16  }
0xc3: {  	[tilespmem:s20+$0xFFFFFF80] =	vst v14;
	v14 =	vadd.f32 v22, v21;
	v16 =	vld [tilespmem:s19+$0xE0]  }
0xc4: {  	v20 =	vmul.f32 v20, v4;
	v21 =	vld [tilespmem:s22+$0xFFFFFF90];
	v15 =	vmul.f32 v15, v5  }
0xc5: {  	v18 =	vmul.f32 v18, v10;
	v22 =	vld [tilespmem:s0+$0xFFFFFF90];
	[tilespmem:s20+$0x80] =	vst v14  }
0xc6: {  	v14 =	vmul.f32 v17, v11;
	v15 =	vadd.f32 v15, v20;
	v17 =	vld [tilespmem:s22+$0x90]  }
0xc7: {  	v20 =	vld [tilespmem:s0+$0x90];
	v23 =	vmul.f32 v23, v7  }
0xc8: {  	v14 =	vadd.f32 v14, v18;
	[tilespmem:s20+$0x10] =	vst v15;
	v15 =	vmul.f32 v16, v1;
	v16 =	vld [tilespmem:s30+$0xE0]  }
0xc9: {  	v18 =	vmul.f32 v21, v12;
	v21 =	vld [tilespmem:s22+$0x20];
	v19 =	vadd.f32 v23, v19  }
0xca: {  	[tilespmem:s20+$0xFFFFFF10] =	vst v14;
	v14 =	vmul.f32 v22, v13;
	v22 =	vld [tilespmem:s0+$0x20]  }
0xcb: {  	v23 =	vld [tilespmem:s22+$0xFFFFFF20];
	v17 =	vmul.f32 v17, v9;
	[tilespmem:s21+$0xFFFFFFE0] =	vst v19  }
0xcc: {  	v19 =	vld [tilespmem:s0+$0xFFFFFF20];
	v14 =	vadd.f32 v14, v18;
	v18 =	vmul.f32 v20, v8  }
0xcd: {  	v20 =	vld [tilespmem:s19+$0xFFFFFFF0];
	v16 =	vmul.f32 v16, v0  }
0xce: {  	[tilespmem:s20+$0xFFFFFF90] =	vst v14;
	v14 =	vadd.f32 v18, v17;
	v17 =	vld [tilespmem:s30+$0xFFFFFFF0]  }
0xcf: {  	v21 =	vmul.f32 v21, v4;
	v18 =	vld [tilespmem:s22+$0xFFFFFFA0];
	v22 =	vmul.f32 v22, v5;
	v15 =	vadd.f32 v16, v15  }
0xd0: {  	v16 =	vmul.f32 v23, v10;
	v23 =	vld [tilespmem:s0+$0xFFFFFFA0];
	[tilespmem:s20+$0x90] =	vst v14  }
0xd1: {  	v14 =	vmul.f32 v19, v11;
	v19 =	vadd.f32 v22, v21;
	v21 =	vld [tilespmem:s22+$0xA0];
	[tilespmem:s21+$0xE0] =	vst v15  }
0xd2: {  	v15 =	vld [tilespmem:s0+$0xA0];
	v20 =	vmul.f32 v20, v6;
	v6 =	vmov v12  }
0xd3: {  	v12 =	vadd.f32 v14, v16;
	[tilespmem:s20+$0x20] =	vst v19;
	v14 =	vld [tilespmem:s19+$0xFFFFFF70];
	v16 =	vmul.f32 v17, v7;
	v7 =	vmov v13  }
0xd4: {  	v13 =	vmul.f32 v18, v6;
	v17 =	vld [tilespmem:s22+$0x30]  }
0xd5: {  	[tilespmem:s20+$0xFFFFFF20] =	vst v12;
	v12 =	vmul.f32 v23, v7;
	v18 =	vld [tilespmem:s0+$0x30];
	v16 =	vadd.f32 v16, v20  }
0xd6: {  	v19 =	vld [tilespmem:s22+$0xFFFFFF30];
	v20 =	vmul.f32 v21, v9  }
0xd7: {  	v21 =	vld [tilespmem:s0+$0xFFFFFF30];
	v12 =	vadd.f32 v12, v13;
	v13 =	vmul.f32 v15, v8;
	[tilespmem:s21+$0xFFFFFFF0] =	vst v16  }
0xd8: {  	v14 =	vmul.f32 v14, v2;
	v15 =	vld [tilespmem:s30+$0xFFFFFF70];
	v2 =	vmov v10  }
0xd9: {  	[tilespmem:s20+$0xFFFFFFA0] =	vst v12;
	v10 =	vadd.f32 v13, v20;
	v12 =	vld [tilespmem:s19+$0xF0];
	s19 =	smov.u32 s22  }
0xda: {  	v16 =	vmul.f32 v17, v4;
	v13 =	vld [tilespmem:s22+$0xFFFFFFB0];
	v17 =	vmul.f32 v18, v5  }
0xdb: {  	v18 =	vmul.f32 v19, v2;
	v19 =	vld [tilespmem:s0+$0xFFFFFFB0];
	[tilespmem:s20+$0xA0] =	vst v10  }
0xdc: {  	v10 =	vmul.f32 v21, v11;
	v16 =	vadd.f32 v17, v16;
	v17 =	vld [tilespmem:s22+$0xB0]  }
0xdd: {  	s6 =	sadd.s32 $0x3, s5;
	v20 =	vld [tilespmem:s0+$0xB0];
	v15 =	vmul.f32 v15, v3;
	v3 =	vmov v11  }
0xde: {  	v11 =	vmov s6;
	v10 =	vadd.f32 v10, v18;
	[tilespmem:s20+$0x30] =	vst v16;
	v12 =	vmul.f32 v12, v1;
	v16 =	vld [tilespmem:s30+$0xF0];
	v1 =	vmovc v9;
	s30 =	smov.u32 s0  }
0xdf: {  	v9 =	vmul.f32 v13, v6;
	v13 =	vld [tilespmem:s22+$0x40];
	v14 =	vadd.f32 v15, v14  }
0xe0: {  	[tilespmem:s20+$0xFFFFFF30] =	vst v10;
	v10 =	vmul.f32 v19, v7;
	v15 =	vld [tilespmem:s0+$0x40]  }
0xe1: {  	v18 =	vmov s5;
	v19 =	vld [tilespmem:s22+$0xFFFFFF40];
	v17 =	vmul.f32 v17, v1;
	[tilespmem:s21+$0xFFFFFF70] =	vst v14  }
0xe2: {  	v14 =	vand.u32 $0xFFFFFFFC, v18;
	v18 =	vld [tilespmem:s0+$0xFFFFFF40];
	v10 =	vadd.f32 v10, v9;
	v20 =	vmul.f32 v20, v8  }
0xe3: {  	v14 =	vbroadcast v14, $0x0;
	v9 =	vld.idx.msk [tilespmem:v11+s28+$0x0], $0xffff;
	v16 =	vmul.f32 v16, v0;
	v0 =	vmov v8  }
0xe4: {  	v8 =	vld.idx.msk [tilespmem:v11+s29+$0x0], $0xffff;
	[tilespmem:s20+$0xFFFFFFB0] =	vst v10;
	v10 =	vadd.f32 v20, v17  }
0xe5: {  	v13 =	vmul.f32 v13, v4;
	v11 =	vld [tilespmem:s22+$0xFFFFFFC0];
	v15 =	vmul.f32 v15, v5;
	v12 =	vadd.f32 v16, v12  }
0xe6: {  	s6 =	sadd.s32 $0x1, s5;
	v16 =	vmul.f32 v19, v2;
	v17 =	vld [tilespmem:s0+$0xFFFFFFC0];
	[tilespmem:s20+$0xB0] =	vst v10  }
0xe7: {  	v10 =	vmov s6;
	v18 =	vmul.f32 v18, v3;
	v13 =	vadd.f32 v15, v13;
	v15 =	vld [tilespmem:s22+$0xC0];
	[tilespmem:s21+$0xF0] =	vst v12;
	s21 =	smov.u32 s20  }
0xe8: {  	v12 =	vand.u32 $0xFFFFFFFD, v10;
	v19 =	vld [tilespmem:s0+$0xC0]  }
0xe9: {  	v20 =	vbroadcast v12, $0x0;
	v10 =	vld.idx.msk [tilespmem:v14+s28+$0x0], $0xffff;
	v12 =	vadd.f32 v18, v16;
	[tilespmem:s20+$0x40] =	vst v13  }
0xea: {  	v11 =	vmul.f32 v11, v6;
	v13 =	vld [tilespmem:s22+$0x50]  }
0xeb: {  	[tilespmem:s20+$0xFFFFFF40] =	vst v12;
	v12 =	vmul.f32 v17, v7;
	v16 =	vld [tilespmem:s0+$0x50]  }
0xec: {  	v17 =	vld [tilespmem:s22+$0xFFFFFF50];
	v15 =	vmul.f32 v15, v1  }
0xed: {  	v18 =	vld [tilespmem:s0+$0xFFFFFF50];
	v21 =	vadd.f32 v12, v11;
	v19 =	vmul.f32 v19, v0  }
0xee: {  	v11 =	vld.idx.msk [tilespmem:v14+s29+$0x0], $0xffff  }
0xef: {  	v12 =	vld.idx.msk [tilespmem:v20+s28+$0x0], $0xffff;
	[tilespmem:s20+$0xFFFFFFC0] =	vst v21;
	v14 =	vadd.f32 v19, v15  }
0xf0: {  	v13 =	vmul.f32 v13, v4;
	v19 =	vld [tilespmem:s22+$0xFFFFFFD0];
	v15 =	vmul.f32 v16, v5  }
0xf1: {  	s6 =	sadd.s32 $0x2, s5;
	v16 =	vmul.f32 v17, v2;
	v17 =	vld [tilespmem:s0+$0xFFFFFFD0];
	[tilespmem:s20+$0xC0] =	vst v14  }
0xf2: {  	v14 =	vmov s6;
	v18 =	vmul.f32 v18, v3;
	v21 =	vadd.f32 v15, v13;
	v22 =	vld [tilespmem:s22+$0xD0]  }
0xf3: {  	v14 =	vand.u32 $0xFFFFFFFE, v14;
	v23 =	vld [tilespmem:s0+$0xD0]  }
0xf4: {  	v15 =	vbroadcast v14, $0x0;
	v13 =	vld.idx.msk [tilespmem:v20+s29+$0x0], $0xffff;
	v14 =	vadd.f32 v18, v16;
	[tilespmem:s20+$0x50] =	vst v21  }
.Ltmp1:
0xf5: {  	v19 =	vmul.f32 v19, v6;
	v20 =	vld [tilespmem:s22+$0x60];
	(pc) =	sbr.rel @p0 .LBB2_4-.Ltmp1, $4  }
0xf6: {  	[tilespmem:s20+$0xFFFFFF50] =	vst v14;
	v14 =	vmul.f32 v17, v7;
	v21 =	vld [tilespmem:s0+$0x60]  }
0xf7: {  	v16 =	vld [tilespmem:s22+$0xFFFFFF60];
	v18 =	vmul.f32 v22, v1  }
0xf8: {  	s22 =	sadd.s32 $0x200, s22;
	v17 =	vld [tilespmem:s0+$0xFFFFFF60];
	v22 =	vadd.f32 v14, v19;
	v19 =	vmul.f32 v23, v0  }
0xf9: {  	s5 =	sadd.s32 $0x4, s5;
	v23 =	vld [tilespmem:s22+$0x0]  }
0xfa: {  	_ =	sdelay $0x3  }
0xfb: {  	v14 =	vld.idx.msk [tilespmem:v15+s28+$0x0], $0xffff  }
0xfc: {  	v15 =	vld.idx.msk [tilespmem:v15+s29+$0x0], $0xffff;
	s5 =	sadd.s32 $0x200, s0  }
0xfd: {  	v24 =	vld [tilespmem:s5+$0x0]  }
0xfe: {  	v27 =	vld [tilespmem:s22+$0xFFFFFF00]  }
0xff: {  	v28 =	vld [tilespmem:s5+$0xFFFFFF00]  }
0x100: {  	v25 =	vld [tilespmem:s22+$0xFFFFFF80]  }
0x101: {  	v26 =	vld [tilespmem:s5+$0xFFFFFF80]  }
0x102: {  	v23 =	vmul.f32 v23, v14;
	v24 =	vmul.f32 v24, v15  }
0x103: {  	v29 =	vld [tilespmem:s22+$0x80]  }
0x104: {  	v30 =	vld [tilespmem:s5+$0x80];
	v52 =	vmul.f32 v27, v10;
	v53 =	vmul.f32 v28, v11;
	v23 =	vadd.f32 v24, v23  }
0x105: {  	s6 =	sadd.s32 $0x200, s20  }
0x106: {  	v50 =	vmul.f32 v25, v12;
	v51 =	vmul.f32 v26, v13;
	v56 =	vadd.f32 v53, v52;
	[tilespmem:s6+$0x0] =	vst v23  }
0x107: {  	v55 =	vld [tilespmem:s22+$0x10]  }
0x108: {  	v54 =	vadd.f32 v51, v50;
	[tilespmem:s6+$0xFFFFFF00] =	vst v56;
	v57 =	vld [tilespmem:s5+$0x10]  }
0x109: {  	v58 =	vmul.f32 v29, v9;
	v59 =	vmul.f32 v30, v8;
	v62 =	vld [tilespmem:s22+$0xFFFFFF10]  }
0x10a: {  	[tilespmem:s6+$0xFFFFFF80] =	vst v54;
	v63 =	vld [tilespmem:s5+$0xFFFFFF10]  }
0x10b: {  	v60 =	vadd.f32 v59, v58;
	v23 =	vld [tilespmem:s22+$0xFFFFFF90]  }
0x10c: {  	v61 =	vld [tilespmem:s5+$0xFFFFFF90]  }
0x10d: {  	[tilespmem:s6+$0x80] =	vst v60;
	v24 =	vmul.f32 v55, v14;
	v33 =	vmul.f32 v57, v15  }
0x10e: {  	v34 =	vld [tilespmem:s22+$0x90]  }
0x10f: {  	v35 =	vld [tilespmem:s5+$0x90];
	v37 =	vmul.f32 v62, v10;
	v38 =	vmul.f32 v63, v11;
	v24 =	vadd.f32 v33, v24;
	_ =	sdelay $0x1  }
0x110: {  	v23 =	vmul.f32 v23, v12;
	v36 =	vmul.f32 v61, v13;
	v39 =	vadd.f32 v38, v37;
	[tilespmem:s6+$0x10] =	vst v24  }
0x111: {  	v24 =	vld [tilespmem:s22+$0x20]  }
0x112: {  	v23 =	vadd.f32 v36, v23;
	[tilespmem:s6+$0xFFFFFF10] =	vst v39;
	v40 =	vld [tilespmem:s5+$0x20]  }
0x113: {  	v26 =	vmul.f32 v34, v9;
	v41 =	vmul.f32 v35, v8;
	v44 =	vld [tilespmem:s22+$0xFFFFFF20]  }
0x114: {  	[tilespmem:s6+$0xFFFFFF90] =	vst v23;
	v45 =	vld [tilespmem:s5+$0xFFFFFF20]  }
0x115: {  	v42 =	vadd.f32 v41, v26;
	v23 =	vld [tilespmem:s22+$0xFFFFFFA0]  }
0x116: {  	v43 =	vld [tilespmem:s5+$0xFFFFFFA0]  }
0x117: {  	[tilespmem:s6+$0x90] =	vst v42;
	v24 =	vmul.f32 v24, v14;
	v46 =	vmul.f32 v40, v15  }
0x118: {  	v47 =	vld [tilespmem:s22+$0xA0]  }
0x119: {  	v48 =	vld [tilespmem:s5+$0xA0];
	v50 =	vmul.f32 v44, v10;
	v51 =	vmul.f32 v45, v11;
	v24 =	vadd.f32 v46, v24;
	_ =	sdelay $0x1  }
0x11a: {  	v23 =	vmul.f32 v23, v12;
	v49 =	vmul.f32 v43, v13;
	v52 =	vadd.f32 v51, v50;
	[tilespmem:s6+$0x20] =	vst v24  }
0x11b: {  	v24 =	vld [tilespmem:s22+$0x30]  }
0x11c: {  	v23 =	vadd.f32 v49, v23;
	[tilespmem:s6+$0xFFFFFF20] =	vst v52;
	v53 =	vld [tilespmem:s5+$0x30]  }
0x11d: {  	v27 =	vmul.f32 v47, v9;
	v54 =	vmul.f32 v48, v8;
	v57 =	vld [tilespmem:s22+$0xFFFFFF30]  }
0x11e: {  	[tilespmem:s6+$0xFFFFFFA0] =	vst v23;
	v58 =	vld [tilespmem:s5+$0xFFFFFF30]  }
0x11f: {  	v20 =	vmul.f32 v20, v4;
	v21 =	vmul.f32 v21, v5;
	v55 =	vadd.f32 v54, v27;
	v23 =	vld [tilespmem:s22+$0xFFFFFFB0]  }
0x120: {  	v56 =	vld [tilespmem:s5+$0xFFFFFFB0]  }
0x121: {  	v20 =	vadd.f32 v21, v20;
	[tilespmem:s6+$0xA0] =	vst v55;
	v24 =	vmul.f32 v24, v14;
	v59 =	vmul.f32 v53, v15  }
0x122: {  	[tilespmem:s20+$0xFFFFFFD0] =	vst v22;
	v18 =	vadd.f32 v19, v18;
	v60 =	vld [tilespmem:s22+$0xB0]  }
0x123: {  	[tilespmem:s20+$0x60] =	vst v20;
	v20 =	vld [tilespmem:s5+$0xB0];
	v28 =	vmul.f32 v57, v10;
	v21 =	vmul.f32 v58, v11;
	v24 =	vadd.f32 v59, v24  }
0x124: {  	[tilespmem:s20+$0xD0] =	vst v18  }
0x125: {  	v18 =	vld [tilespmem:s30+$0xFFFFFFE0];
	v23 =	vmul.f32 v23, v12;
	v61 =	vmul.f32 v56, v13;
	v21 =	vadd.f32 v21, v28;
	[tilespmem:s6+$0x30] =	vst v24  }
0x126: {  	v24 =	vld [tilespmem:s22+$0x40]  }
0x127: {  	v23 =	vadd.f32 v61, v23;
	[tilespmem:s6+$0xFFFFFF30] =	vst v21;
	v63 =	vld [tilespmem:s5+$0x40]  }
0x128: {  	v26 =	vmul.f32 v60, v9;
	v20 =	vmul.f32 v20, v8;
	v33 =	vld [tilespmem:s22+$0xFFFFFF40]  }
0x129: {  	[tilespmem:s6+$0xFFFFFFB0] =	vst v23;
	v34 =	vld [tilespmem:s5+$0xFFFFFF40]  }
0x12a: {  	v20 =	vadd.f32 v20, v26;
	v23 =	vld [tilespmem:s22+$0xFFFFFFC0]  }
0x12b: {  	v32 =	vld [tilespmem:s5+$0xFFFFFFC0]  }
0x12c: {  	v29 =	vld [tilespmem:s19+$0x70];
	[tilespmem:s6+$0xB0] =	vst v20;
	v19 =	vmul.f32 v24, v14;
	v20 =	vmul.f32 v63, v15  }
0x12d: {  	v22 =	vld [tilespmem:s30+$0x70]  }
0x12e: {  	v35 =	vld [tilespmem:s22+$0xC0];
	v26 =	vmul.f32 v33, v10;
	v28 =	vmul.f32 v34, v11;
	v19 =	vadd.f32 v20, v19  }
0x12f: {  	v36 =	vld [tilespmem:s5+$0xC0]  }
0x130: {  	v62 =	vld [tilespmem:s19+$0xFFFFFFE0];
	v21 =	vmul.f32 v32, v13;
	v20 =	vmul.f32 v23, v12;
	v26 =	vadd.f32 v28, v26;
	[tilespmem:s6+$0x40] =	vst v19  }
0x131: {  	v38 =	vld [tilespmem:s22+$0x50]  }
0x132: {  	v20 =	vadd.f32 v21, v20;
	[tilespmem:s6+$0xFFFFFF40] =	vst v26;
	v39 =	vld [tilespmem:s5+$0x50]  }
0x133: {  	v16 =	vmul.f32 v16, v2;
	v17 =	vmul.f32 v17, v3;
	v26 =	vld [tilespmem:s22+$0xFFFFFF50]  }
0x134: {  	v24 =	vmul.f32 v35, v9;
	v25 =	vmul.f32 v36, v8;
	v41 =	vld [tilespmem:s5+$0xFFFFFF50];
	[tilespmem:s6+$0xFFFFFFC0] =	vst v20  }
0x135: {  	v16 =	vadd.f32 v17, v16;
	v20 =	vld [tilespmem:s22+$0xFFFFFFD0]  }
0x136: {  	v18 =	vmul.f32 v18, v7;
	v27 =	vmul.f32 v62, v6;
	v24 =	vadd.f32 v25, v24;
	v40 =	vld [tilespmem:s5+$0xFFFFFFD0]  }
0x137: {  	[tilespmem:s20+$0xFFFFFF60] =	vst v16;
	v37 =	vld [tilespmem:s19+$0xE0];
	v21 =	vmul.f32 v38, v14;
	v42 =	vmul.f32 v39, v15  }
0x138: {  	v45 =	vld [tilespmem:s19+$0xFFFFFF70];
	v18 =	vadd.f32 v18, v27;
	[tilespmem:s6+$0xC0] =	vst v24  }
0x139: {  	v43 =	vld [tilespmem:s22+$0xD0];
	v26 =	vmul.f32 v26, v10;
	v27 =	vmul.f32 v41, v11;
	v21 =	vadd.f32 v42, v21  }
0x13a: {  	v17 =	vld [tilespmem:s5+$0xD0]  }
0x13b: {  	v19 =	vld [tilespmem:s30+$0xE0];
	v20 =	vmul.f32 v20, v12;
	v44 =	vmul.f32 v40, v13;
	v46 =	vadd.f32 v27, v26;
	[tilespmem:s6+$0x50] =	vst v21  }
0x13c: {  	v21 =	vld [tilespmem:s22+$0x60]  }
0x13d: {  	v20 =	vadd.f32 v44, v20;
	[tilespmem:s6+$0xFFFFFF50] =	vst v46;
	v47 =	vld [tilespmem:s5+$0x60]  }
0x13e: {  	v50 =	vld [tilespmem:s22+$0xFFFFFF60]  }
0x13f: {  	v48 =	vmul.f32 v43, v9;
	v17 =	vmul.f32 v17, v8;
	v51 =	vld [tilespmem:s5+$0xFFFFFF60];
	[tilespmem:s6+$0xFFFFFFD0] =	vst v20  }
0x140: {  	v20 =	vld [tilespmem:s22+$0xFFFFFFE0]  }
0x141: {  	[tilespmem:s21+$0xFFFFFFE0] =	vst v18;
	v17 =	vadd.f32 v17, v48;
	v49 =	vld [tilespmem:s5+$0xFFFFFFE0]  }
0x142: {  	v18 =	vld [tilespmem:s19+$0xFFFFFFF0];
	v23 =	vmul.f32 v37, v1;
	v19 =	vmul.f32 v19, v0  }
0x143: {  	v16 =	vld [tilespmem:s30+$0xFFFFFFF0];
	[tilespmem:s6+$0xD0] =	vst v17  }
0x144: {  	v17 =	vadd.f32 v19, v23;
	v53 =	vld [tilespmem:s22+$0xE0];
	v19 =	vmul.f32 v21, v14;
	v52 =	vmul.f32 v47, v15  }
0x145: {  	v54 =	vld [tilespmem:s5+$0xE0];
	v27 =	vmul.f32 v50, v10;
	v28 =	vmul.f32 v51, v11  }
0x146: {  	[tilespmem:s21+$0xE0] =	vst v17;
	v17 =	vld [tilespmem:s30+$0xFFFFFF70];
	v19 =	vadd.f32 v52, v19;
	v20 =	vmul.f32 v20, v12;
	v55 =	vmul.f32 v49, v13  }
0x147: {  	v56 =	vld [tilespmem:s19+$0xF0];
	v27 =	vadd.f32 v28, v27  }
0x148: {  	[tilespmem:s6+$0x60] =	vst v19;
	v19 =	vld [tilespmem:s30+$0xF0];
	v20 =	vadd.f32 v55, v20  }
0x149: {  	[tilespmem:s6+$0xFFFFFF60] =	vst v27;
	v57 =	vld [tilespmem:s22+$0x70]  }
0x14a: {  	v23 =	vmul.f32 v53, v9;
	v58 =	vld [tilespmem:s5+$0x70];
	[tilespmem:s6+$0xFFFFFFE0] =	vst v20;
	v20 =	vmul.f32 v54, v8  }
0x14b: {  	v61 =	vld [tilespmem:s22+$0xFFFFFF70]  }
0x14c: {  	v59 =	vld [tilespmem:s22+$0xFFFFFFF0];
	v20 =	vadd.f32 v20, v23  }
0x14d: {  	v60 =	vld [tilespmem:s5+$0xFFFFFFF0]  }
0x14e: {  	v4 =	vmul.f32 v29, v4;
	v5 =	vmul.f32 v22, v5;
	[tilespmem:s6+$0xE0] =	vst v20;
	v20 =	vld [tilespmem:s5+$0xFFFFFF70]  }
0x14f: {  	v6 =	vmul.f32 v18, v6;
	v7 =	vmul.f32 v16, v7;
	v16 =	vld [tilespmem:s22+$0xF0]  }
0x150: {  	v4 =	vadd.f32 v5, v4;
	v2 =	vmul.f32 v45, v2;
	v3 =	vmul.f32 v17, v3;
	v5 =	vld [tilespmem:s5+$0xF0]  }
0x151: {  	v6 =	vadd.f32 v7, v6;
	v1 =	vmul.f32 v56, v1;
	v0 =	vmul.f32 v19, v0  }
0x152: {  	[tilespmem:s21+$0x70] =	vst v4;
	v2 =	vadd.f32 v3, v2;
	v3 =	vmul.f32 v57, v14;
	v4 =	vmul.f32 v58, v15  }
0x153: {  	[tilespmem:s21+$0xFFFFFFF0] =	vst v6;
	v0 =	vadd.f32 v0, v1;
	v1 =	vmul.f32 v59, v12;
	v6 =	vmul.f32 v60, v13  }
0x154: {  	[tilespmem:s21+$0xFFFFFF70] =	vst v2;
	v2 =	vadd.f32 v4, v3;
	v3 =	vmul.f32 v61, v10;
	v4 =	vmul.f32 v20, v11  }
0x155: {  	[tilespmem:s21+$0xF0] =	vst v0;
	v0 =	vadd.f32 v6, v1;
	v1 =	vmul.f32 v16, v9;
	v5 =	vmul.f32 v5, v8  }
0x156: {  	[tilespmem:s6+$0x70] =	vst v2;
	v2 =	vadd.f32 v4, v3  }
0x157: {  	[tilespmem:s6+$0xFFFFFFF0] =	vst v0;
	v0 =	vadd.f32 v5, v1  }
0x158: {  	[tilespmem:s6+$0xFFFFFF70] =	vst v2  }
0x159: {  	s21 =	simm.s32 $0x10E00;
	[tilespmem:s6+$0xF0] =	vst v0  }
0x15a: {  	[hbm4b:s10+s4] =	stream.linear.scatter [tilespmem:s21], [sflag:$0x3], $0x4000, $0x38;
	[tilespmem:$0x18E00] =	vst v63  }
0x15b: {  	s22 =	simm.s32 $0xE00  }
0x15c: {  	[tilespmem:s22], [sflag:$0x1] =	stream.linear.gather [hbm4b:s11+s4], $0x4000, $0x38;
	[tilespmem:$0x18E00] =	vst v63  }
0x15d: {  	s5 =	simm.s32 $0x8E00;
	s6 =	simm.s32 $0x80  }
0x15e: {  	[tilespmem:s5], [sflag:$0x1] =	stream.linear.gather [hbm4b:s12+s4], $0x4000, $0x38;
	[tilespmem:$0x18E00] =	vst v63  }
0x15f: {  	s19 =	simm.s32 $0x83;
	v0 =	vmov s6;
	_ =	swait.ge [sflag:s31], $0x4000  }
0x160: {  	v2 =	vmov s19;
	v0 =	vand.u32 $0xFFFFFFFC, v0;
	[sflag:s31] =	ssyncset.done $0x0  }
0x161: {  	s20 =	simm.s32 $0x82;
	v3 =	vbroadcast v0, $0x0;
	[sflag:s31] =	ssyncadd.s32 $0xFFFFC000  }
0x162: {  	v0 =	vmov s20;
	_ =	swait.ge [sflag:s31], $0x4000  }
0x163: {  	v0 =	vand.u32 $0xFFFFFFFE, v0;
	[sflag:s31] =	ssyncset.done $0x0  }
0x164: {  	v4 =	vbroadcast v0, $0x0;
	[sflag:s31] =	ssyncadd.s32 $0xFFFFC000  }
0x165: {  	v1 =	vld.idx.msk [tilespmem:v2+s28+$0x0], $0xffff  }
0x166: {  	v0 =	vld.idx.msk [tilespmem:v2+s29+$0x0], $0xffff  }
0x167: {  	v11 =	vld.idx.msk [tilespmem:v3+s28+$0x0], $0xffff  }
0x168: {  	s0 =	simm.s32 $0x4F00;
	v13 =	vld.idx.msk [tilespmem:v3+s29+$0x0], $0xffff  }
0x169: {  	s21 =	simm.s32 $0x81;
	v3 =	vld [tilespmem:s0+$0x0]  }
0x16a: {  	v2 =	vmov s21;
	v14 =	vld.idx.msk [tilespmem:v4+s28+$0x0], $0xffff  }
0x16b: {  	s20 =	simm.s32 $0xCF00;
	v15 =	vld.idx.msk [tilespmem:v4+s29+$0x0], $0xffff;
	v2 =	vand.u32 $0xFFFFFFFD, v2  }
0x16c: {  	v4 =	vld [tilespmem:s20+$0x0];
	v2 =	vbroadcast v2, $0x0  }
0x16d: {  	v5 =	vld [tilespmem:s0+$0xFFFFFF00]  }
0x16e: {  	v6 =	vld [tilespmem:s20+$0xFFFFFF00];
	_ =	sdelay $0x1  }
0x16f: {  	v7 =	vld [tilespmem:s0+$0xFFFFFF80]  }
0x170: {  	v8 =	vld [tilespmem:s20+$0xFFFFFF80];
	v3 =	vmul.f32 v3, v14;
	v4 =	vmul.f32 v4, v15  }
0x171: {  	v12 =	vld.idx.msk [tilespmem:v2+s28+$0x0], $0xffff  }
0x172: {  	v5 =	vmul.f32 v5, v11;
	v6 =	vmul.f32 v6, v13;
	v3 =	vadd.f32 v4, v3;
	v2 =	vld.idx.msk [tilespmem:v2+s29+$0x0], $0xffff  }
0x173: {  	s19 =	simm.s32 $0x14F00;
	v9 =	vld [tilespmem:s20+$0x80]  }
0x174: {  	v4 =	vld [tilespmem:s0+$0x80];
	v5 =	vadd.f32 v6, v5;
	[tilespmem:s19+$0x0] =	vst v3  }
0x175: {  	v3 =	vld [tilespmem:s0+$0x10]  }
0x176: {  	[tilespmem:s19+$0xFFFFFF00] =	vst v5;
	v6 =	vmul.f32 v7, v12;
	v7 =	vld [tilespmem:s20+$0x10]  }
0x177: {  	v10 =	vld [tilespmem:s20+$0xFFFFFF10];
	v5 =	vmul.f32 v8, v2  }
0x178: {  	v8 =	vld [tilespmem:s0+$0xFFFFFF10]  }
0x179: {  	v4 =	vmul.f32 v4, v1;
	v5 =	vadd.f32 v5, v6;
	v6 =	vmul.f32 v9, v0;
	_ =	sdelay $0x1  }
0x17a: {  	v3 =	vmul.f32 v3, v14;
	[tilespmem:s19+$0xFFFFFF80] =	vst v5;
	v4 =	vadd.f32 v6, v4;
	v6 =	vmul.f32 v7, v15  }
0x17b: {  	v7 =	vld [tilespmem:s20+$0xFFFFFF90]  }
0x17c: {  	v5 =	vld [tilespmem:s0+$0xFFFFFF90];
	[tilespmem:s19+$0x80] =	vst v4;
	v4 =	vmul.f32 v8, v11;
	v8 =	vmul.f32 v10, v13;
	v3 =	vadd.f32 v6, v3  }
0x17d: {  	v6 =	vld [tilespmem:s0+$0x90]  }
0x17e: {  	v9 =	vld [tilespmem:s20+$0x90];
	v4 =	vadd.f32 v8, v4;
	[tilespmem:s19+$0x10] =	vst v3  }
0x17f: {  	v3 =	vld [tilespmem:s0+$0x20]  }
0x180: {  	[tilespmem:s19+$0xFFFFFF10] =	vst v4;
	v4 =	vmul.f32 v7, v2;
	v7 =	vld [tilespmem:s20+$0x20]  }
0x181: {  	v5 =	vmul.f32 v5, v12;
	v8 =	vld [tilespmem:s0+$0xFFFFFF20]  }
0x182: {  	v10 =	vld [tilespmem:s20+$0xFFFFFF20]  }
0x183: {  	v6 =	vmul.f32 v6, v1;
	v4 =	vadd.f32 v4, v5;
	v5 =	vmul.f32 v9, v0;
	_ =	sdelay $0x1  }
0x184: {  	[tilespmem:s19+$0xFFFFFF90] =	vst v4;
	v4 =	vadd.f32 v5, v6;
	v3 =	vmul.f32 v3, v14;
	v6 =	vmul.f32 v7, v15  }
0x185: {  	v7 =	vld [tilespmem:s20+$0xFFFFFFA0]  }
0x186: {  	v5 =	vld [tilespmem:s0+$0xFFFFFFA0];
	[tilespmem:s19+$0x90] =	vst v4;
	v4 =	vmul.f32 v8, v11;
	v8 =	vmul.f32 v10, v13;
	v3 =	vadd.f32 v6, v3  }
0x187: {  	v6 =	vld [tilespmem:s0+$0xA0]  }
0x188: {  	v9 =	vld [tilespmem:s20+$0xA0];
	v4 =	vadd.f32 v8, v4;
	[tilespmem:s19+$0x20] =	vst v3  }
0x189: {  	v3 =	vld [tilespmem:s0+$0x30]  }
0x18a: {  	[tilespmem:s19+$0xFFFFFF20] =	vst v4;
	v4 =	vmul.f32 v7, v2;
	v7 =	vld [tilespmem:s20+$0x30]  }
0x18b: {  	v5 =	vmul.f32 v5, v12;
	v8 =	vld [tilespmem:s0+$0xFFFFFF30]  }
0x18c: {  	v10 =	vld [tilespmem:s20+$0xFFFFFF30]  }
0x18d: {  	v6 =	vmul.f32 v6, v1;
	v4 =	vadd.f32 v4, v5;
	v5 =	vmul.f32 v9, v0  }
0x18e: {  	s30 =	simm.s32 $0x5100  }
0x18f: {  	v33 =	vld [tilespmem:s30+$0x0];
	[tilespmem:s19+$0xFFFFFFA0] =	vst v4;
	v4 =	vadd.f32 v5, v6;
	v3 =	vmul.f32 v3, v14;
	v6 =	vmul.f32 v7, v15  }
0x190: {  	v5 =	vld [tilespmem:s0+$0xFFFFFFB0]  }
0x191: {  	v7 =	vld [tilespmem:s20+$0xFFFFFFB0];
	[tilespmem:s19+$0xA0] =	vst v4;
	v4 =	vmul.f32 v8, v11;
	v8 =	vmul.f32 v10, v13;
	v3 =	vadd.f32 v6, v3  }
0x192: {  	s22 =	simm.s32 $0x87;
	v6 =	vld [tilespmem:s0+$0xB0]  }
0x193: {  	v10 =	vmov s22;
	v9 =	vld [tilespmem:s20+$0xB0];
	v4 =	vadd.f32 v8, v4;
	[tilespmem:s19+$0x30] =	vst v3  }
0x194: {  	v8 =	vld [tilespmem:s0+$0x40]  }
0x195: {  	v3 =	vmul.f32 v5, v12;
	[tilespmem:s19+$0xFFFFFF30] =	vst v4;
	v5 =	vld [tilespmem:s20+$0x40]  }
0x196: {  	v4 =	vmul.f32 v7, v2;
	v16 =	vld [tilespmem:s0+$0xFFFFFF40]  }
0x197: {  	v17 =	vld [tilespmem:s20+$0xFFFFFF40]  }
0x198: {  	v6 =	vmul.f32 v6, v1;
	v18 =	vadd.f32 v4, v3;
	v9 =	vmul.f32 v9, v0;
	v4 =	vld.idx.msk [tilespmem:v10+s28+$0x0], $0xffff  }
0x199: {  	v3 =	vld.idx.msk [tilespmem:v10+s29+$0x0], $0xffff  }
0x19a: {  	s6 =	simm.s32 $0x84;
	v35 =	vld [tilespmem:s30+$0xFFFFFF00];
	[tilespmem:s19+$0xFFFFFFB0] =	vst v18;
	v6 =	vadd.f32 v9, v6;
	v8 =	vmul.f32 v8, v14;
	v5 =	vmul.f32 v5, v15  }
0x19b: {  	s21 =	simm.s32 $0x85;
	v7 =	vmov s6;
	v9 =	vld [tilespmem:s0+$0xFFFFFFC0];
	v10 =	vmul.f32 v16, v11  }
0x19c: {  	v16 =	vld [tilespmem:s20+$0xFFFFFFC0];
	[tilespmem:s19+$0xB0] =	vst v6;
	v6 =	vmov s21;
	v17 =	vmul.f32 v17, v13;
	v8 =	vadd.f32 v5, v8  }
0x19d: {  	v7 =	vand.u32 $0xFFFFFFFC, v7;
	v18 =	vld [tilespmem:s0+$0xC0];
	v6 =	vand.u32 $0xFFFFFFFD, v6  }
0x19e: {  	v7 =	vbroadcast v7, $0x0;
	v19 =	vld [tilespmem:s20+$0xC0];
	v20 =	vbroadcast v6, $0x0;
	v6 =	vadd.f32 v17, v10;
	[tilespmem:s19+$0x40] =	vst v8  }
0x19f: {  	v8 =	vld [tilespmem:s0+$0x50]  }
0x1a0: {  	[tilespmem:s19+$0xFFFFFF40] =	vst v6;
	v10 =	vld [tilespmem:s20+$0x50]  }
0x1a1: {  	v9 =	vmul.f32 v9, v12;
	v6 =	vmul.f32 v16, v2;
	v16 =	vld [tilespmem:s0+$0xFFFFFF50]  }
0x1a2: {  	v17 =	vmul.f32 v18, v1;
	v18 =	vld [tilespmem:s20+$0xFFFFFF50]  }
0x1a3: {  	v36 =	vld [tilespmem:s30+$0xFFFFFF80];
	v19 =	vmul.f32 v19, v0;
	v9 =	vadd.f32 v6, v9  }
0x1a4: {  	v5 =	vld.idx.msk [tilespmem:v7+s28+$0x0], $0xffff  }
0x1a5: {  	v38 =	vld [tilespmem:s30+$0x80];
	[tilespmem:s19+$0xFFFFFFC0] =	vst v9;
	v9 =	vadd.f32 v19, v17;
	v8 =	vmul.f32 v8, v14;
	v10 =	vmul.f32 v10, v15  }
0x1a6: {  	s22 =	simm.s32 $0x86;
	v6 =	vld.idx.msk [tilespmem:v20+s28+$0x0], $0xffff;
	v16 =	vmul.f32 v16, v11  }
0x1a7: {  	v17 =	vld [tilespmem:s0+$0xFFFFFFD0];
	[tilespmem:s19+$0xC0] =	vst v9;
	v9 =	vmov s22;
	v18 =	vmul.f32 v18, v13;
	v8 =	vadd.f32 v10, v8  }
0x1a8: {  	v19 =	vld [tilespmem:s20+$0xFFFFFFD0];
	v9 =	vand.u32 $0xFFFFFFFE, v9  }
0x1a9: {  	v10 =	vld.idx.msk [tilespmem:v20+s29+$0x0], $0xffff;
	v9 =	vbroadcast v9, $0x0;
	v16 =	vadd.f32 v18, v16;
	[tilespmem:s19+$0x50] =	vst v8  }
0x1aa: {  	v18 =	vld [tilespmem:s0+$0x60]  }
0x1ab: {  	s22 =	simm.s32 $0xD100;
	[tilespmem:s19+$0xFFFFFF50] =	vst v16;
	v16 =	vld [tilespmem:s20+$0x60]  }
0x1ac: {  	v34 =	vld [tilespmem:s22+$0x0]  }
0x1ad: {  	v20 =	vld [tilespmem:s0+$0xFFFFFF60]  }
0x1ae: {  	v32 =	vld [tilespmem:s20+$0xFFFFFF60]  }
0x1af: {  	v8 =	vld.idx.msk [tilespmem:v9+s28+$0x0], $0xffff  }
0x1b0: {  	v9 =	vld.idx.msk [tilespmem:v9+s29+$0x0], $0xffff;
	v18 =	vmul.f32 v18, v14;
	v16 =	vmul.f32 v16, v15  }
0x1b1: {  	v7 =	vld.idx.msk [tilespmem:v7+s29+$0x0], $0xffff  }
0x1b2: {  	v16 =	vadd.f32 v16, v18;
	v18 =	vld [tilespmem:s22+$0xFFFFFF00]  }
0x1b3: {  	v62 =	vld [tilespmem:s0+$0xD0];
	v20 =	vmul.f32 v20, v11;
	v23 =	vmul.f32 v32, v13  }
0x1b4: {  	v63 =	vld [tilespmem:s20+$0xD0];
	[tilespmem:s19+$0x60] =	vst v16;
	v16 =	vmul.f32 v17, v12;
	v17 =	vmul.f32 v19, v2  }
0x1b5: {  	v20 =	vadd.f32 v23, v20;
	v24 =	vmul.f32 v33, v8;
	v25 =	vmul.f32 v34, v9;
	v19 =	vld [tilespmem:s0+$0x70]  }
0x1b6: {  	v16 =	vadd.f32 v17, v16;
	v17 =	vld [tilespmem:s22+$0xFFFFFF80]  }
0x1b7: {  	v26 =	vmul.f32 v35, v5;
	v37 =	vld [tilespmem:s20+$0x70];
	[tilespmem:s19+$0xFFFFFF60] =	vst v20;
	v24 =	vadd.f32 v25, v24;
	v18 =	vmul.f32 v18, v7  }
0x1b8: {  	s21 =	simm.s32 $0x15100;
	[tilespmem:s19+$0xFFFFFFD0] =	vst v16;
	v16 =	vld [tilespmem:s22+$0x80]  }
0x1b9: {  	v55 =	vld [tilespmem:s0+$0xFFFFFF70];
	[tilespmem:s21+$0x0] =	vst v24;
	v18 =	vadd.f32 v18, v26  }
0x1ba: {  	v40 =	vld [tilespmem:s30+$0x10]  }
0x1bb: {  	v27 =	vmul.f32 v36, v6;
	[tilespmem:s21+$0xFFFFFF00] =	vst v18;
	v17 =	vmul.f32 v17, v10;
	v18 =	vld [tilespmem:s22+$0x10]  }
0x1bc: {  	v41 =	vld [tilespmem:s30+$0xFFFFFF10]  }
0x1bd: {  	v25 =	vmul.f32 v38, v4;
	v42 =	vld [tilespmem:s22+$0xFFFFFF10];
	v17 =	vadd.f32 v17, v27;
	v16 =	vmul.f32 v16, v3  }
0x1be: {  	v39 =	vld [tilespmem:s0+$0xFFFFFFE0]  }
0x1bf: {  	v21 =	vmul.f32 v62, v1;
	v22 =	vmul.f32 v63, v0;
	v43 =	vld [tilespmem:s20+$0xFFFFFFE0];
	[tilespmem:s21+$0xFFFFFF80] =	vst v17;
	v16 =	vadd.f32 v16, v25  }
0x1c0: {  	v26 =	vmul.f32 v40, v8;
	v44 =	vld [tilespmem:s30+$0xFFFFFF90];
	v18 =	vmul.f32 v18, v9  }
0x1c1: {  	v21 =	vadd.f32 v22, v21;
	v45 =	vld [tilespmem:s22+$0xFFFFFF90];
	[tilespmem:s21+$0x80] =	vst v16  }
0x1c2: {  	v16 =	vmul.f32 v41, v5;
	v46 =	vmul.f32 v42, v7;
	v18 =	vadd.f32 v18, v26;
	v47 =	vld [tilespmem:s30+$0x90]  }
0x1c3: {  	[tilespmem:s19+$0xD0] =	vst v21;
	v48 =	vld [tilespmem:s22+$0x90]  }
0x1c4: {  	v24 =	vmul.f32 v39, v12;
	v21 =	vmul.f32 v43, v2;
	v17 =	vld [tilespmem:s0+$0xE0];
	v16 =	vadd.f32 v46, v16;
	[tilespmem:s21+$0x10] =	vst v18  }
0x1c5: {  	v49 =	vld [tilespmem:s30+$0x20]  }
0x1c6: {  	v21 =	vadd.f32 v21, v24;
	v50 =	vmul.f32 v44, v6;
	[tilespmem:s21+$0xFFFFFF10] =	vst v16;
	v16 =	vmul.f32 v45, v10;
	v51 =	vld [tilespmem:s22+$0x20]  }
0x1c7: {  	v52 =	vld [tilespmem:s30+$0xFFFFFF20]  }
0x1c8: {  	[tilespmem:s19+$0xFFFFFFE0] =	vst v21;
	v53 =	vld [tilespmem:s22+$0xFFFFFF20];
	v20 =	vmul.f32 v47, v4;
	v16 =	vadd.f32 v16, v50;
	v54 =	vmul.f32 v48, v3  }
0x1c9: {  	v60 =	vld [tilespmem:s0+$0xFFFFFFF0]  }
0x1ca: {  	v18 =	vld [tilespmem:s20+$0xE0];
	[tilespmem:s21+$0xFFFFFF90] =	vst v16;
	v16 =	vadd.f32 v54, v20  }
0x1cb: {  	v56 =	vld [tilespmem:s30+$0xFFFFFFA0];
	v22 =	vmul.f32 v49, v8;
	v25 =	vmul.f32 v51, v9  }
0x1cc: {  	[tilespmem:s21+$0x90] =	vst v16;
	v16 =	vld [tilespmem:s22+$0xFFFFFFA0]  }
0x1cd: {  	v57 =	vmul.f32 v52, v5;
	v26 =	vmul.f32 v53, v7;
	v22 =	vadd.f32 v25, v22;
	v58 =	vld [tilespmem:s30+$0xA0]  }
0x1ce: {  	v59 =	vld [tilespmem:s22+$0xA0]  }
0x1cf: {  	v20 =	vld [tilespmem:s20+$0xFFFFFF70];
	v24 =	vadd.f32 v26, v57;
	[tilespmem:s21+$0x20] =	vst v22  }
0x1d0: {  	v17 =	vmul.f32 v17, v1;
	v18 =	vmul.f32 v18, v0;
	v61 =	vld [tilespmem:s30+$0x30]  }
0x1d1: {  	v23 =	vmul.f32 v56, v6;
	[tilespmem:s21+$0xFFFFFF20] =	vst v24;
	v62 =	vld [tilespmem:s22+$0x30];
	v16 =	vmul.f32 v16, v10  }
0x1d2: {  	v14 =	vmul.f32 v19, v14;
	v15 =	vmul.f32 v37, v15;
	v17 =	vadd.f32 v18, v17;
	v18 =	vld [tilespmem:s30+$0xFFFFFF30]  }
0x1d3: {  	v63 =	vld [tilespmem:s22+$0xFFFFFF30];
	v19 =	vmul.f32 v58, v4;
	v21 =	vmul.f32 v59, v3;
	v16 =	vadd.f32 v16, v23  }
0x1d4: {  	v14 =	vadd.f32 v15, v14;
	v15 =	vmul.f32 v55, v11;
	[tilespmem:s19+$0xE0] =	vst v17;
	v17 =	vmul.f32 v20, v13;
	v13 =	vld [tilespmem:s20+$0xFFFFFFF0]  }
0x1d5: {  	v11 =	vld [tilespmem:s0+$0xF0];
	[tilespmem:s21+$0xFFFFFFA0] =	vst v16;
	v16 =	vadd.f32 v21, v19  }
0x1d6: {  	[tilespmem:s19+$0x70] =	vst v14;
	v17 =	vadd.f32 v17, v15;
	v19 =	vmul.f32 v61, v8;
	v20 =	vmul.f32 v62, v9;
	v14 =	vld [tilespmem:s30+$0xFFFFFFB0]  }
0x1d7: {  	v12 =	vmul.f32 v60, v12;
	v15 =	vld [tilespmem:s22+$0xFFFFFFB0];
	[tilespmem:s21+$0xA0] =	vst v16  }
0x1d8: {  	s5 =	simm.s32 $0x4;
	s0 =	simm.s32 $0x5100;
	[tilespmem:s19+$0xFFFFFF70] =	vst v17;
	v17 =	vmul.f32 v18, v5;
	v18 =	vmul.f32 v63, v7;
	v19 =	vadd.f32 v20, v19;
	v16 =	vld [tilespmem:s30+$0xB0]  }
.LBB2_6:
0x1d9: {  	s6 =	sadd.s32 $0x87, s5;
	v20 =	vld [tilespmem:s22+$0xB0];
	v13 =	vmul.f32 v13, v2;
	v2 =	vmov v10  }
0x1da: {  	v10 =	vmov s6;
	v17 =	vadd.f32 v18, v17;
	[tilespmem:s21+$0x30] =	vst v19;
	v11 =	vmul.f32 v11, v1;
	v18 =	vld [tilespmem:s20+$0xF0];
	v1 =	vmovc v4;
	s20 =	smov.u32 s22  }
0x1db: {  	v4 =	vmul.f32 v14, v6;
	v14 =	vld [tilespmem:s30+$0x40];
	v12 =	vadd.f32 v13, v12  }
0x1dc: {  	s6 =	sadd.s32 $0x84, s5;
	[tilespmem:s21+$0xFFFFFF30] =	vst v17;
	v13 =	vmul.f32 v15, v2;
	v15 =	vld [tilespmem:s22+$0x40]  }
0x1dd: {  	v17 =	vmov s6;
	v19 =	vld [tilespmem:s30+$0xFFFFFF40];
	v16 =	vmul.f32 v16, v1;
	[tilespmem:s19+$0xFFFFFFF0] =	vst v12  }
0x1de: {  	v12 =	vand.u32 $0xFFFFFFFC, v17;
	v17 =	vld [tilespmem:s22+$0xFFFFFF40];
	v13 =	vadd.f32 v13, v4;
	v20 =	vmul.f32 v20, v3  }
0x1df: {  	v21 =	vbroadcast v12, $0x0;
	v4 =	vld.idx.msk [tilespmem:v10+s28+$0x0], $0xffff;
	v12 =	vmul.f32 v18, v0;
	v0 =	vmov v3  }
0x1e0: {  	v3 =	vld.idx.msk [tilespmem:v10+s29+$0x0], $0xffff;
	[tilespmem:s21+$0xFFFFFFB0] =	vst v13;
	v10 =	vadd.f32 v20, v16  }
0x1e1: {  	v14 =	vmul.f32 v14, v8;
	v13 =	vld [tilespmem:s30+$0xFFFFFFC0];
	v15 =	vmul.f32 v15, v9;
	v11 =	vadd.f32 v12, v11  }
0x1e2: {  	s6 =	sadd.s32 $0x85, s5;
	v16 =	vmul.f32 v19, v5;
	v18 =	vld [tilespmem:s22+$0xFFFFFFC0];
	[tilespmem:s21+$0xB0] =	vst v10  }
0x1e3: {  	v10 =	vmov s6;
	v17 =	vmul.f32 v17, v7;
	v14 =	vadd.f32 v15, v14;
	v15 =	vld [tilespmem:s30+$0xC0];
	[tilespmem:s19+$0xF0] =	vst v11;
	s19 =	smov.u32 s21  }
0x1e4: {  	v10 =	vand.u32 $0xFFFFFFFD, v10;
	v11 =	vld [tilespmem:s22+$0xC0]  }
0x1e5: {  	v10 =	vbroadcast v10, $0x0;
	v12 =	vld.idx.msk [tilespmem:v21+s28+$0x0], $0xffff;
	v16 =	vadd.f32 v17, v16;
	[tilespmem:s21+$0x40] =	vst v14  }
0x1e6: {  	v13 =	vmul.f32 v13, v6;
	v14 =	vld [tilespmem:s30+$0x50]  }
0x1e7: {  	[tilespmem:s21+$0xFFFFFF40] =	vst v16;
	v16 =	vmul.f32 v18, v2;
	v17 =	vld [tilespmem:s22+$0x50]  }
0x1e8: {  	v18 =	vld [tilespmem:s30+$0xFFFFFF50];
	v15 =	vmul.f32 v15, v1  }
0x1e9: {  	v19 =	vld [tilespmem:s22+$0xFFFFFF50];
	v16 =	vadd.f32 v16, v13;
	v20 =	vmul.f32 v11, v0  }
0x1ea: {  	v13 =	vld.idx.msk [tilespmem:v21+s29+$0x0], $0xffff  }
0x1eb: {  	v11 =	vld.idx.msk [tilespmem:v10+s28+$0x0], $0xffff;
	[tilespmem:s21+$0xFFFFFFC0] =	vst v16;
	v15 =	vadd.f32 v20, v15  }
0x1ec: {  	v14 =	vmul.f32 v14, v8;
	v16 =	vld [tilespmem:s30+$0xFFFFFFD0];
	v17 =	vmul.f32 v17, v9  }
0x1ed: {  	s6 =	sadd.s32 $0x86, s5;
	v18 =	vmul.f32 v18, v5;
	v20 =	vld [tilespmem:s22+$0xFFFFFFD0];
	[tilespmem:s21+$0xC0] =	vst v15  }
0x1ee: {  	v15 =	vmov s6;
	v19 =	vmul.f32 v19, v7;
	v14 =	vadd.f32 v17, v14;
	v17 =	vld [tilespmem:s30+$0xD0]  }
0x1ef: {  	v15 =	vand.u32 $0xFFFFFFFE, v15;
	v21 =	vld [tilespmem:s22+$0xD0]  }
0x1f0: {  	v15 =	vbroadcast v15, $0x0;
	v10 =	vld.idx.msk [tilespmem:v10+s29+$0x0], $0xffff;
	v18 =	vadd.f32 v19, v18;
	[tilespmem:s21+$0x50] =	vst v14  }
0x1f1: {  	v14 =	vmul.f32 v16, v6;
	v16 =	vld [tilespmem:s30+$0x60]  }
0x1f2: {  	[tilespmem:s21+$0xFFFFFF50] =	vst v18;
	v18 =	vmul.f32 v20, v2;
	v19 =	vld [tilespmem:s22+$0x60]  }
0x1f3: {  	v20 =	vld [tilespmem:s30+$0xFFFFFF60];
	v17 =	vmul.f32 v17, v1  }
0x1f4: {  	s30 =	sadd.s32 $0x200, s30;
	v22 =	vld [tilespmem:s22+$0xFFFFFF60];
	v14 =	vadd.f32 v18, v14;
	v18 =	vmul.f32 v21, v0  }
0x1f5: {  	s5 =	sadd.s32 $0x4, s5;
	v21 =	vld [tilespmem:s30+$0x0]  }
0x1f6: {  	p0 =	slt.u32 s5, $0x7C;
	v23 =	vld.idx.msk [tilespmem:v15+s28+$0x0], $0xffff;
	[tilespmem:s21+$0xFFFFFFD0] =	vst v14;
	v14 =	vadd.f32 v18, v17  }
0x1f7: {  	s22 =	sadd.s32 $0x200, s22;
	v16 =	vmul.f32 v16, v8;
	v15 =	vld.idx.msk [tilespmem:v15+s29+$0x0], $0xffff;
	v17 =	vmul.f32 v19, v9  }
0x1f8: {  	v18 =	vld [tilespmem:s22+$0x0];
	v19 =	vmul.f32 v20, v5;
	[tilespmem:s21+$0xD0] =	vst v14  }
0x1f9: {  	v14 =	vld [tilespmem:s30+$0xFFFFFF00];
	v20 =	vmul.f32 v22, v7;
	v16 =	vadd.f32 v17, v16  }
0x1fa: {  	v17 =	vld [tilespmem:s22+$0xFFFFFF00]  }
0x1fb: {  	v22 =	vld [tilespmem:s30+$0xFFFFFF80];
	v19 =	vadd.f32 v20, v19;
	[tilespmem:s21+$0x60] =	vst v16  }
0x1fc: {  	v16 =	vld [tilespmem:s0+$0x70]  }
0x1fd: {  	v20 =	vmul.f32 v21, v23;
	v18 =	vmul.f32 v18, v15;
	[tilespmem:s21+$0xFFFFFF60] =	vst v19;
	v19 =	vld [tilespmem:s20+$0x70]  }
0x1fe: {  	v14 =	vmul.f32 v14, v12;
	v21 =	vld [tilespmem:s22+$0xFFFFFF80]  }
0x1ff: {  	v17 =	vmul.f32 v17, v13;
	v18 =	vadd.f32 v18, v20;
	v20 =	vld [tilespmem:s30+$0x80]  }
0x200: {  	s21 =	sadd.s32 $0x200, s21;
	v22 =	vmul.f32 v22, v11;
	v24 =	vld [tilespmem:s22+$0x80]  }
0x201: {  	v14 =	vadd.f32 v17, v14;
	[tilespmem:s21+$0x0] =	vst v18;
	v17 =	vld [tilespmem:s0+$0xFFFFFFE0]  }
0x202: {  	v16 =	vmul.f32 v16, v8;
	v8 =	vmovc v23;
	v18 =	vld [tilespmem:s30+$0x10];
	v19 =	vmul.f32 v19, v9;
	v9 =	vmov v15  }
0x203: {  	[tilespmem:s21+$0xFFFFFF00] =	vst v14;
	v14 =	vmul.f32 v21, v10;
	v15 =	vld [tilespmem:s22+$0x10]  }
0x204: {  	v21 =	vld [tilespmem:s30+$0xFFFFFF10];
	v20 =	vmul.f32 v20, v4;
	v16 =	vadd.f32 v19, v16  }
0x205: {  	v19 =	vld [tilespmem:s22+$0xFFFFFF10];
	v14 =	vadd.f32 v14, v22;
	v22 =	vmul.f32 v24, v3  }
0x206: {  	v17 =	vmul.f32 v17, v6;
	v23 =	vld [tilespmem:s20+$0xFFFFFFE0];
	[tilespmem:s19+$0x70] =	vst v16  }
0x207: {  	[tilespmem:s21+$0xFFFFFF80] =	vst v14;
	v14 =	vadd.f32 v22, v20;
	v16 =	vld [tilespmem:s0+$0xE0]  }
0x208: {  	v18 =	vmul.f32 v18, v8;
	v20 =	vld [tilespmem:s30+$0xFFFFFF90];
	v15 =	vmul.f32 v15, v9  }
0x209: {  	v21 =	vmul.f32 v21, v12;
	v22 =	vld [tilespmem:s22+$0xFFFFFF90];
	[tilespmem:s21+$0x80] =	vst v14  }
0x20a: {  	v14 =	vmul.f32 v19, v13;
	v15 =	vadd.f32 v15, v18;
	v18 =	vld [tilespmem:s30+$0x90]  }
0x20b: {  	v19 =	vld [tilespmem:s22+$0x90];
	v23 =	vmul.f32 v23, v2  }
0x20c: {  	v14 =	vadd.f32 v14, v21;
	[tilespmem:s21+$0x10] =	vst v15;
	v15 =	vmul.f32 v16, v1;
	v16 =	vld [tilespmem:s20+$0xE0]  }
0x20d: {  	v20 =	vmul.f32 v20, v11;
	v21 =	vld [tilespmem:s30+$0x20];
	v17 =	vadd.f32 v23, v17  }
0x20e: {  	[tilespmem:s21+$0xFFFFFF10] =	vst v14;
	v14 =	vmul.f32 v22, v10;
	v22 =	vld [tilespmem:s22+$0x20]  }
0x20f: {  	v23 =	vld [tilespmem:s30+$0xFFFFFF20];
	v18 =	vmul.f32 v18, v4;
	[tilespmem:s19+$0xFFFFFFE0] =	vst v17  }
0x210: {  	v17 =	vld [tilespmem:s22+$0xFFFFFF20];
	v14 =	vadd.f32 v14, v20;
	v19 =	vmul.f32 v19, v3  }
0x211: {  	v20 =	vld [tilespmem:s0+$0xFFFFFF70];
	v16 =	vmul.f32 v16, v0  }
0x212: {  	[tilespmem:s21+$0xFFFFFF90] =	vst v14;
	v14 =	vadd.f32 v19, v18;
	v18 =	vld [tilespmem:s20+$0xFFFFFF70]  }
0x213: {  	v21 =	vmul.f32 v21, v8;
	v19 =	vld [tilespmem:s30+$0xFFFFFFA0];
	v22 =	vmul.f32 v22, v9;
	v15 =	vadd.f32 v16, v15  }
0x214: {  	v16 =	vmul.f32 v23, v12;
	v23 =	vld [tilespmem:s22+$0xFFFFFFA0];
	[tilespmem:s21+$0x90] =	vst v14  }
0x215: {  	v14 =	vmul.f32 v17, v13;
	v17 =	vadd.f32 v22, v21;
	v21 =	vld [tilespmem:s30+$0xA0];
	[tilespmem:s19+$0xE0] =	vst v15  }
0x216: {  	v15 =	vld [tilespmem:s22+$0xA0];
	v20 =	vmul.f32 v20, v5;
	v5 =	vmov v12  }
0x217: {  	v12 =	vadd.f32 v14, v16;
	[tilespmem:s21+$0x20] =	vst v17;
	v14 =	vmul.f32 v18, v7;
	v16 =	vld [tilespmem:s0+$0xFFFFFFF0];
	v7 =	vmov v13  }
0x218: {  	v13 =	vmul.f32 v19, v11;
	v17 =	vld [tilespmem:s30+$0x30]  }
0x219: {  	[tilespmem:s21+$0xFFFFFF20] =	vst v12;
	v12 =	vmul.f32 v23, v10;
	v18 =	vld [tilespmem:s22+$0x30];
	v14 =	vadd.f32 v14, v20  }
0x21a: {  	v19 =	vld [tilespmem:s30+$0xFFFFFF30];
	v20 =	vmul.f32 v21, v4  }
0x21b: {  	v21 =	vld [tilespmem:s22+$0xFFFFFF30];
	v22 =	vadd.f32 v12, v13;
	v15 =	vmul.f32 v15, v3;
	[tilespmem:s19+$0xFFFFFF70] =	vst v14  }
.Ltmp2:
0x21c: {  	v12 =	vmul.f32 v16, v6;
	v13 =	vld [tilespmem:s20+$0xFFFFFFF0];
	v6 =	vmov v11;
	(pc) =	sbr.rel @p0 .LBB2_6-.Ltmp2, $4  }
0x21d: {  	[tilespmem:s21+$0xFFFFFFA0] =	vst v22;
	v16 =	vadd.f32 v15, v20;
	v11 =	vld [tilespmem:s0+$0xF0];
	s0 =	smov.u32 s30  }
0x21e: {  	v20 =	vmul.f32 v17, v8;
	v14 =	vld [tilespmem:s30+$0xFFFFFFB0];
	v22 =	vmul.f32 v18, v9  }
0x21f: {  	v17 =	vmul.f32 v19, v5;
	v15 =	vld [tilespmem:s22+$0xFFFFFFB0];
	[tilespmem:s21+$0xA0] =	vst v16  }
0x220: {  	v18 =	vmul.f32 v21, v7;
	v19 =	vadd.f32 v22, v20;
	v16 =	vld [tilespmem:s30+$0xB0]  }
0x221: {  	v20 =	vld [tilespmem:s22+$0xB0];
	_ =	sdelay $0x2  }
0x222: {  	v17 =	vadd.f32 v18, v17;
	[tilespmem:s21+$0x30] =	vst v19;
	v14 =	vmul.f32 v14, v6;
	v15 =	vmul.f32 v15, v10  }
0x223: {  	v18 =	vld [tilespmem:s30+$0x40]  }
0x224: {  	[tilespmem:s21+$0xFFFFFF30] =	vst v17;
	v17 =	vld [tilespmem:s22+$0x40];
	v16 =	vmul.f32 v16, v4;
	v14 =	vadd.f32 v15, v14;
	v15 =	vmul.f32 v20, v3  }
0x225: {  	v19 =	vld [tilespmem:s30+$0xFFFFFF40]  }
0x226: {  	v20 =	vld [tilespmem:s22+$0xFFFFFF40];
	[tilespmem:s21+$0xFFFFFFB0] =	vst v14;
	v14 =	vadd.f32 v15, v16  }
0x227: {  	v15 =	vld [tilespmem:s30+$0xFFFFFFC0]  }
0x228: {  	v16 =	vld [tilespmem:s22+$0xFFFFFFC0];
	[tilespmem:s21+$0xB0] =	vst v14  }
0x229: {  	v17 =	vmul.f32 v17, v9;
	v14 =	vmul.f32 v18, v8;
	v18 =	vld [tilespmem:s30+$0xC0]  }
0x22a: {  	v21 =	vld [tilespmem:s22+$0xC0]  }
0x22b: {  	v19 =	vmul.f32 v19, v5;
	v20 =	vmul.f32 v20, v7;
	v14 =	vadd.f32 v17, v14;
	_ =	sdelay $0x1  }
0x22c: {  	v17 =	vadd.f32 v20, v19;
	[tilespmem:s21+$0x40] =	vst v14;
	v14 =	vmul.f32 v15, v6;
	v15 =	vmul.f32 v16, v10  }
0x22d: {  	v16 =	vld [tilespmem:s30+$0x50]  }
0x22e: {  	[tilespmem:s21+$0xFFFFFF40] =	vst v17;
	v17 =	vld [tilespmem:s22+$0x50];
	v18 =	vmul.f32 v18, v4;
	v14 =	vadd.f32 v15, v14;
	v15 =	vmul.f32 v21, v3  }
0x22f: {  	v19 =	vld [tilespmem:s30+$0xFFFFFF50]  }
0x230: {  	v20 =	vld [tilespmem:s22+$0xFFFFFF50];
	[tilespmem:s21+$0xFFFFFFC0] =	vst v14;
	v14 =	vadd.f32 v15, v18  }
0x231: {  	v15 =	vld [tilespmem:s30+$0xFFFFFFD0]  }
0x232: {  	v18 =	vld [tilespmem:s22+$0xFFFFFFD0];
	[tilespmem:s21+$0xC0] =	vst v14  }
0x233: {  	v14 =	vmul.f32 v16, v8;
	v16 =	vmul.f32 v17, v9;
	v17 =	vld [tilespmem:s30+$0xD0]  }
0x234: {  	v35 =	vld [tilespmem:s22+$0xD0]  }
0x235: {  	v19 =	vmul.f32 v19, v5;
	v20 =	vmul.f32 v20, v7;
	v14 =	vadd.f32 v16, v14;
	_ =	sdelay $0x1  }
0x236: {  	v16 =	vadd.f32 v20, v19;
	[tilespmem:s21+$0x50] =	vst v14;
	v14 =	vmul.f32 v15, v6;
	v15 =	vmul.f32 v18, v10  }
0x237: {  	v18 =	vld [tilespmem:s30+$0x60]  }
0x238: {  	[tilespmem:s21+$0xFFFFFF50] =	vst v16;
	v16 =	vld [tilespmem:s22+$0x60];
	v17 =	vmul.f32 v17, v4;
	v14 =	vadd.f32 v15, v14;
	v15 =	vmul.f32 v35, v3  }
0x239: {  	v19 =	vld [tilespmem:s30+$0xFFFFFF60]  }
0x23a: {  	v20 =	vld [tilespmem:s22+$0xFFFFFF60];
	[tilespmem:s21+$0xFFFFFFD0] =	vst v14;
	v14 =	vadd.f32 v15, v17  }
0x23b: {  	v15 =	vld [tilespmem:s0+$0xFFFFFFE0]  }
0x23c: {  	[tilespmem:s21+$0xD0] =	vst v14;
	v14 =	vld [tilespmem:s22+$0xFFFFFFE0]  }
0x23d: {  	v17 =	vmul.f32 v18, v8;
	v16 =	vmul.f32 v16, v9;
	v18 =	vld [tilespmem:s0+$0xE0]  }
0x23e: {  	v36 =	vld [tilespmem:s22+$0xE0]  }
0x23f: {  	v19 =	vmul.f32 v19, v5;
	v20 =	vmul.f32 v20, v7;
	v16 =	vadd.f32 v16, v17;
	_ =	sdelay $0x1  }
0x240: {  	v17 =	vld [tilespmem:s20+$0xF0];
	v19 =	vadd.f32 v20, v19;
	[tilespmem:s21+$0x60] =	vst v16;
	v15 =	vmul.f32 v15, v6;
	v14 =	vmul.f32 v14, v10  }
0x241: {  	v16 =	vld [tilespmem:s0+$0x70]  }
0x242: {  	[tilespmem:s21+$0xFFFFFF60] =	vst v19;
	v19 =	vld [tilespmem:s22+$0x70];
	v18 =	vmul.f32 v18, v4;
	v14 =	vadd.f32 v14, v15;
	v15 =	vmul.f32 v36, v3  }
0x243: {  	v20 =	vld [tilespmem:s0+$0xFFFFFF70]  }
0x244: {  	[tilespmem:s21+$0xFFFFFFE0] =	vst v14;
	v14 =	vld [tilespmem:s22+$0xFFFFFF70];
	v15 =	vadd.f32 v15, v18  }
0x245: {  	v18 =	vld [tilespmem:s0+$0xFFFFFFF0]  }
0x246: {  	[tilespmem:s21+$0xE0] =	vst v15;
	v15 =	vld [tilespmem:s22+$0xFFFFFFF0]  }
0x247: {  	v37 =	vld [tilespmem:s0+$0xF0]  }
0x248: {  	v2 =	vmul.f32 v13, v2;
	v13 =	vld [tilespmem:s22+$0xF0]  }
0x249: {  	v1 =	vmul.f32 v11, v1;
	v0 =	vmul.f32 v17, v0  }
0x24a: {  	v2 =	vadd.f32 v2, v12;
	v8 =	vmul.f32 v16, v8;
	v9 =	vmul.f32 v19, v9  }
0x24b: {  	v0 =	vadd.f32 v0, v1;
	v1 =	vmul.f32 v20, v5;
	v5 =	vmul.f32 v14, v7  }
0x24c: {  	[tilespmem:s19+$0xFFFFFFF0] =	vst v2;
	v2 =	vadd.f32 v9, v8;
	v6 =	vmul.f32 v18, v6;
	v7 =	vmul.f32 v15, v10  }
0x24d: {  	[tilespmem:s19+$0xF0] =	vst v0;
	v0 =	vadd.f32 v5, v1;
	v1 =	vmul.f32 v37, v4;
	v3 =	vmul.f32 v13, v3  }
0x24e: {  	[tilespmem:s21+$0x70] =	vst v2;
	v2 =	vadd.f32 v7, v6  }
0x24f: {  	[tilespmem:s21+$0xFFFFFF70] =	vst v0;
	v0 =	vadd.f32 v3, v1  }
0x250: {  	[tilespmem:s21+$0xFFFFFFF0] =	vst v2  }
0x251: {  	s22 =	simm.s32 $0x14E00;
	[tilespmem:s21+$0xF0] =	vst v0  }
0x252: {  	[hbm4b:s13+s4] =	stream.linear.scatter [tilespmem:s22], [sflag:$0x4], $0x4000, $0x38;
	[tilespmem:$0x18E00] =	vst v63  }
0x253: {  	s5 =	simm.s32 $0x4E00  }
0x254: {  	[tilespmem:s5], [sflag:$0x2] =	stream.linear.gather [hbm4b:s14+s4], $0x4000, $0x38;
	[tilespmem:$0x18E00] =	vst v63  }
0x255: {  	s6 =	simm.s32 $0xCE00  }
0x256: {  	[tilespmem:s6], [sflag:$0x2] =	stream.linear.gather [hbm4b:s15+s4], $0x4000, $0x38;
	[tilespmem:$0x18E00] =	vst v63  }
0x257: {  	_ =	swait.ge [sflag:s26], $0x4000  }
0x258: {  	[sflag:s26] =	ssyncset.done $0x0  }
0x259: {  	s19 =	simm.s32 $0x100;
	[sflag:s26] =	ssyncadd.s32 $0xFFFFC000  }
0x25a: {  	v0 =	vmov s19;
	s5 =	simm.s32 $0x103;
	_ =	swait.ge [sflag:s26], $0x4000  }
0x25b: {  	v0 =	vand.u32 $0xFFFFFFFC, v0;
	v2 =	vmov s5;
	[sflag:s26] =	ssyncset.done $0x0  }
0x25c: {  	s20 =	simm.s32 $0x102;
	v3 =	vbroadcast v0, $0x0;
	[sflag:s26] =	ssyncadd.s32 $0xFFFFC000  }
0x25d: {  	v0 =	vmov s20;
	_ =	swait.ge [sflag:s1], $0x4000  }
0x25e: {  	v0 =	vand.u32 $0xFFFFFFFE, v0;
	[sflag:s1] =	ssyncset.done $0x0  }
0x25f: {  	v4 =	vbroadcast v0, $0x0;
	[sflag:s1] =	ssyncadd.s32 $0xFFFFC000  }
0x260: {  	v1 =	vld.idx.msk [tilespmem:v2+s28+$0x0], $0xffff  }
0x261: {  	v0 =	vld.idx.msk [tilespmem:v2+s29+$0x0], $0xffff  }
0x262: {  	v11 =	vld.idx.msk [tilespmem:v3+s28+$0x0], $0xffff  }
0x263: {  	s0 =	simm.s32 $0xF00;
	v13 =	vld.idx.msk [tilespmem:v3+s29+$0x0], $0xffff  }
0x264: {  	s21 =	simm.s32 $0x101;
	v3 =	vld [tilespmem:s0+$0x0]  }
0x265: {  	v2 =	vmov s21;
	v14 =	vld.idx.msk [tilespmem:v4+s28+$0x0], $0xffff  }
0x266: {  	s20 =	simm.s32 $0x8F00;
	v15 =	vld.idx.msk [tilespmem:v4+s29+$0x0], $0xffff;
	v2 =	vand.u32 $0xFFFFFFFD, v2  }
0x267: {  	v4 =	vld [tilespmem:s20+$0x0];
	v2 =	vbroadcast v2, $0x0  }
0x268: {  	v5 =	vld [tilespmem:s0+$0xFFFFFF00]  }
0x269: {  	v6 =	vld [tilespmem:s20+$0xFFFFFF00];
	_ =	sdelay $0x1  }
0x26a: {  	v7 =	vld [tilespmem:s0+$0xFFFFFF80]  }
0x26b: {  	v8 =	vld [tilespmem:s20+$0xFFFFFF80];
	v3 =	vmul.f32 v3, v14;
	v4 =	vmul.f32 v4, v15  }
0x26c: {  	v12 =	vld.idx.msk [tilespmem:v2+s28+$0x0], $0xffff  }
0x26d: {  	v5 =	vmul.f32 v5, v11;
	v6 =	vmul.f32 v6, v13;
	v3 =	vadd.f32 v4, v3;
	v2 =	vld.idx.msk [tilespmem:v2+s29+$0x0], $0xffff  }
0x26e: {  	s19 =	simm.s32 $0x10F00;
	v9 =	vld [tilespmem:s20+$0x80]  }
0x26f: {  	v4 =	vld [tilespmem:s0+$0x80];
	v5 =	vadd.f32 v6, v5;
	[tilespmem:s19+$0x0] =	vst v3  }
0x270: {  	v3 =	vld [tilespmem:s0+$0x10]  }
0x271: {  	[tilespmem:s19+$0xFFFFFF00] =	vst v5;
	v6 =	vmul.f32 v7, v12;
	v7 =	vld [tilespmem:s20+$0x10]  }
0x272: {  	v10 =	vld [tilespmem:s20+$0xFFFFFF10];
	v5 =	vmul.f32 v8, v2  }
0x273: {  	v8 =	vld [tilespmem:s0+$0xFFFFFF10]  }
0x274: {  	v4 =	vmul.f32 v4, v1;
	v5 =	vadd.f32 v5, v6;
	v6 =	vmul.f32 v9, v0;
	_ =	sdelay $0x1  }
0x275: {  	v3 =	vmul.f32 v3, v14;
	[tilespmem:s19+$0xFFFFFF80] =	vst v5;
	v4 =	vadd.f32 v6, v4;
	v6 =	vmul.f32 v7, v15  }
0x276: {  	v7 =	vld [tilespmem:s20+$0xFFFFFF90]  }
0x277: {  	v5 =	vld [tilespmem:s0+$0xFFFFFF90];
	[tilespmem:s19+$0x80] =	vst v4;
	v4 =	vmul.f32 v8, v11;
	v8 =	vmul.f32 v10, v13;
	v3 =	vadd.f32 v6, v3  }
0x278: {  	v6 =	vld [tilespmem:s0+$0x90]  }
0x279: {  	v9 =	vld [tilespmem:s20+$0x90];
	v4 =	vadd.f32 v8, v4;
	[tilespmem:s19+$0x10] =	vst v3  }
0x27a: {  	v3 =	vld [tilespmem:s0+$0x20]  }
0x27b: {  	[tilespmem:s19+$0xFFFFFF10] =	vst v4;
	v4 =	vmul.f32 v7, v2;
	v7 =	vld [tilespmem:s20+$0x20]  }
0x27c: {  	v5 =	vmul.f32 v5, v12;
	v8 =	vld [tilespmem:s0+$0xFFFFFF20]  }
0x27d: {  	v10 =	vld [tilespmem:s20+$0xFFFFFF20]  }
0x27e: {  	v6 =	vmul.f32 v6, v1;
	v4 =	vadd.f32 v4, v5;
	v5 =	vmul.f32 v9, v0;
	_ =	sdelay $0x1  }
0x27f: {  	[tilespmem:s19+$0xFFFFFF90] =	vst v4;
	v4 =	vadd.f32 v5, v6;
	v3 =	vmul.f32 v3, v14;
	v6 =	vmul.f32 v7, v15  }
0x280: {  	v7 =	vld [tilespmem:s20+$0xFFFFFFA0]  }
0x281: {  	v5 =	vld [tilespmem:s0+$0xFFFFFFA0];
	[tilespmem:s19+$0x90] =	vst v4;
	v4 =	vmul.f32 v8, v11;
	v8 =	vmul.f32 v10, v13;
	v3 =	vadd.f32 v6, v3  }
0x282: {  	v6 =	vld [tilespmem:s0+$0xA0]  }
0x283: {  	v9 =	vld [tilespmem:s20+$0xA0];
	v4 =	vadd.f32 v8, v4;
	[tilespmem:s19+$0x20] =	vst v3  }
0x284: {  	v3 =	vld [tilespmem:s0+$0x30]  }
0x285: {  	[tilespmem:s19+$0xFFFFFF20] =	vst v4;
	v4 =	vmul.f32 v7, v2;
	v7 =	vld [tilespmem:s20+$0x30]  }
0x286: {  	v5 =	vmul.f32 v5, v12;
	v8 =	vld [tilespmem:s0+$0xFFFFFF30]  }
0x287: {  	v10 =	vld [tilespmem:s20+$0xFFFFFF30]  }
0x288: {  	v6 =	vmul.f32 v6, v1;
	v4 =	vadd.f32 v4, v5;
	v5 =	vmul.f32 v9, v0  }
0x289: {  	s30 =	simm.s32 $0x1100  }
0x28a: {  	v24 =	vld [tilespmem:s30+$0x0];
	[tilespmem:s19+$0xFFFFFFA0] =	vst v4;
	v4 =	vadd.f32 v5, v6;
	v3 =	vmul.f32 v3, v14;
	v6 =	vmul.f32 v7, v15  }
0x28b: {  	v5 =	vld [tilespmem:s0+$0xFFFFFFB0]  }
0x28c: {  	v7 =	vld [tilespmem:s20+$0xFFFFFFB0];
	[tilespmem:s19+$0xA0] =	vst v4;
	v4 =	vmul.f32 v8, v11;
	v8 =	vmul.f32 v10, v13;
	v3 =	vadd.f32 v6, v3  }
0x28d: {  	s22 =	simm.s32 $0x107;
	v6 =	vld [tilespmem:s0+$0xB0]  }
0x28e: {  	v10 =	vmov s22;
	v9 =	vld [tilespmem:s20+$0xB0];
	v4 =	vadd.f32 v8, v4;
	[tilespmem:s19+$0x30] =	vst v3  }
0x28f: {  	v8 =	vld [tilespmem:s0+$0x40]  }
0x290: {  	v3 =	vmul.f32 v5, v12;
	[tilespmem:s19+$0xFFFFFF30] =	vst v4;
	v5 =	vld [tilespmem:s20+$0x40]  }
0x291: {  	v4 =	vmul.f32 v7, v2;
	v16 =	vld [tilespmem:s0+$0xFFFFFF40]  }
0x292: {  	v17 =	vld [tilespmem:s20+$0xFFFFFF40]  }
0x293: {  	v6 =	vmul.f32 v6, v1;
	v18 =	vadd.f32 v4, v3;
	v9 =	vmul.f32 v9, v0;
	v4 =	vld.idx.msk [tilespmem:v10+s28+$0x0], $0xffff  }
0x294: {  	v3 =	vld.idx.msk [tilespmem:v10+s29+$0x0], $0xffff  }
0x295: {  	s6 =	simm.s32 $0x104;
	v26 =	vld [tilespmem:s30+$0xFFFFFF00];
	[tilespmem:s19+$0xFFFFFFB0] =	vst v18;
	v6 =	vadd.f32 v9, v6;
	v8 =	vmul.f32 v8, v14;
	v5 =	vmul.f32 v5, v15  }
0x296: {  	s21 =	simm.s32 $0x105;
	v7 =	vmov s6;
	v9 =	vld [tilespmem:s0+$0xFFFFFFC0];
	v10 =	vmul.f32 v16, v11  }
0x297: {  	v16 =	vld [tilespmem:s20+$0xFFFFFFC0];
	[tilespmem:s19+$0xB0] =	vst v6;
	v6 =	vmov s21;
	v17 =	vmul.f32 v17, v13;
	v8 =	vadd.f32 v5, v8  }
0x298: {  	v7 =	vand.u32 $0xFFFFFFFC, v7;
	v18 =	vld [tilespmem:s0+$0xC0];
	v6 =	vand.u32 $0xFFFFFFFD, v6  }
0x299: {  	v7 =	vbroadcast v7, $0x0;
	v19 =	vld [tilespmem:s20+$0xC0];
	v20 =	vbroadcast v6, $0x0;
	v6 =	vadd.f32 v17, v10;
	[tilespmem:s19+$0x40] =	vst v8  }
0x29a: {  	v8 =	vld [tilespmem:s0+$0x50]  }
0x29b: {  	[tilespmem:s19+$0xFFFFFF40] =	vst v6;
	v10 =	vld [tilespmem:s20+$0x50]  }
0x29c: {  	v9 =	vmul.f32 v9, v12;
	v6 =	vmul.f32 v16, v2;
	v16 =	vld [tilespmem:s0+$0xFFFFFF50]  }
0x29d: {  	v17 =	vmul.f32 v18, v1;
	v18 =	vld [tilespmem:s20+$0xFFFFFF50]  }
0x29e: {  	v27 =	vld [tilespmem:s30+$0xFFFFFF80];
	v19 =	vmul.f32 v19, v0;
	v9 =	vadd.f32 v6, v9  }
0x29f: {  	v5 =	vld.idx.msk [tilespmem:v7+s28+$0x0], $0xffff  }
0x2a0: {  	v39 =	vld [tilespmem:s30+$0x80];
	[tilespmem:s19+$0xFFFFFFC0] =	vst v9;
	v9 =	vadd.f32 v19, v17;
	v8 =	vmul.f32 v8, v14;
	v10 =	vmul.f32 v10, v15  }
0x2a1: {  	s22 =	simm.s32 $0x106;
	v6 =	vld.idx.msk [tilespmem:v20+s28+$0x0], $0xffff;
	v16 =	vmul.f32 v16, v11  }
0x2a2: {  	v17 =	vld [tilespmem:s0+$0xFFFFFFD0];
	[tilespmem:s19+$0xC0] =	vst v9;
	v9 =	vmov s22;
	v18 =	vmul.f32 v18, v13;
	v8 =	vadd.f32 v10, v8  }
0x2a3: {  	v19 =	vld [tilespmem:s20+$0xFFFFFFD0];
	v9 =	vand.u32 $0xFFFFFFFE, v9  }
0x2a4: {  	v10 =	vld.idx.msk [tilespmem:v20+s29+$0x0], $0xffff;
	v9 =	vbroadcast v9, $0x0;
	v16 =	vadd.f32 v18, v16;
	[tilespmem:s19+$0x50] =	vst v8  }
0x2a5: {  	v18 =	vld [tilespmem:s0+$0x60]  }
0x2a6: {  	s22 =	simm.s32 $0x9100;
	[tilespmem:s19+$0xFFFFFF50] =	vst v16;
	v16 =	vld [tilespmem:s20+$0x60]  }
0x2a7: {  	v25 =	vld [tilespmem:s22+$0x0]  }
0x2a8: {  	v20 =	vld [tilespmem:s0+$0xFFFFFF60]  }
0x2a9: {  	v23 =	vld [tilespmem:s20+$0xFFFFFF60]  }
0x2aa: {  	v8 =	vld.idx.msk [tilespmem:v9+s28+$0x0], $0xffff  }
0x2ab: {  	v9 =	vld.idx.msk [tilespmem:v9+s29+$0x0], $0xffff;
	v18 =	vmul.f32 v18, v14;
	v16 =	vmul.f32 v16, v15  }
0x2ac: {  	v7 =	vld.idx.msk [tilespmem:v7+s29+$0x0], $0xffff  }
0x2ad: {  	v16 =	vadd.f32 v16, v18;
	v18 =	vld [tilespmem:s22+$0xFFFFFF00]  }
0x2ae: {  	v38 =	vld [tilespmem:s0+$0xD0];
	v20 =	vmul.f32 v20, v11;
	v23 =	vmul.f32 v23, v13  }
0x2af: {  	v22 =	vld [tilespmem:s20+$0xD0];
	[tilespmem:s19+$0x60] =	vst v16;
	v16 =	vmul.f32 v17, v12;
	v17 =	vmul.f32 v19, v2  }
0x2b0: {  	v20 =	vadd.f32 v23, v20;
	v24 =	vmul.f32 v24, v8;
	v25 =	vmul.f32 v25, v9;
	v19 =	vld [tilespmem:s0+$0x70]  }
0x2b1: {  	v16 =	vadd.f32 v17, v16;
	v17 =	vld [tilespmem:s22+$0xFFFFFF80]  }
0x2b2: {  	v26 =	vmul.f32 v26, v5;
	v28 =	vld [tilespmem:s20+$0x70];
	[tilespmem:s19+$0xFFFFFF60] =	vst v20;
	v24 =	vadd.f32 v25, v24;
	v18 =	vmul.f32 v18, v7  }
0x2b3: {  	s21 =	simm.s32 $0x11100;
	[tilespmem:s19+$0xFFFFFFD0] =	vst v16;
	v16 =	vld [tilespmem:s22+$0x80]  }
0x2b4: {  	v55 =	vld [tilespmem:s0+$0xFFFFFF70];
	[tilespmem:s21+$0x0] =	vst v24;
	v18 =	vadd.f32 v18, v26  }
0x2b5: {  	v41 =	vld [tilespmem:s30+$0x10]  }
0x2b6: {  	v27 =	vmul.f32 v27, v6;
	[tilespmem:s21+$0xFFFFFF00] =	vst v18;
	v17 =	vmul.f32 v17, v10;
	v18 =	vld [tilespmem:s22+$0x10]  }
0x2b7: {  	v42 =	vld [tilespmem:s30+$0xFFFFFF10]  }
0x2b8: {  	v25 =	vmul.f32 v39, v4;
	v29 =	vld [tilespmem:s22+$0xFFFFFF10];
	v17 =	vadd.f32 v17, v27;
	v16 =	vmul.f32 v16, v3  }
0x2b9: {  	v40 =	vld [tilespmem:s0+$0xFFFFFFE0]  }
0x2ba: {  	v21 =	vmul.f32 v38, v1;
	v22 =	vmul.f32 v22, v0;
	v43 =	vld [tilespmem:s20+$0xFFFFFFE0];
	[tilespmem:s21+$0xFFFFFF80] =	vst v17;
	v16 =	vadd.f32 v16, v25  }
0x2bb: {  	v26 =	vmul.f32 v41, v8;
	v44 =	vld [tilespmem:s30+$0xFFFFFF90];
	v18 =	vmul.f32 v18, v9  }
0x2bc: {  	v21 =	vadd.f32 v22, v21;
	v45 =	vld [tilespmem:s22+$0xFFFFFF90];
	[tilespmem:s21+$0x80] =	vst v16  }
0x2bd: {  	v16 =	vmul.f32 v42, v5;
	v46 =	vmul.f32 v29, v7;
	v18 =	vadd.f32 v18, v26;
	v47 =	vld [tilespmem:s30+$0x90]  }
0x2be: {  	[tilespmem:s19+$0xD0] =	vst v21;
	v48 =	vld [tilespmem:s22+$0x90]  }
0x2bf: {  	v24 =	vmul.f32 v40, v12;
	v21 =	vmul.f32 v43, v2;
	v17 =	vld [tilespmem:s0+$0xE0];
	v16 =	vadd.f32 v46, v16;
	[tilespmem:s21+$0x10] =	vst v18  }
0x2c0: {  	v49 =	vld [tilespmem:s30+$0x20]  }
0x2c1: {  	v21 =	vadd.f32 v21, v24;
	v50 =	vmul.f32 v44, v6;
	[tilespmem:s21+$0xFFFFFF10] =	vst v16;
	v16 =	vmul.f32 v45, v10;
	v51 =	vld [tilespmem:s22+$0x20]  }
0x2c2: {  	v52 =	vld [tilespmem:s30+$0xFFFFFF20]  }
0x2c3: {  	[tilespmem:s19+$0xFFFFFFE0] =	vst v21;
	v53 =	vld [tilespmem:s22+$0xFFFFFF20];
	v20 =	vmul.f32 v47, v4;
	v16 =	vadd.f32 v16, v50;
	v54 =	vmul.f32 v48, v3  }
0x2c4: {  	v60 =	vld [tilespmem:s0+$0xFFFFFFF0]  }
0x2c5: {  	v18 =	vld [tilespmem:s20+$0xE0];
	[tilespmem:s21+$0xFFFFFF90] =	vst v16;
	v16 =	vadd.f32 v54, v20  }
0x2c6: {  	v56 =	vld [tilespmem:s30+$0xFFFFFFA0];
	v22 =	vmul.f32 v49, v8;
	v25 =	vmul.f32 v51, v9  }
0x2c7: {  	[tilespmem:s21+$0x90] =	vst v16;
	v16 =	vld [tilespmem:s22+$0xFFFFFFA0]  }
0x2c8: {  	v57 =	vmul.f32 v52, v5;
	v26 =	vmul.f32 v53, v7;
	v22 =	vadd.f32 v25, v22;
	v58 =	vld [tilespmem:s30+$0xA0]  }
0x2c9: {  	v59 =	vld [tilespmem:s22+$0xA0]  }
0x2ca: {  	v20 =	vld [tilespmem:s20+$0xFFFFFF70];
	v24 =	vadd.f32 v26, v57;
	[tilespmem:s21+$0x20] =	vst v22  }
0x2cb: {  	v17 =	vmul.f32 v17, v1;
	v18 =	vmul.f32 v18, v0;
	v61 =	vld [tilespmem:s30+$0x30]  }
0x2cc: {  	v23 =	vmul.f32 v56, v6;
	[tilespmem:s21+$0xFFFFFF20] =	vst v24;
	v62 =	vld [tilespmem:s22+$0x30];
	v16 =	vmul.f32 v16, v10  }
0x2cd: {  	v14 =	vmul.f32 v19, v14;
	v15 =	vmul.f32 v28, v15;
	v17 =	vadd.f32 v18, v17;
	v18 =	vld [tilespmem:s30+$0xFFFFFF30]  }
0x2ce: {  	v63 =	vld [tilespmem:s22+$0xFFFFFF30];
	v19 =	vmul.f32 v58, v4;
	v21 =	vmul.f32 v59, v3;
	v16 =	vadd.f32 v16, v23  }
0x2cf: {  	v14 =	vadd.f32 v15, v14;
	v15 =	vmul.f32 v55, v11;
	[tilespmem:s19+$0xE0] =	vst v17;
	v17 =	vmul.f32 v20, v13;
	v13 =	vld [tilespmem:s20+$0xFFFFFFF0]  }
0x2d0: {  	v11 =	vld [tilespmem:s0+$0xF0];
	[tilespmem:s21+$0xFFFFFFA0] =	vst v16;
	v16 =	vadd.f32 v21, v19  }
0x2d1: {  	[tilespmem:s19+$0x70] =	vst v14;
	v17 =	vadd.f32 v17, v15;
	v19 =	vmul.f32 v61, v8;
	v20 =	vmul.f32 v62, v9;
	v14 =	vld [tilespmem:s30+$0xFFFFFFB0]  }
0x2d2: {  	v12 =	vmul.f32 v60, v12;
	v15 =	vld [tilespmem:s22+$0xFFFFFFB0];
	[tilespmem:s21+$0xA0] =	vst v16  }
0x2d3: {  	s5 =	simm.s32 $0x4;
	s0 =	simm.s32 $0x1100;
	[tilespmem:s19+$0xFFFFFF70] =	vst v17;
	v17 =	vmul.f32 v18, v5;
	v18 =	vmul.f32 v63, v7;
	v19 =	vadd.f32 v20, v19;
	v16 =	vld [tilespmem:s30+$0xB0]  }
.LBB2_8:
0x2d4: {  	s6 =	sadd.s32 $0x107, s5;
	v20 =	vld [tilespmem:s22+$0xB0];
	v13 =	vmul.f32 v13, v2;
	v2 =	vmov v10  }
0x2d5: {  	v10 =	vmov s6;
	v17 =	vadd.f32 v18, v17;
	[tilespmem:s21+$0x30] =	vst v19;
	v11 =	vmul.f32 v11, v1;
	v18 =	vld [tilespmem:s20+$0xF0];
	v1 =	vmovc v4;
	s20 =	smov.u32 s22  }
0x2d6: {  	v4 =	vmul.f32 v14, v6;
	v14 =	vld [tilespmem:s30+$0x40];
	v12 =	vadd.f32 v13, v12  }
0x2d7: {  	s6 =	sadd.s32 $0x104, s5;
	[tilespmem:s21+$0xFFFFFF30] =	vst v17;
	v13 =	vmul.f32 v15, v2;
	v15 =	vld [tilespmem:s22+$0x40]  }
0x2d8: {  	v17 =	vmov s6;
	v19 =	vld [tilespmem:s30+$0xFFFFFF40];
	v16 =	vmul.f32 v16, v1;
	[tilespmem:s19+$0xFFFFFFF0] =	vst v12  }
0x2d9: {  	v12 =	vand.u32 $0xFFFFFFFC, v17;
	v17 =	vld [tilespmem:s22+$0xFFFFFF40];
	v13 =	vadd.f32 v13, v4;
	v20 =	vmul.f32 v20, v3  }
0x2da: {  	v21 =	vbroadcast v12, $0x0;
	v4 =	vld.idx.msk [tilespmem:v10+s28+$0x0], $0xffff;
	v12 =	vmul.f32 v18, v0;
	v0 =	vmov v3  }
0x2db: {  	v3 =	vld.idx.msk [tilespmem:v10+s29+$0x0], $0xffff;
	[tilespmem:s21+$0xFFFFFFB0] =	vst v13;
	v10 =	vadd.f32 v20, v16  }
0x2dc: {  	v14 =	vmul.f32 v14, v8;
	v13 =	vld [tilespmem:s30+$0xFFFFFFC0];
	v15 =	vmul.f32 v15, v9;
	v11 =	vadd.f32 v12, v11  }
0x2dd: {  	s6 =	sadd.s32 $0x105, s5;
	v16 =	vmul.f32 v19, v5;
	v18 =	vld [tilespmem:s22+$0xFFFFFFC0];
	[tilespmem:s21+$0xB0] =	vst v10  }
0x2de: {  	v10 =	vmov s6;
	v17 =	vmul.f32 v17, v7;
	v14 =	vadd.f32 v15, v14;
	v15 =	vld [tilespmem:s30+$0xC0];
	[tilespmem:s19+$0xF0] =	vst v11;
	s19 =	smov.u32 s21  }
0x2df: {  	v10 =	vand.u32 $0xFFFFFFFD, v10;
	v11 =	vld [tilespmem:s22+$0xC0]  }
0x2e0: {  	v10 =	vbroadcast v10, $0x0;
	v12 =	vld.idx.msk [tilespmem:v21+s28+$0x0], $0xffff;
	v16 =	vadd.f32 v17, v16;
	[tilespmem:s21+$0x40] =	vst v14  }
0x2e1: {  	v13 =	vmul.f32 v13, v6;
	v14 =	vld [tilespmem:s30+$0x50]  }
0x2e2: {  	[tilespmem:s21+$0xFFFFFF40] =	vst v16;
	v16 =	vmul.f32 v18, v2;
	v17 =	vld [tilespmem:s22+$0x50]  }
0x2e3: {  	v18 =	vld [tilespmem:s30+$0xFFFFFF50];
	v15 =	vmul.f32 v15, v1  }
0x2e4: {  	v19 =	vld [tilespmem:s22+$0xFFFFFF50];
	v16 =	vadd.f32 v16, v13;
	v20 =	vmul.f32 v11, v0  }
0x2e5: {  	v13 =	vld.idx.msk [tilespmem:v21+s29+$0x0], $0xffff  }
0x2e6: {  	v11 =	vld.idx.msk [tilespmem:v10+s28+$0x0], $0xffff;
	[tilespmem:s21+$0xFFFFFFC0] =	vst v16;
	v15 =	vadd.f32 v20, v15  }
0x2e7: {  	v14 =	vmul.f32 v14, v8;
	v16 =	vld [tilespmem:s30+$0xFFFFFFD0];
	v17 =	vmul.f32 v17, v9  }
0x2e8: {  	s6 =	sadd.s32 $0x106, s5;
	v18 =	vmul.f32 v18, v5;
	v20 =	vld [tilespmem:s22+$0xFFFFFFD0];
	[tilespmem:s21+$0xC0] =	vst v15  }
0x2e9: {  	v15 =	vmov s6;
	v19 =	vmul.f32 v19, v7;
	v14 =	vadd.f32 v17, v14;
	v17 =	vld [tilespmem:s30+$0xD0]  }
0x2ea: {  	v15 =	vand.u32 $0xFFFFFFFE, v15;
	v21 =	vld [tilespmem:s22+$0xD0]  }
0x2eb: {  	v15 =	vbroadcast v15, $0x0;
	v10 =	vld.idx.msk [tilespmem:v10+s29+$0x0], $0xffff;
	v18 =	vadd.f32 v19, v18;
	[tilespmem:s21+$0x50] =	vst v14  }
0x2ec: {  	v14 =	vmul.f32 v16, v6;
	v16 =	vld [tilespmem:s30+$0x60]  }
0x2ed: {  	[tilespmem:s21+$0xFFFFFF50] =	vst v18;
	v18 =	vmul.f32 v20, v2;
	v19 =	vld [tilespmem:s22+$0x60]  }
0x2ee: {  	v20 =	vld [tilespmem:s30+$0xFFFFFF60];
	v17 =	vmul.f32 v17, v1  }
0x2ef: {  	s30 =	sadd.s32 $0x200, s30;
	v22 =	vld [tilespmem:s22+$0xFFFFFF60];
	v14 =	vadd.f32 v18, v14;
	v18 =	vmul.f32 v21, v0  }
0x2f0: {  	s5 =	sadd.s32 $0x4, s5;
	v21 =	vld [tilespmem:s30+$0x0]  }
0x2f1: {  	p0 =	slt.u32 s5, $0x7C;
	v23 =	vld.idx.msk [tilespmem:v15+s28+$0x0], $0xffff;
	[tilespmem:s21+$0xFFFFFFD0] =	vst v14;
	v14 =	vadd.f32 v18, v17  }
0x2f2: {  	s22 =	sadd.s32 $0x200, s22;
	v16 =	vmul.f32 v16, v8;
	v15 =	vld.idx.msk [tilespmem:v15+s29+$0x0], $0xffff;
	v17 =	vmul.f32 v19, v9  }
0x2f3: {  	v18 =	vld [tilespmem:s22+$0x0];
	v19 =	vmul.f32 v20, v5;
	[tilespmem:s21+$0xD0] =	vst v14  }
0x2f4: {  	v14 =	vld [tilespmem:s30+$0xFFFFFF00];
	v20 =	vmul.f32 v22, v7;
	v16 =	vadd.f32 v17, v16  }
0x2f5: {  	v17 =	vld [tilespmem:s22+$0xFFFFFF00]  }
0x2f6: {  	v22 =	vld [tilespmem:s30+$0xFFFFFF80];
	v19 =	vadd.f32 v20, v19;
	[tilespmem:s21+$0x60] =	vst v16  }
0x2f7: {  	v16 =	vld [tilespmem:s0+$0x70]  }
0x2f8: {  	v20 =	vmul.f32 v21, v23;
	v18 =	vmul.f32 v18, v15;
	[tilespmem:s21+$0xFFFFFF60] =	vst v19;
	v19 =	vld [tilespmem:s20+$0x70]  }
0x2f9: {  	v14 =	vmul.f32 v14, v12;
	v21 =	vld [tilespmem:s22+$0xFFFFFF80]  }
0x2fa: {  	v17 =	vmul.f32 v17, v13;
	v18 =	vadd.f32 v18, v20;
	v20 =	vld [tilespmem:s30+$0x80]  }
0x2fb: {  	s21 =	sadd.s32 $0x200, s21;
	v22 =	vmul.f32 v22, v11;
	v24 =	vld [tilespmem:s22+$0x80]  }
0x2fc: {  	v14 =	vadd.f32 v17, v14;
	[tilespmem:s21+$0x0] =	vst v18;
	v17 =	vld [tilespmem:s0+$0xFFFFFFE0]  }
0x2fd: {  	v16 =	vmul.f32 v16, v8;
	v8 =	vmovc v23;
	v18 =	vld [tilespmem:s30+$0x10];
	v19 =	vmul.f32 v19, v9;
	v9 =	vmov v15  }
0x2fe: {  	[tilespmem:s21+$0xFFFFFF00] =	vst v14;
	v14 =	vmul.f32 v21, v10;
	v15 =	vld [tilespmem:s22+$0x10]  }
0x2ff: {  	v21 =	vld [tilespmem:s30+$0xFFFFFF10];
	v20 =	vmul.f32 v20, v4;
	v16 =	vadd.f32 v19, v16  }
0x300: {  	v19 =	vld [tilespmem:s22+$0xFFFFFF10];
	v14 =	vadd.f32 v14, v22;
	v22 =	vmul.f32 v24, v3  }
0x301: {  	v17 =	vmul.f32 v17, v6;
	v23 =	vld [tilespmem:s20+$0xFFFFFFE0];
	[tilespmem:s19+$0x70] =	vst v16  }
0x302: {  	[tilespmem:s21+$0xFFFFFF80] =	vst v14;
	v14 =	vadd.f32 v22, v20;
	v16 =	vld [tilespmem:s0+$0xE0]  }
0x303: {  	v18 =	vmul.f32 v18, v8;
	v20 =	vld [tilespmem:s30+$0xFFFFFF90];
	v15 =	vmul.f32 v15, v9  }
0x304: {  	v21 =	vmul.f32 v21, v12;
	v22 =	vld [tilespmem:s22+$0xFFFFFF90];
	[tilespmem:s21+$0x80] =	vst v14  }
0x305: {  	v14 =	vmul.f32 v19, v13;
	v15 =	vadd.f32 v15, v18;
	v18 =	vld [tilespmem:s30+$0x90]  }
0x306: {  	v19 =	vld [tilespmem:s22+$0x90];
	v23 =	vmul.f32 v23, v2  }
0x307: {  	v14 =	vadd.f32 v14, v21;
	[tilespmem:s21+$0x10] =	vst v15;
	v15 =	vmul.f32 v16, v1;
	v16 =	vld [tilespmem:s20+$0xE0]  }
0x308: {  	v20 =	vmul.f32 v20, v11;
	v21 =	vld [tilespmem:s30+$0x20];
	v17 =	vadd.f32 v23, v17  }
0x309: {  	[tilespmem:s21+$0xFFFFFF10] =	vst v14;
	v14 =	vmul.f32 v22, v10;
	v22 =	vld [tilespmem:s22+$0x20]  }
0x30a: {  	v23 =	vld [tilespmem:s30+$0xFFFFFF20];
	v18 =	vmul.f32 v18, v4;
	[tilespmem:s19+$0xFFFFFFE0] =	vst v17  }
0x30b: {  	v17 =	vld [tilespmem:s22+$0xFFFFFF20];
	v14 =	vadd.f32 v14, v20;
	v19 =	vmul.f32 v19, v3  }
0x30c: {  	v20 =	vld [tilespmem:s0+$0xFFFFFF70];
	v16 =	vmul.f32 v16, v0  }
0x30d: {  	[tilespmem:s21+$0xFFFFFF90] =	vst v14;
	v14 =	vadd.f32 v19, v18;
	v18 =	vld [tilespmem:s20+$0xFFFFFF70]  }
0x30e: {  	v21 =	vmul.f32 v21, v8;
	v19 =	vld [tilespmem:s30+$0xFFFFFFA0];
	v22 =	vmul.f32 v22, v9;
	v15 =	vadd.f32 v16, v15  }
0x30f: {  	v16 =	vmul.f32 v23, v12;
	v23 =	vld [tilespmem:s22+$0xFFFFFFA0];
	[tilespmem:s21+$0x90] =	vst v14  }
0x310: {  	v14 =	vmul.f32 v17, v13;
	v17 =	vadd.f32 v22, v21;
	v21 =	vld [tilespmem:s30+$0xA0];
	[tilespmem:s19+$0xE0] =	vst v15  }
0x311: {  	v15 =	vld [tilespmem:s22+$0xA0];
	v20 =	vmul.f32 v20, v5;
	v5 =	vmov v12  }
0x312: {  	v12 =	vadd.f32 v14, v16;
	[tilespmem:s21+$0x20] =	vst v17;
	v14 =	vmul.f32 v18, v7;
	v16 =	vld [tilespmem:s0+$0xFFFFFFF0];
	v7 =	vmov v13  }
0x313: {  	v13 =	vmul.f32 v19, v11;
	v17 =	vld [tilespmem:s30+$0x30]  }
0x314: {  	[tilespmem:s21+$0xFFFFFF20] =	vst v12;
	v12 =	vmul.f32 v23, v10;
	v18 =	vld [tilespmem:s22+$0x30];
	v14 =	vadd.f32 v14, v20  }
0x315: {  	v19 =	vld [tilespmem:s30+$0xFFFFFF30];
	v20 =	vmul.f32 v21, v4  }
0x316: {  	v21 =	vld [tilespmem:s22+$0xFFFFFF30];
	v22 =	vadd.f32 v12, v13;
	v15 =	vmul.f32 v15, v3;
	[tilespmem:s19+$0xFFFFFF70] =	vst v14  }
.Ltmp3:
0x317: {  	v12 =	vmul.f32 v16, v6;
	v13 =	vld [tilespmem:s20+$0xFFFFFFF0];
	v6 =	vmov v11;
	(pc) =	sbr.rel @p0 .LBB2_8-.Ltmp3, $4  }
0x318: {  	[tilespmem:s21+$0xFFFFFFA0] =	vst v22;
	v16 =	vadd.f32 v15, v20;
	v11 =	vld [tilespmem:s0+$0xF0];
	s0 =	smov.u32 s30  }
0x319: {  	v20 =	vmul.f32 v17, v8;
	v14 =	vld [tilespmem:s30+$0xFFFFFFB0];
	v22 =	vmul.f32 v18, v9  }
0x31a: {  	v17 =	vmul.f32 v19, v5;
	v15 =	vld [tilespmem:s22+$0xFFFFFFB0];
	[tilespmem:s21+$0xA0] =	vst v16  }
0x31b: {  	v18 =	vmul.f32 v21, v7;
	v19 =	vadd.f32 v22, v20;
	v16 =	vld [tilespmem:s30+$0xB0]  }
0x31c: {  	v20 =	vld [tilespmem:s22+$0xB0];
	_ =	sdelay $0x2  }
0x31d: {  	v17 =	vadd.f32 v18, v17;
	[tilespmem:s21+$0x30] =	vst v19;
	v14 =	vmul.f32 v14, v6;
	v15 =	vmul.f32 v15, v10  }
0x31e: {  	v18 =	vld [tilespmem:s30+$0x40]  }
0x31f: {  	[tilespmem:s21+$0xFFFFFF30] =	vst v17;
	v17 =	vld [tilespmem:s22+$0x40];
	v16 =	vmul.f32 v16, v4;
	v14 =	vadd.f32 v15, v14;
	v15 =	vmul.f32 v20, v3  }
0x320: {  	v19 =	vld [tilespmem:s30+$0xFFFFFF40]  }
0x321: {  	v20 =	vld [tilespmem:s22+$0xFFFFFF40];
	[tilespmem:s21+$0xFFFFFFB0] =	vst v14;
	v14 =	vadd.f32 v15, v16  }
0x322: {  	v15 =	vld [tilespmem:s30+$0xFFFFFFC0]  }
0x323: {  	v16 =	vld [tilespmem:s22+$0xFFFFFFC0];
	[tilespmem:s21+$0xB0] =	vst v14  }
0x324: {  	v17 =	vmul.f32 v17, v9;
	v14 =	vmul.f32 v18, v8;
	v18 =	vld [tilespmem:s30+$0xC0]  }
0x325: {  	v21 =	vld [tilespmem:s22+$0xC0]  }
0x326: {  	v19 =	vmul.f32 v19, v5;
	v20 =	vmul.f32 v20, v7;
	v14 =	vadd.f32 v17, v14;
	_ =	sdelay $0x1  }
0x327: {  	v17 =	vadd.f32 v20, v19;
	[tilespmem:s21+$0x40] =	vst v14;
	v14 =	vmul.f32 v15, v6;
	v15 =	vmul.f32 v16, v10  }
0x328: {  	v16 =	vld [tilespmem:s30+$0x50]  }
0x329: {  	[tilespmem:s21+$0xFFFFFF40] =	vst v17;
	v17 =	vld [tilespmem:s22+$0x50];
	v18 =	vmul.f32 v18, v4;
	v14 =	vadd.f32 v15, v14;
	v15 =	vmul.f32 v21, v3  }
0x32a: {  	v19 =	vld [tilespmem:s30+$0xFFFFFF50]  }
0x32b: {  	v20 =	vld [tilespmem:s22+$0xFFFFFF50];
	[tilespmem:s21+$0xFFFFFFC0] =	vst v14;
	v14 =	vadd.f32 v15, v18  }
0x32c: {  	v15 =	vld [tilespmem:s30+$0xFFFFFFD0]  }
0x32d: {  	v18 =	vld [tilespmem:s22+$0xFFFFFFD0];
	[tilespmem:s21+$0xC0] =	vst v14  }
0x32e: {  	v14 =	vmul.f32 v16, v8;
	v16 =	vmul.f32 v17, v9;
	v17 =	vld [tilespmem:s30+$0xD0]  }
0x32f: {  	v35 =	vld [tilespmem:s22+$0xD0]  }
0x330: {  	v19 =	vmul.f32 v19, v5;
	v20 =	vmul.f32 v20, v7;
	v14 =	vadd.f32 v16, v14;
	_ =	sdelay $0x1  }
0x331: {  	v16 =	vadd.f32 v20, v19;
	[tilespmem:s21+$0x50] =	vst v14;
	v14 =	vmul.f32 v15, v6;
	v15 =	vmul.f32 v18, v10  }
0x332: {  	v18 =	vld [tilespmem:s30+$0x60]  }
0x333: {  	[tilespmem:s21+$0xFFFFFF50] =	vst v16;
	v16 =	vld [tilespmem:s22+$0x60];
	v17 =	vmul.f32 v17, v4;
	v14 =	vadd.f32 v15, v14;
	v15 =	vmul.f32 v35, v3  }
0x334: {  	v19 =	vld [tilespmem:s30+$0xFFFFFF60]  }
0x335: {  	v20 =	vld [tilespmem:s22+$0xFFFFFF60];
	[tilespmem:s21+$0xFFFFFFD0] =	vst v14;
	v14 =	vadd.f32 v15, v17  }
0x336: {  	v15 =	vld [tilespmem:s0+$0xFFFFFFE0]  }
0x337: {  	[tilespmem:s21+$0xD0] =	vst v14;
	v14 =	vld [tilespmem:s22+$0xFFFFFFE0]  }
0x338: {  	v17 =	vmul.f32 v18, v8;
	v16 =	vmul.f32 v16, v9;
	v18 =	vld [tilespmem:s0+$0xE0]  }
0x339: {  	v36 =	vld [tilespmem:s22+$0xE0]  }
0x33a: {  	v19 =	vmul.f32 v19, v5;
	v20 =	vmul.f32 v20, v7;
	v16 =	vadd.f32 v16, v17;
	_ =	sdelay $0x1  }
0x33b: {  	v17 =	vld [tilespmem:s20+$0xF0];
	v19 =	vadd.f32 v20, v19;
	[tilespmem:s21+$0x60] =	vst v16;
	v15 =	vmul.f32 v15, v6;
	v14 =	vmul.f32 v14, v10  }
0x33c: {  	v16 =	vld [tilespmem:s0+$0x70]  }
0x33d: {  	[tilespmem:s21+$0xFFFFFF60] =	vst v19;
	v19 =	vld [tilespmem:s22+$0x70];
	v18 =	vmul.f32 v18, v4;
	v14 =	vadd.f32 v14, v15;
	v15 =	vmul.f32 v36, v3  }
0x33e: {  	v20 =	vld [tilespmem:s0+$0xFFFFFF70]  }
0x33f: {  	[tilespmem:s21+$0xFFFFFFE0] =	vst v14;
	v14 =	vld [tilespmem:s22+$0xFFFFFF70];
	v15 =	vadd.f32 v15, v18  }
0x340: {  	v18 =	vld [tilespmem:s0+$0xFFFFFFF0]  }
0x341: {  	[tilespmem:s21+$0xE0] =	vst v15;
	v15 =	vld [tilespmem:s22+$0xFFFFFFF0]  }
0x342: {  	v37 =	vld [tilespmem:s0+$0xF0]  }
0x343: {  	v2 =	vmul.f32 v13, v2;
	v13 =	vld [tilespmem:s22+$0xF0]  }
0x344: {  	v1 =	vmul.f32 v11, v1;
	v0 =	vmul.f32 v17, v0  }
0x345: {  	v2 =	vadd.f32 v2, v12;
	v8 =	vmul.f32 v16, v8;
	v9 =	vmul.f32 v19, v9  }
0x346: {  	v0 =	vadd.f32 v0, v1;
	v1 =	vmul.f32 v20, v5;
	v5 =	vmul.f32 v14, v7  }
0x347: {  	[tilespmem:s19+$0xFFFFFFF0] =	vst v2;
	v2 =	vadd.f32 v9, v8;
	v6 =	vmul.f32 v18, v6;
	v7 =	vmul.f32 v15, v10  }
0x348: {  	[tilespmem:s19+$0xF0] =	vst v0;
	v0 =	vadd.f32 v5, v1;
	v1 =	vmul.f32 v37, v4;
	v3 =	vmul.f32 v13, v3  }
0x349: {  	[tilespmem:s21+$0x70] =	vst v2;
	v2 =	vadd.f32 v7, v6  }
0x34a: {  	[tilespmem:s21+$0xFFFFFF70] =	vst v0;
	v0 =	vadd.f32 v3, v1  }
0x34b: {  	[tilespmem:s21+$0xFFFFFFF0] =	vst v2  }
0x34c: {  	s6 =	simm.s32 $0x10E00;
	[tilespmem:s21+$0xF0] =	vst v0  }
0x34d: {  	[hbm4b:s16+s4] =	stream.linear.scatter [tilespmem:s6], [sflag:$0x3], $0x4000, $0x38;
	[tilespmem:$0x18E00] =	vst v63  }
0x34e: {  	_ =	swait.ge [sflag:s31], $0x4000  }
0x34f: {  	[sflag:s31] =	ssyncset.done $0x0  }
0x350: {  	s19 =	simm.s32 $0x180;
	[sflag:s31] =	ssyncadd.s32 $0xFFFFC000  }
0x351: {  	s5 =	simm.s32 $0x183;
	v0 =	vmov s19;
	_ =	swait.ge [sflag:s31], $0x4000  }
0x352: {  	v2 =	vmov s5;
	v0 =	vand.u32 $0xFFFFFFFC, v0;
	[sflag:s31] =	ssyncset.done $0x0  }
0x353: {  	s20 =	simm.s32 $0x182;
	v3 =	vbroadcast v0, $0x0;
	[sflag:s31] =	ssyncadd.s32 $0xFFFFC000  }
0x354: {  	v0 =	vmov s20;
	_ =	swait.ge [sflag:s2], $0x4000  }
0x355: {  	v0 =	vand.u32 $0xFFFFFFFE, v0;
	[sflag:s2] =	ssyncset.done $0x0  }
0x356: {  	v4 =	vbroadcast v0, $0x0;
	[sflag:s2] =	ssyncadd.s32 $0xFFFFC000  }
0x357: {  	v1 =	vld.idx.msk [tilespmem:v2+s28+$0x0], $0xffff  }
0x358: {  	v0 =	vld.idx.msk [tilespmem:v2+s29+$0x0], $0xffff  }
0x359: {  	v11 =	vld.idx.msk [tilespmem:v3+s28+$0x0], $0xffff  }
0x35a: {  	s0 =	simm.s32 $0x4F00;
	v13 =	vld.idx.msk [tilespmem:v3+s29+$0x0], $0xffff  }
0x35b: {  	s21 =	simm.s32 $0x181;
	v3 =	vld [tilespmem:s0+$0x0]  }
0x35c: {  	v2 =	vmov s21;
	v14 =	vld.idx.msk [tilespmem:v4+s28+$0x0], $0xffff  }
0x35d: {  	s20 =	simm.s32 $0xCF00;
	v15 =	vld.idx.msk [tilespmem:v4+s29+$0x0], $0xffff;
	v2 =	vand.u32 $0xFFFFFFFD, v2  }
0x35e: {  	v4 =	vld [tilespmem:s20+$0x0];
	v2 =	vbroadcast v2, $0x0  }
0x35f: {  	v5 =	vld [tilespmem:s0+$0xFFFFFF00]  }
0x360: {  	v6 =	vld [tilespmem:s20+$0xFFFFFF00];
	_ =	sdelay $0x1  }
0x361: {  	v7 =	vld [tilespmem:s0+$0xFFFFFF80]  }
0x362: {  	v8 =	vld [tilespmem:s20+$0xFFFFFF80];
	v3 =	vmul.f32 v3, v14;
	v4 =	vmul.f32 v4, v15  }
0x363: {  	v12 =	vld.idx.msk [tilespmem:v2+s28+$0x0], $0xffff  }
0x364: {  	v5 =	vmul.f32 v5, v11;
	v6 =	vmul.f32 v6, v13;
	v3 =	vadd.f32 v4, v3;
	v2 =	vld.idx.msk [tilespmem:v2+s29+$0x0], $0xffff  }
0x365: {  	s19 =	simm.s32 $0x14F00;
	v9 =	vld [tilespmem:s20+$0x80]  }
0x366: {  	v4 =	vld [tilespmem:s0+$0x80];
	v5 =	vadd.f32 v6, v5;
	[tilespmem:s19+$0x0] =	vst v3  }
0x367: {  	v3 =	vld [tilespmem:s0+$0x10]  }
0x368: {  	[tilespmem:s19+$0xFFFFFF00] =	vst v5;
	v6 =	vmul.f32 v7, v12;
	v7 =	vld [tilespmem:s20+$0x10]  }
0x369: {  	v10 =	vld [tilespmem:s20+$0xFFFFFF10];
	v5 =	vmul.f32 v8, v2  }
0x36a: {  	v8 =	vld [tilespmem:s0+$0xFFFFFF10]  }
0x36b: {  	v4 =	vmul.f32 v4, v1;
	v5 =	vadd.f32 v5, v6;
	v6 =	vmul.f32 v9, v0;
	_ =	sdelay $0x1  }
0x36c: {  	v3 =	vmul.f32 v3, v14;
	[tilespmem:s19+$0xFFFFFF80] =	vst v5;
	v4 =	vadd.f32 v6, v4;
	v6 =	vmul.f32 v7, v15  }
0x36d: {  	v7 =	vld [tilespmem:s20+$0xFFFFFF90]  }
0x36e: {  	v5 =	vld [tilespmem:s0+$0xFFFFFF90];
	[tilespmem:s19+$0x80] =	vst v4;
	v4 =	vmul.f32 v8, v11;
	v8 =	vmul.f32 v10, v13;
	v3 =	vadd.f32 v6, v3  }
0x36f: {  	v6 =	vld [tilespmem:s0+$0x90]  }
0x370: {  	v9 =	vld [tilespmem:s20+$0x90];
	v4 =	vadd.f32 v8, v4;
	[tilespmem:s19+$0x10] =	vst v3  }
0x371: {  	v3 =	vld [tilespmem:s0+$0x20]  }
0x372: {  	[tilespmem:s19+$0xFFFFFF10] =	vst v4;
	v4 =	vmul.f32 v7, v2;
	v7 =	vld [tilespmem:s20+$0x20]  }
0x373: {  	v5 =	vmul.f32 v5, v12;
	v8 =	vld [tilespmem:s0+$0xFFFFFF20]  }
0x374: {  	v10 =	vld [tilespmem:s20+$0xFFFFFF20]  }
0x375: {  	v6 =	vmul.f32 v6, v1;
	v4 =	vadd.f32 v4, v5;
	v5 =	vmul.f32 v9, v0;
	_ =	sdelay $0x1  }
0x376: {  	[tilespmem:s19+$0xFFFFFF90] =	vst v4;
	v4 =	vadd.f32 v5, v6;
	v3 =	vmul.f32 v3, v14;
	v6 =	vmul.f32 v7, v15  }
0x377: {  	v7 =	vld [tilespmem:s20+$0xFFFFFFA0]  }
0x378: {  	v5 =	vld [tilespmem:s0+$0xFFFFFFA0];
	[tilespmem:s19+$0x90] =	vst v4;
	v4 =	vmul.f32 v8, v11;
	v8 =	vmul.f32 v10, v13;
	v3 =	vadd.f32 v6, v3  }
0x379: {  	v6 =	vld [tilespmem:s0+$0xA0]  }
0x37a: {  	v9 =	vld [tilespmem:s20+$0xA0];
	v4 =	vadd.f32 v8, v4;
	[tilespmem:s19+$0x20] =	vst v3  }
0x37b: {  	v3 =	vld [tilespmem:s0+$0x30]  }
0x37c: {  	[tilespmem:s19+$0xFFFFFF20] =	vst v4;
	v4 =	vmul.f32 v7, v2;
	v7 =	vld [tilespmem:s20+$0x30]  }
0x37d: {  	v5 =	vmul.f32 v5, v12;
	v8 =	vld [tilespmem:s0+$0xFFFFFF30]  }
0x37e: {  	v10 =	vld [tilespmem:s20+$0xFFFFFF30]  }
0x37f: {  	v6 =	vmul.f32 v6, v1;
	v4 =	vadd.f32 v4, v5;
	v5 =	vmul.f32 v9, v0  }
0x380: {  	s30 =	simm.s32 $0x5100  }
0x381: {  	v24 =	vld [tilespmem:s30+$0x0];
	[tilespmem:s19+$0xFFFFFFA0] =	vst v4;
	v4 =	vadd.f32 v5, v6;
	v3 =	vmul.f32 v3, v14;
	v6 =	vmul.f32 v7, v15  }
0x382: {  	v5 =	vld [tilespmem:s0+$0xFFFFFFB0]  }
0x383: {  	v7 =	vld [tilespmem:s20+$0xFFFFFFB0];
	[tilespmem:s19+$0xA0] =	vst v4;
	v4 =	vmul.f32 v8, v11;
	v8 =	vmul.f32 v10, v13;
	v3 =	vadd.f32 v6, v3  }
0x384: {  	s22 =	simm.s32 $0x187;
	v6 =	vld [tilespmem:s0+$0xB0]  }
0x385: {  	v10 =	vmov s22;
	v9 =	vld [tilespmem:s20+$0xB0];
	v4 =	vadd.f32 v8, v4;
	[tilespmem:s19+$0x30] =	vst v3  }
0x386: {  	v8 =	vld [tilespmem:s0+$0x40]  }
0x387: {  	v3 =	vmul.f32 v5, v12;
	[tilespmem:s19+$0xFFFFFF30] =	vst v4;
	v5 =	vld [tilespmem:s20+$0x40]  }
0x388: {  	v4 =	vmul.f32 v7, v2;
	v16 =	vld [tilespmem:s0+$0xFFFFFF40]  }
0x389: {  	v17 =	vld [tilespmem:s20+$0xFFFFFF40]  }
0x38a: {  	v6 =	vmul.f32 v6, v1;
	v18 =	vadd.f32 v4, v3;
	v9 =	vmul.f32 v9, v0;
	v4 =	vld.idx.msk [tilespmem:v10+s28+$0x0], $0xffff  }
0x38b: {  	v3 =	vld.idx.msk [tilespmem:v10+s29+$0x0], $0xffff  }
0x38c: {  	s6 =	simm.s32 $0x184;
	v26 =	vld [tilespmem:s30+$0xFFFFFF00];
	[tilespmem:s19+$0xFFFFFFB0] =	vst v18;
	v6 =	vadd.f32 v9, v6;
	v8 =	vmul.f32 v8, v14;
	v5 =	vmul.f32 v5, v15  }
0x38d: {  	s21 =	simm.s32 $0x185;
	v7 =	vmov s6;
	v9 =	vld [tilespmem:s0+$0xFFFFFFC0];
	v10 =	vmul.f32 v16, v11  }
0x38e: {  	v16 =	vld [tilespmem:s20+$0xFFFFFFC0];
	[tilespmem:s19+$0xB0] =	vst v6;
	v6 =	vmov s21;
	v17 =	vmul.f32 v17, v13;
	v8 =	vadd.f32 v5, v8  }
0x38f: {  	v7 =	vand.u32 $0xFFFFFFFC, v7;
	v18 =	vld [tilespmem:s0+$0xC0];
	v6 =	vand.u32 $0xFFFFFFFD, v6  }
0x390: {  	v7 =	vbroadcast v7, $0x0;
	v19 =	vld [tilespmem:s20+$0xC0];
	v20 =	vbroadcast v6, $0x0;
	v6 =	vadd.f32 v17, v10;
	[tilespmem:s19+$0x40] =	vst v8  }
0x391: {  	v8 =	vld [tilespmem:s0+$0x50]  }
0x392: {  	[tilespmem:s19+$0xFFFFFF40] =	vst v6;
	v10 =	vld [tilespmem:s20+$0x50]  }
0x393: {  	v9 =	vmul.f32 v9, v12;
	v6 =	vmul.f32 v16, v2;
	v16 =	vld [tilespmem:s0+$0xFFFFFF50]  }
0x394: {  	v17 =	vmul.f32 v18, v1;
	v18 =	vld [tilespmem:s20+$0xFFFFFF50]  }
0x395: {  	v27 =	vld [tilespmem:s30+$0xFFFFFF80];
	v19 =	vmul.f32 v19, v0;
	v9 =	vadd.f32 v6, v9  }
0x396: {  	v5 =	vld.idx.msk [tilespmem:v7+s28+$0x0], $0xffff  }
0x397: {  	v39 =	vld [tilespmem:s30+$0x80];
	[tilespmem:s19+$0xFFFFFFC0] =	vst v9;
	v9 =	vadd.f32 v19, v17;
	v8 =	vmul.f32 v8, v14;
	v10 =	vmul.f32 v10, v15  }
0x398: {  	s22 =	simm.s32 $0x186;
	v6 =	vld.idx.msk [tilespmem:v20+s28+$0x0], $0xffff;
	v16 =	vmul.f32 v16, v11  }
0x399: {  	v17 =	vld [tilespmem:s0+$0xFFFFFFD0];
	[tilespmem:s19+$0xC0] =	vst v9;
	v9 =	vmov s22;
	v18 =	vmul.f32 v18, v13;
	v8 =	vadd.f32 v10, v8  }
0x39a: {  	v19 =	vld [tilespmem:s20+$0xFFFFFFD0];
	v9 =	vand.u32 $0xFFFFFFFE, v9  }
0x39b: {  	v10 =	vld.idx.msk [tilespmem:v20+s29+$0x0], $0xffff;
	v9 =	vbroadcast v9, $0x0;
	v16 =	vadd.f32 v18, v16;
	[tilespmem:s19+$0x50] =	vst v8  }
0x39c: {  	v18 =	vld [tilespmem:s0+$0x60]  }
0x39d: {  	s22 =	simm.s32 $0xD100;
	[tilespmem:s19+$0xFFFFFF50] =	vst v16;
	v16 =	vld [tilespmem:s20+$0x60]  }
0x39e: {  	v25 =	vld [tilespmem:s22+$0x0]  }
0x39f: {  	v20 =	vld [tilespmem:s0+$0xFFFFFF60]  }
0x3a0: {  	v23 =	vld [tilespmem:s20+$0xFFFFFF60]  }
0x3a1: {  	v8 =	vld.idx.msk [tilespmem:v9+s28+$0x0], $0xffff  }
0x3a2: {  	v9 =	vld.idx.msk [tilespmem:v9+s29+$0x0], $0xffff;
	v18 =	vmul.f32 v18, v14;
	v16 =	vmul.f32 v16, v15  }
0x3a3: {  	v7 =	vld.idx.msk [tilespmem:v7+s29+$0x0], $0xffff  }
0x3a4: {  	v16 =	vadd.f32 v16, v18;
	v18 =	vld [tilespmem:s22+$0xFFFFFF00]  }
0x3a5: {  	v38 =	vld [tilespmem:s0+$0xD0];
	v20 =	vmul.f32 v20, v11;
	v23 =	vmul.f32 v23, v13  }
0x3a6: {  	v22 =	vld [tilespmem:s20+$0xD0];
	[tilespmem:s19+$0x60] =	vst v16;
	v16 =	vmul.f32 v17, v12;
	v17 =	vmul.f32 v19, v2  }
0x3a7: {  	v20 =	vadd.f32 v23, v20;
	v24 =	vmul.f32 v24, v8;
	v25 =	vmul.f32 v25, v9;
	v19 =	vld [tilespmem:s0+$0x70]  }
0x3a8: {  	v16 =	vadd.f32 v17, v16;
	v17 =	vld [tilespmem:s22+$0xFFFFFF80]  }
0x3a9: {  	v26 =	vmul.f32 v26, v5;
	v28 =	vld [tilespmem:s20+$0x70];
	[tilespmem:s19+$0xFFFFFF60] =	vst v20;
	v24 =	vadd.f32 v25, v24;
	v18 =	vmul.f32 v18, v7  }
0x3aa: {  	s21 =	simm.s32 $0x15100;
	[tilespmem:s19+$0xFFFFFFD0] =	vst v16;
	v16 =	vld [tilespmem:s22+$0x80]  }
0x3ab: {  	v55 =	vld [tilespmem:s0+$0xFFFFFF70];
	[tilespmem:s21+$0x0] =	vst v24;
	v18 =	vadd.f32 v18, v26  }
0x3ac: {  	v41 =	vld [tilespmem:s30+$0x10]  }
0x3ad: {  	v27 =	vmul.f32 v27, v6;
	[tilespmem:s21+$0xFFFFFF00] =	vst v18;
	v17 =	vmul.f32 v17, v10;
	v18 =	vld [tilespmem:s22+$0x10]  }
0x3ae: {  	v42 =	vld [tilespmem:s30+$0xFFFFFF10]  }
0x3af: {  	v25 =	vmul.f32 v39, v4;
	v29 =	vld [tilespmem:s22+$0xFFFFFF10];
	v17 =	vadd.f32 v17, v27;
	v16 =	vmul.f32 v16, v3  }
0x3b0: {  	v40 =	vld [tilespmem:s0+$0xFFFFFFE0]  }
0x3b1: {  	v21 =	vmul.f32 v38, v1;
	v22 =	vmul.f32 v22, v0;
	v43 =	vld [tilespmem:s20+$0xFFFFFFE0];
	[tilespmem:s21+$0xFFFFFF80] =	vst v17;
	v16 =	vadd.f32 v16, v25  }
0x3b2: {  	v26 =	vmul.f32 v41, v8;
	v44 =	vld [tilespmem:s30+$0xFFFFFF90];
	v18 =	vmul.f32 v18, v9  }
0x3b3: {  	v21 =	vadd.f32 v22, v21;
	v45 =	vld [tilespmem:s22+$0xFFFFFF90];
	[tilespmem:s21+$0x80] =	vst v16  }
0x3b4: {  	v16 =	vmul.f32 v42, v5;
	v46 =	vmul.f32 v29, v7;
	v18 =	vadd.f32 v18, v26;
	v47 =	vld [tilespmem:s30+$0x90]  }
0x3b5: {  	[tilespmem:s19+$0xD0] =	vst v21;
	v48 =	vld [tilespmem:s22+$0x90]  }
0x3b6: {  	v24 =	vmul.f32 v40, v12;
	v21 =	vmul.f32 v43, v2;
	v17 =	vld [tilespmem:s0+$0xE0];
	v16 =	vadd.f32 v46, v16;
	[tilespmem:s21+$0x10] =	vst v18  }
0x3b7: {  	v49 =	vld [tilespmem:s30+$0x20]  }
0x3b8: {  	v21 =	vadd.f32 v21, v24;
	v50 =	vmul.f32 v44, v6;
	[tilespmem:s21+$0xFFFFFF10] =	vst v16;
	v16 =	vmul.f32 v45, v10;
	v51 =	vld [tilespmem:s22+$0x20]  }
0x3b9: {  	v52 =	vld [tilespmem:s30+$0xFFFFFF20]  }
0x3ba: {  	[tilespmem:s19+$0xFFFFFFE0] =	vst v21;
	v53 =	vld [tilespmem:s22+$0xFFFFFF20];
	v20 =	vmul.f32 v47, v4;
	v16 =	vadd.f32 v16, v50;
	v54 =	vmul.f32 v48, v3  }
0x3bb: {  	v60 =	vld [tilespmem:s0+$0xFFFFFFF0]  }
0x3bc: {  	v18 =	vld [tilespmem:s20+$0xE0];
	[tilespmem:s21+$0xFFFFFF90] =	vst v16;
	v16 =	vadd.f32 v54, v20  }
0x3bd: {  	v56 =	vld [tilespmem:s30+$0xFFFFFFA0];
	v22 =	vmul.f32 v49, v8;
	v25 =	vmul.f32 v51, v9  }
0x3be: {  	[tilespmem:s21+$0x90] =	vst v16;
	v16 =	vld [tilespmem:s22+$0xFFFFFFA0]  }
0x3bf: {  	v57 =	vmul.f32 v52, v5;
	v26 =	vmul.f32 v53, v7;
	v22 =	vadd.f32 v25, v22;
	v58 =	vld [tilespmem:s30+$0xA0]  }
0x3c0: {  	v59 =	vld [tilespmem:s22+$0xA0]  }
0x3c1: {  	v20 =	vld [tilespmem:s20+$0xFFFFFF70];
	v24 =	vadd.f32 v26, v57;
	[tilespmem:s21+$0x20] =	vst v22  }
0x3c2: {  	v17 =	vmul.f32 v17, v1;
	v18 =	vmul.f32 v18, v0;
	v61 =	vld [tilespmem:s30+$0x30]  }
0x3c3: {  	v23 =	vmul.f32 v56, v6;
	[tilespmem:s21+$0xFFFFFF20] =	vst v24;
	v62 =	vld [tilespmem:s22+$0x30];
	v16 =	vmul.f32 v16, v10  }
0x3c4: {  	v14 =	vmul.f32 v19, v14;
	v15 =	vmul.f32 v28, v15;
	v17 =	vadd.f32 v18, v17;
	v18 =	vld [tilespmem:s30+$0xFFFFFF30]  }
0x3c5: {  	v63 =	vld [tilespmem:s22+$0xFFFFFF30];
	v19 =	vmul.f32 v58, v4;
	v21 =	vmul.f32 v59, v3;
	v16 =	vadd.f32 v16, v23  }
0x3c6: {  	v14 =	vadd.f32 v15, v14;
	v15 =	vmul.f32 v55, v11;
	[tilespmem:s19+$0xE0] =	vst v17;
	v17 =	vmul.f32 v20, v13;
	v13 =	vld [tilespmem:s20+$0xFFFFFFF0]  }
0x3c7: {  	v11 =	vld [tilespmem:s0+$0xF0];
	[tilespmem:s21+$0xFFFFFFA0] =	vst v16;
	v16 =	vadd.f32 v21, v19  }
0x3c8: {  	[tilespmem:s19+$0x70] =	vst v14;
	v17 =	vadd.f32 v17, v15;
	v19 =	vmul.f32 v61, v8;
	v20 =	vmul.f32 v62, v9;
	v14 =	vld [tilespmem:s30+$0xFFFFFFB0]  }
0x3c9: {  	v12 =	vmul.f32 v60, v12;
	v15 =	vld [tilespmem:s22+$0xFFFFFFB0];
	[tilespmem:s21+$0xA0] =	vst v16  }
0x3ca: {  	s5 =	simm.s32 $0x4;
	s0 =	simm.s32 $0x5100;
	[tilespmem:s19+$0xFFFFFF70] =	vst v17;
	v17 =	vmul.f32 v18, v5;
	v18 =	vmul.f32 v63, v7;
	v19 =	vadd.f32 v20, v19;
	v16 =	vld [tilespmem:s30+$0xB0]  }
.LBB2_10:
0x3cb: {  	s6 =	sadd.s32 $0x187, s5;
	v20 =	vld [tilespmem:s22+$0xB0];
	v13 =	vmul.f32 v13, v2;
	v2 =	vmov v10  }
0x3cc: {  	v10 =	vmov s6;
	v17 =	vadd.f32 v18, v17;
	[tilespmem:s21+$0x30] =	vst v19;
	v11 =	vmul.f32 v11, v1;
	v18 =	vld [tilespmem:s20+$0xF0];
	v1 =	vmovc v4;
	s20 =	smov.u32 s22  }
0x3cd: {  	v4 =	vmul.f32 v14, v6;
	v14 =	vld [tilespmem:s30+$0x40];
	v12 =	vadd.f32 v13, v12  }
0x3ce: {  	s6 =	sadd.s32 $0x184, s5;
	[tilespmem:s21+$0xFFFFFF30] =	vst v17;
	v13 =	vmul.f32 v15, v2;
	v15 =	vld [tilespmem:s22+$0x40]  }
0x3cf: {  	v17 =	vmov s6;
	v19 =	vld [tilespmem:s30+$0xFFFFFF40];
	v16 =	vmul.f32 v16, v1;
	[tilespmem:s19+$0xFFFFFFF0] =	vst v12  }
0x3d0: {  	v12 =	vand.u32 $0xFFFFFFFC, v17;
	v17 =	vld [tilespmem:s22+$0xFFFFFF40];
	v13 =	vadd.f32 v13, v4;
	v20 =	vmul.f32 v20, v3  }
0x3d1: {  	v21 =	vbroadcast v12, $0x0;
	v4 =	vld.idx.msk [tilespmem:v10+s28+$0x0], $0xffff;
	v12 =	vmul.f32 v18, v0;
	v0 =	vmov v3  }
0x3d2: {  	v3 =	vld.idx.msk [tilespmem:v10+s29+$0x0], $0xffff;
	[tilespmem:s21+$0xFFFFFFB0] =	vst v13;
	v10 =	vadd.f32 v20, v16  }
0x3d3: {  	v14 =	vmul.f32 v14, v8;
	v13 =	vld [tilespmem:s30+$0xFFFFFFC0];
	v15 =	vmul.f32 v15, v9;
	v11 =	vadd.f32 v12, v11  }
0x3d4: {  	s6 =	sadd.s32 $0x185, s5;
	v16 =	vmul.f32 v19, v5;
	v18 =	vld [tilespmem:s22+$0xFFFFFFC0];
	[tilespmem:s21+$0xB0] =	vst v10  }
0x3d5: {  	v10 =	vmov s6;
	v17 =	vmul.f32 v17, v7;
	v14 =	vadd.f32 v15, v14;
	v15 =	vld [tilespmem:s30+$0xC0];
	[tilespmem:s19+$0xF0] =	vst v11;
	s19 =	smov.u32 s21  }
0x3d6: {  	v10 =	vand.u32 $0xFFFFFFFD, v10;
	v11 =	vld [tilespmem:s22+$0xC0]  }
0x3d7: {  	v10 =	vbroadcast v10, $0x0;
	v12 =	vld.idx.msk [tilespmem:v21+s28+$0x0], $0xffff;
	v16 =	vadd.f32 v17, v16;
	[tilespmem:s21+$0x40] =	vst v14  }
0x3d8: {  	v13 =	vmul.f32 v13, v6;
	v14 =	vld [tilespmem:s30+$0x50]  }
0x3d9: {  	[tilespmem:s21+$0xFFFFFF40] =	vst v16;
	v16 =	vmul.f32 v18, v2;
	v17 =	vld [tilespmem:s22+$0x50]  }
0x3da: {  	v18 =	vld [tilespmem:s30+$0xFFFFFF50];
	v15 =	vmul.f32 v15, v1  }
0x3db: {  	v19 =	vld [tilespmem:s22+$0xFFFFFF50];
	v16 =	vadd.f32 v16, v13;
	v20 =	vmul.f32 v11, v0  }
0x3dc: {  	v13 =	vld.idx.msk [tilespmem:v21+s29+$0x0], $0xffff  }
0x3dd: {  	v11 =	vld.idx.msk [tilespmem:v10+s28+$0x0], $0xffff;
	[tilespmem:s21+$0xFFFFFFC0] =	vst v16;
	v15 =	vadd.f32 v20, v15  }
0x3de: {  	v14 =	vmul.f32 v14, v8;
	v16 =	vld [tilespmem:s30+$0xFFFFFFD0];
	v17 =	vmul.f32 v17, v9  }
0x3df: {  	s6 =	sadd.s32 $0x186, s5;
	v18 =	vmul.f32 v18, v5;
	v20 =	vld [tilespmem:s22+$0xFFFFFFD0];
	[tilespmem:s21+$0xC0] =	vst v15  }
0x3e0: {  	v15 =	vmov s6;
	v19 =	vmul.f32 v19, v7;
	v14 =	vadd.f32 v17, v14;
	v17 =	vld [tilespmem:s30+$0xD0]  }
0x3e1: {  	v15 =	vand.u32 $0xFFFFFFFE, v15;
	v21 =	vld [tilespmem:s22+$0xD0]  }
0x3e2: {  	v15 =	vbroadcast v15, $0x0;
	v10 =	vld.idx.msk [tilespmem:v10+s29+$0x0], $0xffff;
	v18 =	vadd.f32 v19, v18;
	[tilespmem:s21+$0x50] =	vst v14  }
0x3e3: {  	v14 =	vmul.f32 v16, v6;
	v16 =	vld [tilespmem:s30+$0x60]  }
0x3e4: {  	[tilespmem:s21+$0xFFFFFF50] =	vst v18;
	v18 =	vmul.f32 v20, v2;
	v19 =	vld [tilespmem:s22+$0x60]  }
0x3e5: {  	v20 =	vld [tilespmem:s30+$0xFFFFFF60];
	v17 =	vmul.f32 v17, v1  }
0x3e6: {  	s30 =	sadd.s32 $0x200, s30;
	v22 =	vld [tilespmem:s22+$0xFFFFFF60];
	v14 =	vadd.f32 v18, v14;
	v18 =	vmul.f32 v21, v0  }
0x3e7: {  	s5 =	sadd.s32 $0x4, s5;
	v21 =	vld [tilespmem:s30+$0x0]  }
0x3e8: {  	p0 =	slt.u32 s5, $0x7C;
	v23 =	vld.idx.msk [tilespmem:v15+s28+$0x0], $0xffff;
	[tilespmem:s21+$0xFFFFFFD0] =	vst v14;
	v14 =	vadd.f32 v18, v17  }
0x3e9: {  	s22 =	sadd.s32 $0x200, s22;
	v16 =	vmul.f32 v16, v8;
	v15 =	vld.idx.msk [tilespmem:v15+s29+$0x0], $0xffff;
	v17 =	vmul.f32 v19, v9  }
0x3ea: {  	v18 =	vld [tilespmem:s22+$0x0];
	v19 =	vmul.f32 v20, v5;
	[tilespmem:s21+$0xD0] =	vst v14  }
0x3eb: {  	v14 =	vld [tilespmem:s30+$0xFFFFFF00];
	v20 =	vmul.f32 v22, v7;
	v16 =	vadd.f32 v17, v16  }
0x3ec: {  	v17 =	vld [tilespmem:s22+$0xFFFFFF00]  }
0x3ed: {  	v22 =	vld [tilespmem:s30+$0xFFFFFF80];
	v19 =	vadd.f32 v20, v19;
	[tilespmem:s21+$0x60] =	vst v16  }
0x3ee: {  	v16 =	vld [tilespmem:s0+$0x70]  }
0x3ef: {  	v20 =	vmul.f32 v21, v23;
	v18 =	vmul.f32 v18, v15;
	[tilespmem:s21+$0xFFFFFF60] =	vst v19;
	v19 =	vld [tilespmem:s20+$0x70]  }
0x3f0: {  	v14 =	vmul.f32 v14, v12;
	v21 =	vld [tilespmem:s22+$0xFFFFFF80]  }
0x3f1: {  	v17 =	vmul.f32 v17, v13;
	v18 =	vadd.f32 v18, v20;
	v20 =	vld [tilespmem:s30+$0x80]  }
0x3f2: {  	s21 =	sadd.s32 $0x200, s21;
	v22 =	vmul.f32 v22, v11;
	v24 =	vld [tilespmem:s22+$0x80]  }
0x3f3: {  	v14 =	vadd.f32 v17, v14;
	[tilespmem:s21+$0x0] =	vst v18;
	v17 =	vld [tilespmem:s0+$0xFFFFFFE0]  }
0x3f4: {  	v16 =	vmul.f32 v16, v8;
	v8 =	vmovc v23;
	v18 =	vld [tilespmem:s30+$0x10];
	v19 =	vmul.f32 v19, v9;
	v9 =	vmov v15  }
0x3f5: {  	[tilespmem:s21+$0xFFFFFF00] =	vst v14;
	v14 =	vmul.f32 v21, v10;
	v15 =	vld [tilespmem:s22+$0x10]  }
0x3f6: {  	v21 =	vld [tilespmem:s30+$0xFFFFFF10];
	v20 =	vmul.f32 v20, v4;
	v16 =	vadd.f32 v19, v16  }
0x3f7: {  	v19 =	vld [tilespmem:s22+$0xFFFFFF10];
	v14 =	vadd.f32 v14, v22;
	v22 =	vmul.f32 v24, v3  }
0x3f8: {  	v17 =	vmul.f32 v17, v6;
	v23 =	vld [tilespmem:s20+$0xFFFFFFE0];
	[tilespmem:s19+$0x70] =	vst v16  }
0x3f9: {  	[tilespmem:s21+$0xFFFFFF80] =	vst v14;
	v14 =	vadd.f32 v22, v20;
	v16 =	vld [tilespmem:s0+$0xE0]  }
0x3fa: {  	v18 =	vmul.f32 v18, v8;
	v20 =	vld [tilespmem:s30+$0xFFFFFF90];
	v15 =	vmul.f32 v15, v9  }
0x3fb: {  	v21 =	vmul.f32 v21, v12;
	v22 =	vld [tilespmem:s22+$0xFFFFFF90];
	[tilespmem:s21+$0x80] =	vst v14  }
0x3fc: {  	v14 =	vmul.f32 v19, v13;
	v15 =	vadd.f32 v15, v18;
	v18 =	vld [tilespmem:s30+$0x90]  }
0x3fd: {  	v19 =	vld [tilespmem:s22+$0x90];
	v23 =	vmul.f32 v23, v2  }
0x3fe: {  	v14 =	vadd.f32 v14, v21;
	[tilespmem:s21+$0x10] =	vst v15;
	v15 =	vmul.f32 v16, v1;
	v16 =	vld [tilespmem:s20+$0xE0]  }
0x3ff: {  	v20 =	vmul.f32 v20, v11;
	v21 =	vld [tilespmem:s30+$0x20];
	v17 =	vadd.f32 v23, v17  }
0x400: {  	[tilespmem:s21+$0xFFFFFF10] =	vst v14;
	v14 =	vmul.f32 v22, v10;
	v22 =	vld [tilespmem:s22+$0x20]  }
0x401: {  	v23 =	vld [tilespmem:s30+$0xFFFFFF20];
	v18 =	vmul.f32 v18, v4;
	[tilespmem:s19+$0xFFFFFFE0] =	vst v17  }
0x402: {  	v17 =	vld [tilespmem:s22+$0xFFFFFF20];
	v14 =	vadd.f32 v14, v20;
	v19 =	vmul.f32 v19, v3  }
0x403: {  	v20 =	vld [tilespmem:s0+$0xFFFFFF70];
	v16 =	vmul.f32 v16, v0  }
0x404: {  	[tilespmem:s21+$0xFFFFFF90] =	vst v14;
	v14 =	vadd.f32 v19, v18;
	v18 =	vld [tilespmem:s20+$0xFFFFFF70]  }
0x405: {  	v21 =	vmul.f32 v21, v8;
	v19 =	vld [tilespmem:s30+$0xFFFFFFA0];
	v22 =	vmul.f32 v22, v9;
	v15 =	vadd.f32 v16, v15  }
0x406: {  	v16 =	vmul.f32 v23, v12;
	v23 =	vld [tilespmem:s22+$0xFFFFFFA0];
	[tilespmem:s21+$0x90] =	vst v14  }
0x407: {  	v14 =	vmul.f32 v17, v13;
	v17 =	vadd.f32 v22, v21;
	v21 =	vld [tilespmem:s30+$0xA0];
	[tilespmem:s19+$0xE0] =	vst v15  }
0x408: {  	v15 =	vld [tilespmem:s22+$0xA0];
	v20 =	vmul.f32 v20, v5;
	v5 =	vmov v12  }
0x409: {  	v12 =	vadd.f32 v14, v16;
	[tilespmem:s21+$0x20] =	vst v17;
	v14 =	vmul.f32 v18, v7;
	v16 =	vld [tilespmem:s0+$0xFFFFFFF0];
	v7 =	vmov v13  }
0x40a: {  	v13 =	vmul.f32 v19, v11;
	v17 =	vld [tilespmem:s30+$0x30]  }
0x40b: {  	[tilespmem:s21+$0xFFFFFF20] =	vst v12;
	v12 =	vmul.f32 v23, v10;
	v18 =	vld [tilespmem:s22+$0x30];
	v14 =	vadd.f32 v14, v20  }
0x40c: {  	v19 =	vld [tilespmem:s30+$0xFFFFFF30];
	v20 =	vmul.f32 v21, v4  }
0x40d: {  	v21 =	vld [tilespmem:s22+$0xFFFFFF30];
	v22 =	vadd.f32 v12, v13;
	v15 =	vmul.f32 v15, v3;
	[tilespmem:s19+$0xFFFFFF70] =	vst v14  }
.Ltmp4:
0x40e: {  	v12 =	vmul.f32 v16, v6;
	v13 =	vld [tilespmem:s20+$0xFFFFFFF0];
	v6 =	vmov v11;
	(pc) =	sbr.rel @p0 .LBB2_10-.Ltmp4, $4  }
0x40f: {  	[tilespmem:s21+$0xFFFFFFA0] =	vst v22;
	v16 =	vadd.f32 v15, v20;
	v11 =	vld [tilespmem:s0+$0xF0];
	s0 =	smov.u32 s30  }
0x410: {  	v20 =	vmul.f32 v17, v8;
	v14 =	vld [tilespmem:s30+$0xFFFFFFB0];
	v22 =	vmul.f32 v18, v9  }
0x411: {  	v17 =	vmul.f32 v19, v5;
	v15 =	vld [tilespmem:s22+$0xFFFFFFB0];
	[tilespmem:s21+$0xA0] =	vst v16  }
0x412: {  	v18 =	vmul.f32 v21, v7;
	v19 =	vadd.f32 v22, v20;
	v16 =	vld [tilespmem:s30+$0xB0]  }
0x413: {  	v20 =	vld [tilespmem:s22+$0xB0];
	_ =	sdelay $0x2  }
0x414: {  	v17 =	vadd.f32 v18, v17;
	[tilespmem:s21+$0x30] =	vst v19;
	v14 =	vmul.f32 v14, v6;
	v15 =	vmul.f32 v15, v10  }
0x415: {  	v44 =	vld [tilespmem:s30+$0x40]  }
0x416: {  	v45 =	vld [tilespmem:s22+$0x40];
	[tilespmem:s21+$0xFFFFFF30] =	vst v17;
	v16 =	vmul.f32 v16, v4;
	v14 =	vadd.f32 v15, v14;
	v46 =	vmul.f32 v20, v3  }
0x417: {  	v47 =	vld [tilespmem:s30+$0xFFFFFF40]  }
0x418: {  	v48 =	vld [tilespmem:s22+$0xFFFFFF40];
	[tilespmem:s21+$0xFFFFFFB0] =	vst v14;
	v49 =	vadd.f32 v46, v16  }
0x419: {  	v50 =	vld [tilespmem:s30+$0xFFFFFFC0]  }
0x41a: {  	v51 =	vld [tilespmem:s22+$0xFFFFFFC0];
	[tilespmem:s21+$0xB0] =	vst v49  }
0x41b: {  	v52 =	vmul.f32 v44, v8;
	v17 =	vmul.f32 v45, v9;
	v53 =	vld [tilespmem:s30+$0xC0]  }
0x41c: {  	v21 =	vld [tilespmem:s22+$0xC0]  }
0x41d: {  	v19 =	vmul.f32 v47, v5;
	v20 =	vmul.f32 v48, v7;
	v14 =	vadd.f32 v17, v52;
	_ =	sdelay $0x1  }
0x41e: {  	v54 =	vadd.f32 v20, v19;
	[tilespmem:s21+$0x40] =	vst v14;
	v55 =	vmul.f32 v50, v6;
	v56 =	vmul.f32 v51, v10  }
0x41f: {  	v57 =	vld [tilespmem:s30+$0x50]  }
0x420: {  	v58 =	vld [tilespmem:s22+$0x50];
	[tilespmem:s21+$0xFFFFFF40] =	vst v54;
	v18 =	vmul.f32 v53, v4;
	v14 =	vadd.f32 v56, v55;
	v59 =	vmul.f32 v21, v3  }
0x421: {  	v60 =	vld [tilespmem:s30+$0xFFFFFF50]  }
0x422: {  	v61 =	vld [tilespmem:s22+$0xFFFFFF50];
	[tilespmem:s21+$0xFFFFFFC0] =	vst v14;
	v62 =	vadd.f32 v59, v18  }
0x423: {  	v63 =	vld [tilespmem:s30+$0xFFFFFFD0]  }
0x424: {  	v24 =	vld [tilespmem:s22+$0xFFFFFFD0];
	[tilespmem:s21+$0xC0] =	vst v62  }
0x425: {  	v25 =	vmul.f32 v57, v8;
	v26 =	vmul.f32 v58, v9;
	v27 =	vld [tilespmem:s30+$0xD0]  }
0x426: {  	v28 =	vld [tilespmem:s22+$0xD0]  }
0x427: {  	v19 =	vmul.f32 v60, v5;
	v20 =	vmul.f32 v61, v7;
	v14 =	vadd.f32 v26, v25;
	_ =	sdelay $0x1  }
0x428: {  	v29 =	vadd.f32 v20, v19;
	[tilespmem:s21+$0x50] =	vst v14;
	v30 =	vmul.f32 v63, v6;
	v31 =	vmul.f32 v24, v10  }
0x429: {  	v32 =	vld [tilespmem:s30+$0x60]  }
0x42a: {  	v33 =	vld [tilespmem:s22+$0x60];
	[tilespmem:s21+$0xFFFFFF50] =	vst v29;
	v17 =	vmul.f32 v27, v4;
	v14 =	vadd.f32 v31, v30;
	v34 =	vmul.f32 v28, v3  }
0x42b: {  	v35 =	vld [tilespmem:s30+$0xFFFFFF60]  }
0x42c: {  	v36 =	vld [tilespmem:s22+$0xFFFFFF60];
	[tilespmem:s21+$0xFFFFFFD0] =	vst v14;
	v37 =	vadd.f32 v34, v17  }
0x42d: {  	v38 =	vld [tilespmem:s0+$0xFFFFFFE0]  }
0x42e: {  	v39 =	vld [tilespmem:s22+$0xFFFFFFE0];
	[tilespmem:s21+$0xD0] =	vst v37  }
0x42f: {  	v40 =	vmul.f32 v32, v8;
	v16 =	vmul.f32 v33, v9;
	v41 =	vld [tilespmem:s0+$0xE0]  }
0x430: {  	v42 =	vld [tilespmem:s22+$0xE0]  }
0x431: {  	v19 =	vmul.f32 v35, v5;
	v20 =	vmul.f32 v36, v7;
	v16 =	vadd.f32 v16, v40;
	_ =	sdelay $0x1  }
0x432: {  	v43 =	vld [tilespmem:s20+$0xF0];
	v19 =	vadd.f32 v20, v19;
	[tilespmem:s21+$0x60] =	vst v16;
	v15 =	vmul.f32 v38, v6;
	v14 =	vmul.f32 v39, v10  }
0x433: {  	v16 =	vld [tilespmem:s0+$0x70]  }
0x434: {  	v44 =	vld [tilespmem:s22+$0x70];
	[tilespmem:s21+$0xFFFFFF60] =	vst v19;
	v18 =	vmul.f32 v41, v4;
	v14 =	vadd.f32 v14, v15;
	v45 =	vmul.f32 v42, v3  }
0x435: {  	v46 =	vld [tilespmem:s0+$0xFFFFFF70]  }
0x436: {  	v47 =	vld [tilespmem:s22+$0xFFFFFF70];
	[tilespmem:s21+$0xFFFFFFE0] =	vst v14;
	v15 =	vadd.f32 v45, v18  }
0x437: {  	v48 =	vld [tilespmem:s0+$0xFFFFFFF0]  }
0x438: {  	v49 =	vld [tilespmem:s22+$0xFFFFFFF0];
	[tilespmem:s21+$0xE0] =	vst v15  }
0x439: {  	v50 =	vld [tilespmem:s0+$0xF0]  }
0x43a: {  	v2 =	vmul.f32 v13, v2;
	v51 =	vld [tilespmem:s22+$0xF0]  }
0x43b: {  	v1 =	vmul.f32 v11, v1;
	v0 =	vmul.f32 v43, v0  }
0x43c: {  	v2 =	vadd.f32 v2, v12;
	v52 =	vmul.f32 v16, v8;
	v53 =	vmul.f32 v44, v9  }
0x43d: {  	v0 =	vadd.f32 v0, v1;
	v54 =	vmul.f32 v46, v5;
	v55 =	vmul.f32 v47, v7  }
0x43e: {  	[tilespmem:s19+$0xFFFFFFF0] =	vst v2;
	v56 =	vadd.f32 v53, v52;
	v57 =	vmul.f32 v48, v6;
	v58 =	vmul.f32 v49, v10  }
0x43f: {  	[tilespmem:s19+$0xF0] =	vst v0;
	v59 =	vadd.f32 v55, v54;
	v60 =	vmul.f32 v50, v4;
	v61 =	vmul.f32 v51, v3  }
0x440: {  	[tilespmem:s21+$0x70] =	vst v56;
	v62 =	vadd.f32 v58, v57  }
0x441: {  	[tilespmem:s21+$0xFFFFFF70] =	vst v59;
	v63 =	vadd.f32 v61, v60  }
0x442: {  	[tilespmem:s21+$0xFFFFFFF0] =	vst v62  }
0x443: {  	s3 =	sadd.s32 $0x1, s3;
	s30 =	simm.s32 $0x14E00;
	[tilespmem:s21+$0xF0] =	vst v63  }
0x444: {  	[hbm4b:s17+s4] =	stream.linear.scatter [tilespmem:s30], [sflag:$0x4], $0x4000, $0x38;
	[tilespmem:$0x18E00] =	vst v63  }
0x445: {  	p0 =	sne.s32 s3, s18;
	_ =	swait.ge [sflag:s1], $0x4000  }
.Ltmp5:
0x446: {  	[sflag:s1] =	ssyncset.done $0x0;
	(pc) =	sbr.rel @p0 .LBB2_1-.Ltmp5, $4  }
0x447: {  	[sflag:s1] =	ssyncadd.s32 $0xFFFFC000  }
0x448: {  	_ =	swait.ge [sflag:s2], $0x4000  }
0x449: {  	[sflag:s2] =	ssyncset.done $0x0  }
0x44a: {  	[sflag:s2] =	ssyncadd.s32 $0xFFFFC000  }
0x44b: {  	_ =	sfence.sel $0x180000  }
0x44c: {  	[bflag:$0x0] =	sbarrier.arrive $0xFFFF  }
0x44d: {  	_ =	strace $0x90000047  }
0x44e: {  	s0 =	stileid.u32;
	[bflag:$0x2] =	sbarrier.arrive $0xFFFF  }
0x44f: {  	p0 =	sne.s32 s0, $0x0;
	s0 =	rddreg [dreg:$0x6]  }
0x450: {  	s0 =	sadd.s32 @!p0 $0x100000, s0  }
0x451: {  	[sflag:s0] =	ssyncadd.tile.s32 @!p0 $0x1;
	_ =	shalt  }
.Lfunc_end2:
_tile_overlayer_lowered:
.L_overlay_start_2:
0x452: {  	(tag) =	ssettag $0x2  }
0x453: {  	s0 =	rddreg [dreg:$0x0];
	s2 =	stileid.u32  }
0x454: {  	s1 =	rddreg [dreg:$0x1];
	p0 =	sne.s32 s2, $0x0  }
0x455: {  	s3 =	rddreg [dreg:$0x2];
	[bflag:$0x3] =	sbarrier.arrive $0xFFFF;
	s2 =	simm.s32 @!p0 $0x1C06  }
0x456: {  	[timem:s3], [sflag:s2] =	dma.local @!p0 [hbm:s0], s1  }
0x457: {  	s0 =	simm.s32 @!p0 $0x6  }
0x458: {  	_ =	swait.ge @!p0 [sflag:s0], s1  }
0x459: {  	s1 =	ssub.s32 @!p0 $0x0, s1;
	[sflag:s0] =	ssyncset.done @!p0 $0x0  }
0x45a: {  	[sflag:s0] =	ssyncadd.s32 @!p0 s1  }
0x45b: {  	[bflag:$0x3] =	sbarrier.arrive $0xFFFF  }
0x45c: {  	_ =	shalt  }

</sc_bundles>
